<compile_context>
chip_gen: v7x
topology: tpu7x:2x2x1
jax: 0.10.2.dev20260603
libtpu: 0.0.44.dev20260713+nightly
codegen_flags: <defaults>
</compile_context>

<pallas_src>
import functools

import numpy as np

import jax
import jax.numpy as jnp
from jax import lax
from jax.experimental import pallas as pl
from jax.experimental.pallas import tpu as pltpu
from jax.experimental.pallas import tpu_sc as plsc

_N = 10000
_E = 320000
_CHUNK = 128
_NC, _NS = 2, 16
_NW = _NC * _NS
_CPW = 80
_EPAD = _NW * _CPW * _CHUNK
_ACC_ROWS = 10240
_ROWS_PER_TILE = _ACC_ROWS // _NS


def _sc_segment_sum(z, src2d, dst2d, zeros, d):
    mesh = plsc.VectorSubcoreMesh(core_axis_name="c", subcore_axis_name="s")
    depth = 2 if d == 128 else 8
    stage = 40 if d == 128 else _CPW

    @functools.partial(
        pl.kernel,
        out_type=jax.ShapeDtypeStruct((_NC * _ACC_ROWS, d), jnp.bfloat16),
        mesh=mesh,
        scratch_types=[
            pltpu.VMEM((stage, _CHUNK), jnp.int32),
            pltpu.VMEM((stage, _CHUNK), jnp.int32),
            pltpu.VMEM((depth, _CHUNK, d), jnp.bfloat16),
            pltpu.VMEM_SHARED((_ACC_ROWS, d), jnp.bfloat16),
            pltpu.SemaphoreType.DMA((depth,)),
            pltpu.SemaphoreType.DMA((depth,)),
        ],
        compiler_params=pltpu.CompilerParams(use_tc_tiling_on_sc=False),
    )
    def k(z_hbm, src_hbm, dst_hbm, zeros_hbm, out_hbm, srcv, dstv,
          bufs, acc, gsem, ssem):
        c = lax.axis_index("c")
        s = lax.axis_index("s")
        wid = c * _NS + s
        rbase = s * _ROWS_PER_TILE
        cbase = wid * _CPW
        pltpu.sync_copy(zeros_hbm.at[pl.ds(rbase, _ROWS_PER_TILE)],
                        acc.at[pl.ds(rbase, _ROWS_PER_TILE)])
        plsc.subcore_barrier()

        def _gather(j, p):
            return pltpu.make_async_copy(z_hbm.at[srcv.at[j]], bufs.at[p],
                                         gsem.at[p])

        def _scat(j, p):
            return pltpu.make_async_copy(bufs.at[p], acc.at[dstv.at[j]],
                                         ssem.at[p])

        @pl.loop(0, _CPW, step=stage)
        def _(g0):
            pltpu.sync_copy(src_hbm.at[pl.ds(cbase + g0, stage)], srcv)
            pltpu.sync_copy(dst_hbm.at[pl.ds(cbase + g0, stage)], dstv)
            for p in range(depth):
                _gather(p, p).start()

            @pl.loop(0, stage, step=depth)
            def _(j0):
                for p in range(depth):
                    _gather(j0 + p, p).wait()
                    _scat(j0 + p, p).start(add=True)
                for p in range(depth):
                    _scat(j0 + p, p).wait()

                    @pl.when(j0 + p + depth < stage)
                    def _():
                        _gather(j0 + p + depth, p).start()

        plsc.subcore_barrier()
        pltpu.sync_copy(acc.at[pl.ds(rbase, _ROWS_PER_TILE)],
                        out_hbm.at[pl.ds(c * _ACC_ROWS + rbase, _ROWS_PER_TILE)])

    return k(z, src2d, dst2d, zeros)


_CPW2 = 2 * _CPW


def _sc_segment_sum_colsplit(z_cat, src2d2, dst2d, zeros):
    mesh = plsc.VectorSubcoreMesh(core_axis_name="c", subcore_axis_name="s")
    depth = 8
    stage = 80

    @functools.partial(
        pl.kernel,
        out_type=jax.ShapeDtypeStruct((_NC * _ACC_ROWS, 64), jnp.bfloat16),
        mesh=mesh,
        scratch_types=[
            pltpu.VMEM((stage, _CHUNK), jnp.int32),
            pltpu.VMEM((stage, _CHUNK), jnp.int32),
            pltpu.VMEM((depth, _CHUNK, 64), jnp.bfloat16),
            pltpu.VMEM_SHARED((_ACC_ROWS, 64), jnp.bfloat16),
            pltpu.SemaphoreType.DMA((depth,)),
            pltpu.SemaphoreType.DMA((depth,)),
        ],
        compiler_params=pltpu.CompilerParams(use_tc_tiling_on_sc=False),
    )
    def k(z_hbm, src_hbm, dst_hbm, zeros_hbm, out_hbm, srcv, dstv,
          bufs, acc, gsem, ssem):
        c = lax.axis_index("c")
        s = lax.axis_index("s")
        rbase = s * _ROWS_PER_TILE
        sbase = c * (_NW * _CPW) + s * _CPW2
        dbase = s * _CPW2
        pltpu.sync_copy(zeros_hbm.at[pl.ds(rbase, _ROWS_PER_TILE)],
                        acc.at[pl.ds(rbase, _ROWS_PER_TILE)])
        plsc.subcore_barrier()

        def _gather(j, p):
            return pltpu.make_async_copy(z_hbm.at[srcv.at[j]], bufs.at[p],
                                         gsem.at[p])

        def _scat(j, p):
            return pltpu.make_async_copy(bufs.at[p], acc.at[dstv.at[j]],
                                         ssem.at[p])

        @pl.loop(0, _CPW2, step=stage)
        def _(g0):
            pltpu.sync_copy(src_hbm.at[pl.ds(sbase + g0, stage)], srcv)
            pltpu.sync_copy(dst_hbm.at[pl.ds(dbase + g0, stage)], dstv)
            for p in range(depth):
                _gather(p, p).start()

            @pl.loop(0, stage, step=depth)
            def _(j0):
                for p in range(depth):
                    _gather(j0 + p, p).wait()
                    _scat(j0 + p, p).start(add=True)
                for p in range(depth):
                    _scat(j0 + p, p).wait()

                    @pl.when(j0 + p + depth < stage)
                    def _():
                        _gather(j0 + p + depth, p).start()

        plsc.subcore_barrier()
        pltpu.sync_copy(acc.at[pl.ds(rbase, _ROWS_PER_TILE)],
                        out_hbm.at[pl.ds(c * _ACC_ROWS + rbase, _ROWS_PER_TILE)])

    return k(z_cat, src2d2, dst2d, zeros)


_BLK = 1000


def _mlp1_body(scale_ref, x_ref, a0_ref, a1_ref, w1_ref, b1_ref, w2_ref,
               b2_ref, w3_ref, o_ref):
    agg = jnp.concatenate([a0_ref[...], a1_ref[...]], axis=1).astype(jnp.float32)
    u = x_ref[...] * scale_ref[0, 0] + agg
    t = jnp.maximum(
        jnp.dot(u, w1_ref[...], preferred_element_type=jnp.float32) + b1_ref[...], 0.0)
    h = jnp.maximum(
        jnp.dot(t, w2_ref[...], preferred_element_type=jnp.float32) + b2_ref[...], 0.0)
    o_ref[...] = jnp.dot(
        h, w3_ref[...], preferred_element_type=jnp.float32).astype(jnp.bfloat16)


def _tc_mlp1(x, a0, a1, scale, W1, b1, W2, b2, W3):
    grid = (_N // _BLK,)
    return pl.pallas_call(
        _mlp1_body,
        grid=grid,
        in_specs=[
            pl.BlockSpec(memory_space=pltpu.SMEM),
            pl.BlockSpec((_BLK, 128), lambda i: (i, 0)),
            pl.BlockSpec((_BLK, 64), lambda i: (i, 0)),
            pl.BlockSpec((_BLK, 64), lambda i: (i, 0)),
            pl.BlockSpec((128, 128), lambda i: (0, 0)),
            pl.BlockSpec((1, 128), lambda i: (0, 0)),
            pl.BlockSpec((128, 128), lambda i: (0, 0)),
            pl.BlockSpec((1, 128), lambda i: (0, 0)),
            pl.BlockSpec((128, 64), lambda i: (0, 0)),
        ],
        out_specs=pl.BlockSpec((_BLK, 64), lambda i: (i, 0)),
        out_shape=jax.ShapeDtypeStruct((_N, 64), jnp.bfloat16),
    )(scale, x, a0, a1, W1, b1, W2, b2, W3)


def _mlp2_body(scale_ref, z_ref, c0_ref, c1_ref, b3_ref, w4_ref, b4_ref, o_ref):
    v = jnp.maximum(
        z_ref[...].astype(jnp.float32) * scale_ref[0, 0]
        + c0_ref[...].astype(jnp.float32) + c1_ref[...].astype(jnp.float32)
        + b3_ref[...], 0.0)
    o_ref[...] = jnp.dot(v, w4_ref[...], preferred_element_type=jnp.float32) + b4_ref[...]


def _tc_mlp2(z2, c0, c1, scale, b3, W4, b4):
    grid = (_N // _BLK,)
    return pl.pallas_call(
        _mlp2_body,
        grid=grid,
        in_specs=[
            pl.BlockSpec(memory_space=pltpu.SMEM),
            pl.BlockSpec((_BLK, 64), lambda i: (i, 0)),
            pl.BlockSpec((_BLK, 64), lambda i: (i, 0)),
            pl.BlockSpec((_BLK, 64), lambda i: (i, 0)),
            pl.BlockSpec((1, 64), lambda i: (0, 0)),
            pl.BlockSpec((64, 64), lambda i: (0, 0)),
            pl.BlockSpec((1, 64), lambda i: (0, 0)),
        ],
        out_specs=pl.BlockSpec((_BLK, 64), lambda i: (i, 0)),
        out_shape=jax.ShapeDtypeStruct((_N, 64), jnp.float32),
    )(scale, z2, c0, c1, b3, W4, b4)


def kernel(x, edge_index, eps1, W1, b1, W2, b2, eps2, W3, b3, W4, b4):
    src = edge_index[0].astype(jnp.int32)
    dst = edge_index[1].astype(jnp.int32)
    pad = _EPAD - _E
    pad_src = jnp.asarray(np.arange(pad, dtype=np.int32) % _N)
    pad_dst = jnp.asarray(_N + (np.arange(pad, dtype=np.int32) % (_ACC_ROWS - _N)))
    src2d = jnp.concatenate([src, pad_src]).reshape(-1, _CHUNK)
    dst2d = jnp.concatenate([dst, pad_dst]).reshape(-1, _CHUNK)
    zeros64 = jnp.zeros((_ACC_ROWS, 64), jnp.bfloat16)

    x_cat = jnp.concatenate([x[:, :64], x[:, 64:]], axis=0).astype(jnp.bfloat16)
    src2d2 = jnp.concatenate([src2d, src2d + _N], axis=0)
    agg1 = _sc_segment_sum_colsplit(x_cat, src2d2, dst2d, zeros64)
    a0 = agg1[0:_N]
    a1 = agg1[_ACC_ROWS:_ACC_ROWS + _N]
    scale1 = jnp.reshape(1.0 + eps1, (1, 1))
    z2 = _tc_mlp1(x, a0, a1, scale1, W1, b1.reshape(1, 128), W2,
                  b2.reshape(1, 128), W3)

    agg2 = _sc_segment_sum(z2, src2d, dst2d, zeros64, 64)
    c0 = agg2[0:_N]
    c1 = agg2[_ACC_ROWS:_ACC_ROWS + _N]
    scale2 = jnp.reshape(1.0 + eps2, (1, 1))
    return _tc_mlp2(z2, c0, c1, scale2, b3.reshape(1, 64), W4, b4.reshape(1, 64))

# --- scband reference (transcript-rebuilt; emitter-appended) ---
"""Pipeline reference for scband-gin-15925738733670 (READ-ONLY COPY).

The authoritative reference and input builder live on the scoring server;
editing this copy changes nothing except your own understanding.
"""

import jax, jax.numpy as jnp
import numpy as np

N_NODES = 10000
N_EDGES = 320000
D_IN = 128
D_H = 128
D_OUT = 64


def setup_inputs(seed: int = 0) -> dict:
    key = jax.random.key(seed)
    ks = jax.random.split(key, 12)
    x = jax.random.normal(ks[0], (N_NODES, D_IN), dtype=jnp.float32)
    edge_index = jax.random.randint(ks[1], (2, N_EDGES), 0, N_NODES, dtype=jnp.int64)
    s1 = 1.0 / np.sqrt(D_IN)
    s2 = 1.0 / np.sqrt(D_H)
    W1 = jax.random.uniform(ks[2], (D_IN, D_H), jnp.float32, -s1, s1)
    b1 = jax.random.uniform(ks[3], (D_H,), jnp.float32, -s1, s1)
    W2 = jax.random.uniform(ks[4], (D_H, D_H), jnp.float32, -s2, s2)
    b2 = jax.random.uniform(ks[5], (D_H,), jnp.float32, -s2, s2)
    W3 = jax.random.uniform(ks[6], (D_H, D_OUT), jnp.float32, -s2, s2)
    b3 = jax.random.uniform(ks[7], (D_OUT,), jnp.float32, -s2, s2)
    s3 = 1.0 / np.sqrt(D_OUT)
    W4 = jax.random.uniform(ks[8], (D_OUT, D_OUT), jnp.float32, -s3, s3)
    b4 = jax.random.uniform(ks[9], (D_OUT,), jnp.float32, -s3, s3)
    eps1 = jnp.zeros((), dtype=jnp.float32)
    eps2 = jnp.zeros((), dtype=jnp.float32)
    return {"x": x, "edge_index": edge_index, "eps1": eps1, "W1": W1, "b1": b1,
            "W2": W2, "b2": b2, "eps2": eps2, "W3": W3, "b3": b3, "W4": W4, "b4": b4}


def _gin_conv(x, src, dst, eps, Wa, ba, Wb, bb, n_nodes):
    # message: neighbor features gathered along src, sum-aggregated at dst
    msgs = jnp.take(x, src, axis=0)
    agg = jax.ops.segment_sum(msgs, dst, num_segments=n_nodes)
    h = (1.0 + eps) * x + agg
    h = jax.nn.relu(h @ Wa + ba)
    return h @ Wb + bb


def reference(x, edge_index, eps1, W1, b1, W2, b2, eps2, W3, b3, W4, b4):
    src = edge_index[0]
    dst = edge_index[1]
    # layer 1 (GINConv with 2-layer MLP) + inter-layer ReLU (dropout is identity in eval)
    h = _gin_conv(x, src, dst, eps1, W1, b1, W2, b2, N_NODES)
    h = jax.nn.relu(h)
    # layer 2 (output layer, no activation after)
    out = _gin_conv(h, src, dst, eps2, W3, b3, W4, b4, N_NODES)
    return out

if __name__ == "__main__":
    import jax
    _d = setup_inputs()
    print(jax.jit(kernel)(*tuple(_d.values())))

</pallas_src>

<mosaic_0001>
#map = affine_map<(d0, d1) -> (0, 0)>
module attributes {stable_mosaic.version = 14 : i64} {
  func.func @k(%arg0: i32, %arg1: i32, %arg2: memref<20000x64xbf16, #tpu.memory_space<hbm>>, %arg3: memref<5120x128xi32, #tpu.memory_space<hbm>>, %arg4: memref<2560x128xi32, #tpu.memory_space<hbm>>, %arg5: memref<10240x64xbf16, #tpu.memory_space<hbm>>, %arg6: memref<20480x64xbf16, #tpu.memory_space<hbm>>, %arg7: memref<80x128xi32, #tpu.memory_space<vmem>>, %arg8: memref<80x128xi32, #tpu.memory_space<vmem>>, %arg9: memref<8x128x64xbf16, #tpu.memory_space<vmem>>, %arg10: memref<10240x64xbf16, #tpu.memory_space<vmem_shared>>, %arg11: memref<8x!tpu.dma_semaphore, #tpu.memory_space<semaphore_mem>>, %arg12: memref<8x!tpu.dma_semaphore, #tpu.memory_space<semaphore_mem>>) attributes {dimension_semantics = [#tpu.dimension_semantics<core_parallel>, #tpu.dimension_semantics<subcore_parallel>], iteration_bounds = array<i64: 2, 16>, scalar_prefetch = 0 : i64, scratch_operands = 6 : i64, tpu.core_type = #tpu.core_type<sc_vector_subcore>, window_params = [{transform_indices = #map}, {transform_indices = #map}, {transform_indices = #map}, {transform_indices = #map}, {transform_indices = #map}]} {
    %mul3A = arith.constant 640 : i32
    %mul3A_0 = arith.muli %arg1, %mul3A : i32
    %mul3A_1 = arith.constant 2560 : i32
    %mul3A_2 = arith.muli %arg0, %mul3A_1 : i32
    %mul3A_3 = arith.constant 160 : i32
    %mul3A_4 = arith.muli %arg1, %mul3A_3 : i32
    %add3A = arith.addi %mul3A_2, %mul3A_4 : i32
    %mul3A_5 = arith.constant 160 : i32
    %mul3A_6 = arith.muli %arg1, %mul3A_5 : i32
    "tpu.region"() ({
      %run_scoped3A = tpu.sem_alloc : memref<!tpu.dma_semaphore, #tpu.memory_space<semaphore_mem>>
      %dma_start3A = arith.constant 0 : i32
      %dma_start3A_15 = tpu.memref_slice %arg10[%mul3A_0, %dma_start3A] : memref<10240x64xbf16, #tpu.memory_space<vmem_shared>> -> memref<640x64xbf16, #tpu.memory_space<vmem_shared>>
      %dma_start3A_16 = arith.constant 0 : i32
      %dma_start3A_17 = tpu.memref_slice %arg5[%mul3A_0, %dma_start3A_16] : memref<10240x64xbf16, #tpu.memory_space<hbm>> -> memref<640x64xbf16, #tpu.memory_space<hbm>>
      tpu.enqueue_dma source(%dma_start3A_17 : memref<640x64xbf16, #tpu.memory_space<hbm>>) target(%dma_start3A_15 : memref<640x64xbf16, #tpu.memory_space<vmem_shared>>) target_semaphore(%run_scoped3A : memref<!tpu.dma_semaphore, #tpu.memory_space<semaphore_mem>>)
      %dma_wait3A = arith.constant 0 : i32
      %dma_wait3A_18 = tpu.memref_slice %arg10[%mul3A_0, %dma_wait3A] : memref<10240x64xbf16, #tpu.memory_space<vmem_shared>> -> memref<640x64xbf16, #tpu.memory_space<vmem_shared>>
      %dma_wait3A_19 = arith.constant 0 : i32
      %dma_wait3A_20 = tpu.memref_slice %arg5[%mul3A_0, %dma_wait3A_19] : memref<10240x64xbf16, #tpu.memory_space<hbm>> -> memref<640x64xbf16, #tpu.memory_space<hbm>>
      tpu.wait_dma2 semaphore(%run_scoped3A : memref<!tpu.dma_semaphore, #tpu.memory_space<semaphore_mem>>) src(%dma_wait3A_20 : memref<640x64xbf16, #tpu.memory_space<hbm>>) dst(%dma_wait3A_18 : memref<640x64xbf16, #tpu.memory_space<vmem_shared>>)
      tpu.yield
    }) : () -> ()
    %barrier3A = arith.constant 0 : index
    tpu.barrier barrier_id(%barrier3A)
    %scan3A = arith.constant 0 : i32
    %scan3A_7 = arith.constant 2 : i32
    %scan3A_8 = arith.addi %scan3A, %scan3A_7 : i32
    %scan3A_9 = arith.constant 1 : i32
    scf.for %scan3A_15 = %scan3A to %scan3A_8 step %scan3A_9  : i32 {
      %mul3A_16 = arith.constant 80 : i32
      %mul3A_17 = arith.muli %scan3A_15, %mul3A_16 : i32
      %add3A_18 = arith.constant 0 : i32
      %add3A_19 = arith.addi %add3A_18, %mul3A_17 : i32
      %add3A_20 = arith.addi %add3A, %add3A_19 : i32
      "tpu.region"() ({
        %run_scoped3A = tpu.sem_alloc : memref<!tpu.dma_semaphore, #tpu.memory_space<semaphore_mem>>
        %dma_start3A_146 = arith.constant 0 : i32
        %dma_start3A_147 = tpu.memref_slice %arg3[%add3A_20, %dma_start3A_146] : memref<5120x128xi32, #tpu.memory_space<hbm>> -> memref<80x128xi32, #tpu.memory_space<hbm>>
        %dma_start3A_148 = arith.constant 0 : i32
        %dma_start3A_149 = tpu.memref_slice %arg3[%add3A_20, %dma_start3A_148] : memref<5120x128xi32, #tpu.memory_space<hbm>> -> memref<80x128xi32, #tpu.memory_space<hbm>>
        tpu.enqueue_dma source(%dma_start3A_149 : memref<80x128xi32, #tpu.memory_space<hbm>>) target(%arg7 : memref<80x128xi32, #tpu.memory_space<vmem>>) target_semaphore(%run_scoped3A : memref<!tpu.dma_semaphore, #tpu.memory_space<semaphore_mem>>)
        %dma_wait3A = arith.constant 0 : i32
        %dma_wait3A_150 = tpu.memref_slice %arg3[%add3A_20, %dma_wait3A] : memref<5120x128xi32, #tpu.memory_space<hbm>> -> memref<80x128xi32, #tpu.memory_space<hbm>>
        %dma_wait3A_151 = arith.constant 0 : i32
        %dma_wait3A_152 = tpu.memref_slice %arg3[%add3A_20, %dma_wait3A_151] : memref<5120x128xi32, #tpu.memory_space<hbm>> -> memref<80x128xi32, #tpu.memory_space<hbm>>
        tpu.wait_dma2 semaphore(%run_scoped3A : memref<!tpu.dma_semaphore, #tpu.memory_space<semaphore_mem>>) src(%dma_wait3A_152 : memref<80x128xi32, #tpu.memory_space<hbm>>) dst(%arg7 : memref<80x128xi32, #tpu.memory_space<vmem>>)
        tpu.yield
      }) : () -> ()
      %add3A_21 = arith.addi %mul3A_6, %add3A_19 : i32
      "tpu.region"() ({
        %run_scoped3A = tpu.sem_alloc : memref<!tpu.dma_semaphore, #tpu.memory_space<semaphore_mem>>
        %dma_start3A_146 = arith.constant 0 : i32
        %dma_start3A_147 = tpu.memref_slice %arg4[%add3A_21, %dma_start3A_146] : memref<2560x128xi32, #tpu.memory_space<hbm>> -> memref<80x128xi32, #tpu.memory_space<hbm>>
        %dma_start3A_148 = arith.constant 0 : i32
        %dma_start3A_149 = tpu.memref_slice %arg4[%add3A_21, %dma_start3A_148] : memref<2560x128xi32, #tpu.memory_space<hbm>> -> memref<80x128xi32, #tpu.memory_space<hbm>>
        tpu.enqueue_dma source(%dma_start3A_149 : memref<80x128xi32, #tpu.memory_space<hbm>>) target(%arg8 : memref<80x128xi32, #tpu.memory_space<vmem>>) target_semaphore(%run_scoped3A : memref<!tpu.dma_semaphore, #tpu.memory_space<semaphore_mem>>)
        %dma_wait3A = arith.constant 0 : i32
        %dma_wait3A_150 = tpu.memref_slice %arg4[%add3A_21, %dma_wait3A] : memref<2560x128xi32, #tpu.memory_space<hbm>> -> memref<80x128xi32, #tpu.memory_space<hbm>>
        %dma_wait3A_151 = arith.constant 0 : i32
        %dma_wait3A_152 = tpu.memref_slice %arg4[%add3A_21, %dma_wait3A_151] : memref<2560x128xi32, #tpu.memory_space<hbm>> -> memref<80x128xi32, #tpu.memory_space<hbm>>
        tpu.wait_dma2 semaphore(%run_scoped3A : memref<!tpu.dma_semaphore, #tpu.memory_space<semaphore_mem>>) src(%dma_wait3A_152 : memref<80x128xi32, #tpu.memory_space<hbm>>) dst(%arg8 : memref<80x128xi32, #tpu.memory_space<vmem>>)
        tpu.yield
      }) : () -> ()
      %dma_start3A = arith.constant 0 : i32
      %dma_start3A_22 = arith.constant 0 : i32
      %dma_start3A_23 = arith.constant 0 : i32
      %dma_start3A_24 = arith.constant 0 : i32
      %dma_start3A_25 = arith.constant 0 : i32
      %dma_start3A_26 = tpu.memref_slice %arg9[%dma_start3A_22, %dma_start3A_24, %dma_start3A_25] : memref<8x128x64xbf16, #tpu.memory_space<vmem>> -> memref<1x128x64xbf16, #tpu.memory_space<vmem>>
      %dma_start3A_27 = tpu.memref_squeeze %dma_start3A_26 : memref<1x128x64xbf16, #tpu.memory_space<vmem>> -> memref<128x64xbf16, #tpu.memory_space<vmem>>
      %dma_start3A_28 = arith.constant 0 : i32
      %dma_start3A_29 = tpu.memref_slice %arg7[%dma_start3A, %dma_start3A_28] : memref<80x128xi32, #tpu.memory_space<vmem>> -> memref<1x128xi32, #tpu.memory_space<vmem>>
      %dma_start3A_30 = tpu.memref_squeeze %dma_start3A_29 : memref<1x128xi32, #tpu.memory_space<vmem>> -> memref<128xi32, #tpu.memory_space<vmem>>
      %dma_start3A_31 = arith.constant 0 : i32
      %dma_start3A_32 = arith.constant 0 : i32
      %dma_start3A_33 = tpu.memref_slice %arg2[%dma_start3A_31, %dma_start3A_32] : memref<20000x64xbf16, #tpu.memory_space<hbm>> -> memref<20000x64xbf16, #tpu.memory_space<hbm>>
      %dma_start3A_34 = tpu.memref_slice %arg11[%dma_start3A_23] : memref<8x!tpu.dma_semaphore, #tpu.memory_space<semaphore_mem>> -> memref<1x!tpu.dma_semaphore, #tpu.memory_space<semaphore_mem>>
      %dma_start3A_35 = tpu.memref_squeeze %dma_start3A_34 : memref<1x!tpu.dma_semaphore, #tpu.memory_space<semaphore_mem>> -> memref<!tpu.dma_semaphore, #tpu.memory_space<semaphore_mem>>
      tpu.enqueue_indirect_dma source(%dma_start3A_33 : memref<20000x64xbf16, #tpu.memory_space<hbm>>) target(%dma_start3A_27 : memref<128x64xbf16, #tpu.memory_space<vmem>>) offsets(%dma_start3A_30 : memref<128xi32, #tpu.memory_space<vmem>>) semaphore(%dma_start3A_35 : memref<!tpu.dma_semaphore, #tpu.memory_space<semaphore_mem>>)
      %dma_start3A_36 = arith.constant 1 : i32
      %dma_start3A_37 = arith.constant 1 : i32
      %dma_start3A_38 = arith.constant 1 : i32
      %dma_start3A_39 = arith.constant 0 : i32
      %dma_start3A_40 = arith.constant 0 : i32
      %dma_start3A_41 = tpu.memref_slice %arg9[%dma_start3A_37, %dma_start3A_39, %dma_start3A_40] : memref<8x128x64xbf16, #tpu.memory_space<vmem>> -> memref<1x128x64xbf16, #tpu.memory_space<vmem>>
      %dma_start3A_42 = tpu.memref_squeeze %dma_start3A_41 : memref<1x128x64xbf16, #tpu.memory_space<vmem>> -> memref<128x64xbf16, #tpu.memory_space<vmem>>
      %dma_start3A_43 = arith.constant 0 : i32
      %dma_start3A_44 = tpu.memref_slice %arg7[%dma_start3A_36, %dma_start3A_43] : memref<80x128xi32, #tpu.memory_space<vmem>> -> memref<1x128xi32, #tpu.memory_space<vmem>>
      %dma_start3A_45 = tpu.memref_squeeze %dma_start3A_44 : memref<1x128xi32, #tpu.memory_space<vmem>> -> memref<128xi32, #tpu.memory_space<vmem>>
      %dma_start3A_46 = arith.constant 0 : i32
      %dma_start3A_47 = arith.constant 0 : i32
      %dma_start3A_48 = tpu.memref_slice %arg2[%dma_start3A_46, %dma_start3A_47] : memref<20000x64xbf16, #tpu.memory_space<hbm>> -> memref<20000x64xbf16, #tpu.memory_space<hbm>>
      %dma_start3A_49 = tpu.memref_slice %arg11[%dma_start3A_38] : memref<8x!tpu.dma_semaphore, #tpu.memory_space<semaphore_mem>> -> memref<1x!tpu.dma_semaphore, #tpu.memory_space<semaphore_mem>>
      %dma_start3A_50 = tpu.memref_squeeze %dma_start3A_49 : memref<1x!tpu.dma_semaphore, #tpu.memory_space<semaphore_mem>> -> memref<!tpu.dma_semaphore, #tpu.memory_space<semaphore_mem>>
      tpu.enqueue_indirect_dma source(%dma_start3A_48 : memref<20000x64xbf16, #tpu.memory_space<hbm>>) target(%dma_start3A_42 : memref<128x64xbf16, #tpu.memory_space<vmem>>) offsets(%dma_start3A_45 : memref<128xi32, #tpu.memory_space<vmem>>) semaphore(%dma_start3A_50 : memref<!tpu.dma_semaphore, #tpu.memory_space<semaphore_mem>>)
      %dma_start3A_51 = arith.constant 2 : i32
      %dma_start3A_52 = arith.constant 2 : i32
      %dma_start3A_53 = arith.constant 2 : i32
      %dma_start3A_54 = arith.constant 0 : i32
      %dma_start3A_55 = arith.constant 0 : i32
      %dma_start3A_56 = tpu.memref_slice %arg9[%dma_start3A_52, %dma_start3A_54, %dma_start3A_55] : memref<8x128x64xbf16, #tpu.memory_space<vmem>> -> memref<1x128x64xbf16, #tpu.memory_space<vmem>>
      %dma_start3A_57 = tpu.memref_squeeze %dma_start3A_56 : memref<1x128x64xbf16, #tpu.memory_space<vmem>> -> memref<128x64xbf16, #tpu.memory_space<vmem>>
      %dma_start3A_58 = arith.constant 0 : i32
      %dma_start3A_59 = tpu.memref_slice %arg7[%dma_start3A_51, %dma_start3A_58] : memref<80x128xi32, #tpu.memory_space<vmem>> -> memref<1x128xi32, #tpu.memory_space<vmem>>
      %dma_start3A_60 = tpu.memref_squeeze %dma_start3A_59 : memref<1x128xi32, #tpu.memory_space<vmem>> -> memref<128xi32, #tpu.memory_space<vmem>>
      %dma_start3A_61 = arith.constant 0 : i32
      %dma_start3A_62 = arith.constant 0 : i32
      %dma_start3A_63 = tpu.memref_slice %arg2[%dma_start3A_61, %dma_start3A_62] : memref<20000x64xbf16, #tpu.memory_space<hbm>> -> memref<20000x64xbf16, #tpu.memory_space<hbm>>
      %dma_start3A_64 = tpu.memref_slice %arg11[%dma_start3A_53] : memref<8x!tpu.dma_semaphore, #tpu.memory_space<semaphore_mem>> -> memref<1x!tpu.dma_semaphore, #tpu.memory_space<semaphore_mem>>
      %dma_start3A_65 = tpu.memref_squeeze %dma_start3A_64 : memref<1x!tpu.dma_semaphore, #tpu.memory_space<semaphore_mem>> -> memref<!tpu.dma_semaphore, #tpu.memory_space<semaphore_mem>>
      tpu.enqueue_indirect_dma source(%dma_start3A_63 : memref<20000x64xbf16, #tpu.memory_space<hbm>>) target(%dma_start3A_57 : memref<128x64xbf16, #tpu.memory_space<vmem>>) offsets(%dma_start3A_60 : memref<128xi32, #tpu.memory_space<vmem>>) semaphore(%dma_start3A_65 : memref<!tpu.dma_semaphore, #tpu.memory_space<semaphore_mem>>)
      %dma_start3A_66 = arith.constant 3 : i32
      %dma_start3A_67 = arith.constant 3 : i32
      %dma_start3A_68 = arith.constant 3 : i32
      %dma_start3A_69 = arith.constant 0 : i32
      %dma_start3A_70 = arith.constant 0 : i32
      %dma_start3A_71 = tpu.memref_slice %arg9[%dma_start3A_67, %dma_start3A_69, %dma_start3A_70] : memref<8x128x64xbf16, #tpu.memory_space<vmem>> -> memref<1x128x64xbf16, #tpu.memory_space<vmem>>
      %dma_start3A_72 = tpu.memref_squeeze %dma_start3A_71 : memref<1x128x64xbf16, #tpu.memory_space<vmem>> -> memref<128x64xbf16, #tpu.memory_space<vmem>>
      %dma_start3A_73 = arith.constant 0 : i32
      %dma_start3A_74 = tpu.memref_slice %arg7[%dma_start3A_66, %dma_start3A_73] : memref<80x128xi32, #tpu.memory_space<vmem>> -> memref<1x128xi32, #tpu.memory_space<vmem>>
      %dma_start3A_75 = tpu.memref_squeeze %dma_start3A_74 : memref<1x128xi32, #tpu.memory_space<vmem>> -> memref<128xi32, #tpu.memory_space<vmem>>
      %dma_start3A_76 = arith.constant 0 : i32
      %dma_start3A_77 = arith.constant 0 : i32
      %dma_start3A_78 = tpu.memref_slice %arg2[%dma_start3A_76, %dma_start3A_77] : memref<20000x64xbf16, #tpu.memory_space<hbm>> -> memref<20000x64xbf16, #tpu.memory_space<hbm>>
      %dma_start3A_79 = tpu.memref_slice %arg11[%dma_start3A_68] : memref<8x!tpu.dma_semaphore, #tpu.memory_space<semaphore_mem>> -> memref<1x!tpu.dma_semaphore, #tpu.memory_space<semaphore_mem>>
      %dma_start3A_80 = tpu.memref_squeeze %dma_start3A_79 : memref<1x!tpu.dma_semaphore, #tpu.memory_space<semaphore_mem>> -> memref<!tpu.dma_semaphore, #tpu.memory_space<semaphore_mem>>
      tpu.enqueue_indirect_dma source(%dma_start3A_78 : memref<20000x64xbf16, #tpu.memory_space<hbm>>) target(%dma_start3A_72 : memref<128x64xbf16, #tpu.memory_space<vmem>>) offsets(%dma_start3A_75 : memref<128xi32, #tpu.memory_space<vmem>>) semaphore(%dma_start3A_80 : memref<!tpu.dma_semaphore, #tpu.memory_space<semaphore_mem>>)
      %dma_start3A_81 = arith.constant 4 : i32
      %dma_start3A_82 = arith.constant 4 : i32
      %dma_start3A_83 = arith.constant 4 : i32
      %dma_start3A_84 = arith.constant 0 : i32
      %dma_start3A_85 = arith.constant 0 : i32
      %dma_start3A_86 = tpu.memref_slice %arg9[%dma_start3A_82, %dma_start3A_84, %dma_start3A_85] : memref<8x128x64xbf16, #tpu.memory_space<vmem>> -> memref<1x128x64xbf16, #tpu.memory_space<vmem>>
      %dma_start3A_87 = tpu.memref_squeeze %dma_start3A_86 : memref<1x128x64xbf16, #tpu.memory_space<vmem>> -> memref<128x64xbf16, #tpu.memory_space<vmem>>
      %dma_start3A_88 = arith.constant 0 : i32
      %dma_start3A_89 = tpu.memref_slice %arg7[%dma_start3A_81, %dma_start3A_88] : memref<80x128xi32, #tpu.memory_space<vmem>> -> memref<1x128xi32, #tpu.memory_space<vmem>>
      %dma_start3A_90 = tpu.memref_squeeze %dma_start3A_89 : memref<1x128xi32, #tpu.memory_space<vmem>> -> memref<128xi32, #tpu.memory_space<vmem>>
      %dma_start3A_91 = arith.constant 0 : i32
      %dma_start3A_92 = arith.constant 0 : i32
      %dma_start3A_93 = tpu.memref_slice %arg2[%dma_start3A_91, %dma_start3A_92] : memref<20000x64xbf16, #tpu.memory_space<hbm>> -> memref<20000x64xbf16, #tpu.memory_space<hbm>>
      %dma_start3A_94 = tpu.memref_slice %arg11[%dma_start3A_83] : memref<8x!tpu.dma_semaphore, #tpu.memory_space<semaphore_mem>> -> memref<1x!tpu.dma_semaphore, #tpu.memory_space<semaphore_mem>>
      %dma_start3A_95 = tpu.memref_squeeze %dma_start3A_94 : memref<1x!tpu.dma_semaphore, #tpu.memory_space<semaphore_mem>> -> memref<!tpu.dma_semaphore, #tpu.memory_space<semaphore_mem>>
      tpu.enqueue_indirect_dma source(%dma_start3A_93 : memref<20000x64xbf16, #tpu.memory_space<hbm>>) target(%dma_start3A_87 : memref<128x64xbf16, #tpu.memory_space<vmem>>) offsets(%dma_start3A_90 : memref<128xi32, #tpu.memory_space<vmem>>) semaphore(%dma_start3A_95 : memref<!tpu.dma_semaphore, #tpu.memory_space<semaphore_mem>>)
      %dma_start3A_96 = arith.constant 5 : i32
      %dma_start3A_97 = arith.constant 5 : i32
      %dma_start3A_98 = arith.constant 5 : i32
      %dma_start3A_99 = arith.constant 0 : i32
      %dma_start3A_100 = arith.constant 0 : i32
      %dma_start3A_101 = tpu.memref_slice %arg9[%dma_start3A_97, %dma_start3A_99, %dma_start3A_100] : memref<8x128x64xbf16, #tpu.memory_space<vmem>> -> memref<1x128x64xbf16, #tpu.memory_space<vmem>>
      %dma_start3A_102 = tpu.memref_squeeze %dma_start3A_101 : memref<1x128x64xbf16, #tpu.memory_space<vmem>> -> memref<128x64xbf16, #tpu.memory_space<vmem>>
      %dma_start3A_103 = arith.constant 0 : i32
      %dma_start3A_104 = tpu.memref_slice %arg7[%dma_start3A_96, %dma_start3A_103] : memref<80x128xi32, #tpu.memory_space<vmem>> -> memref<1x128xi32, #tpu.memory_space<vmem>>
      %dma_start3A_105 = tpu.memref_squeeze %dma_start3A_104 : memref<1x128xi32, #tpu.memory_space<vmem>> -> memref<128xi32, #tpu.memory_space<vmem>>
      %dma_start3A_106 = arith.constant 0 : i32
      %dma_start3A_107 = arith.constant 0 : i32
      %dma_start3A_108 = tpu.memref_slice %arg2[%dma_start3A_106, %dma_start3A_107] : memref<20000x64xbf16, #tpu.memory_space<hbm>> -> memref<20000x64xbf16, #tpu.memory_space<hbm>>
      %dma_start3A_109 = tpu.memref_slice %arg11[%dma_start3A_98] : memref<8x!tpu.dma_semaphore, #tpu.memory_space<semaphore_mem>> -> memref<1x!tpu.dma_semaphore, #tpu.memory_space<semaphore_mem>>
      %dma_start3A_110 = tpu.memref_squeeze %dma_start3A_109 : memref<1x!tpu.dma_semaphore, #tpu.memory_space<semaphore_mem>> -> memref<!tpu.dma_semaphore, #tpu.memory_space<semaphore_mem>>
      tpu.enqueue_indirect_dma source(%dma_start3A_108 : memref<20000x64xbf16, #tpu.memory_space<hbm>>) target(%dma_start3A_102 : memref<128x64xbf16, #tpu.memory_space<vmem>>) offsets(%dma_start3A_105 : memref<128xi32, #tpu.memory_space<vmem>>) semaphore(%dma_start3A_110 : memref<!tpu.dma_semaphore, #tpu.memory_space<semaphore_mem>>)
      %dma_start3A_111 = arith.constant 6 : i32
      %dma_start3A_112 = arith.constant 6 : i32
      %dma_start3A_113 = arith.constant 6 : i32
      %dma_start3A_114 = arith.constant 0 : i32
      %dma_start3A_115 = arith.constant 0 : i32
      %dma_start3A_116 = tpu.memref_slice %arg9[%dma_start3A_112, %dma_start3A_114, %dma_start3A_115] : memref<8x128x64xbf16, #tpu.memory_space<vmem>> -> memref<1x128x64xbf16, #tpu.memory_space<vmem>>
      %dma_start3A_117 = tpu.memref_squeeze %dma_start3A_116 : memref<1x128x64xbf16, #tpu.memory_space<vmem>> -> memref<128x64xbf16, #tpu.memory_space<vmem>>
      %dma_start3A_118 = arith.constant 0 : i32
      %dma_start3A_119 = tpu.memref_slice %arg7[%dma_start3A_111, %dma_start3A_118] : memref<80x128xi32, #tpu.memory_space<vmem>> -> memref<1x128xi32, #tpu.memory_space<vmem>>
      %dma_start3A_120 = tpu.memref_squeeze %dma_start3A_119 : memref<1x128xi32, #tpu.memory_space<vmem>> -> memref<128xi32, #tpu.memory_space<vmem>>
      %dma_start3A_121 = arith.constant 0 : i32
      %dma_start3A_122 = arith.constant 0 : i32
      %dma_start3A_123 = tpu.memref_slice %arg2[%dma_start3A_121, %dma_start3A_122] : memref<20000x64xbf16, #tpu.memory_space<hbm>> -> memref<20000x64xbf16, #tpu.memory_space<hbm>>
      %dma_start3A_124 = tpu.memref_slice %arg11[%dma_start3A_113] : memref<8x!tpu.dma_semaphore, #tpu.memory_space<semaphore_mem>> -> memref<1x!tpu.dma_semaphore, #tpu.memory_space<semaphore_mem>>
      %dma_start3A_125 = tpu.memref_squeeze %dma_start3A_124 : memref<1x!tpu.dma_semaphore, #tpu.memory_space<semaphore_mem>> -> memref<!tpu.dma_semaphore, #tpu.memory_space<semaphore_mem>>
      tpu.enqueue_indirect_dma source(%dma_start3A_123 : memref<20000x64xbf16, #tpu.memory_space<hbm>>) target(%dma_start3A_117 : memref<128x64xbf16, #tpu.memory_space<vmem>>) offsets(%dma_start3A_120 : memref<128xi32, #tpu.memory_space<vmem>>) semaphore(%dma_start3A_125 : memref<!tpu.dma_semaphore, #tpu.memory_space<semaphore_mem>>)
      %dma_start3A_126 = arith.constant 7 : i32
      %dma_start3A_127 = arith.constant 7 : i32
      %dma_start3A_128 = arith.constant 7 : i32
      %dma_start3A_129 = arith.constant 0 : i32
      %dma_start3A_130 = arith.constant 0 : i32
      %dma_start3A_131 = tpu.memref_slice %arg9[%dma_start3A_127, %dma_start3A_129, %dma_start3A_130] : memref<8x128x64xbf16, #tpu.memory_space<vmem>> -> memref<1x128x64xbf16, #tpu.memory_space<vmem>>
      %dma_start3A_132 = tpu.memref_squeeze %dma_start3A_131 : memref<1x128x64xbf16, #tpu.memory_space<vmem>> -> memref<128x64xbf16, #tpu.memory_space<vmem>>
      %dma_start3A_133 = arith.constant 0 : i32
      %dma_start3A_134 = tpu.memref_slice %arg7[%dma_start3A_126, %dma_start3A_133] : memref<80x128xi32, #tpu.memory_space<vmem>> -> memref<1x128xi32, #tpu.memory_space<vmem>>
      %dma_start3A_135 = tpu.memref_squeeze %dma_start3A_134 : memref<1x128xi32, #tpu.memory_space<vmem>> -> memref<128xi32, #tpu.memory_space<vmem>>
      %dma_start3A_136 = arith.constant 0 : i32
      %dma_start3A_137 = arith.constant 0 : i32
      %dma_start3A_138 = tpu.memref_slice %arg2[%dma_start3A_136, %dma_start3A_137] : memref<20000x64xbf16, #tpu.memory_space<hbm>> -> memref<20000x64xbf16, #tpu.memory_space<hbm>>
      %dma_start3A_139 = tpu.memref_slice %arg11[%dma_start3A_128] : memref<8x!tpu.dma_semaphore, #tpu.memory_space<semaphore_mem>> -> memref<1x!tpu.dma_semaphore, #tpu.memory_space<semaphore_mem>>
      %dma_start3A_140 = tpu.memref_squeeze %dma_start3A_139 : memref<1x!tpu.dma_semaphore, #tpu.memory_space<semaphore_mem>> -> memref<!tpu.dma_semaphore, #tpu.memory_space<semaphore_mem>>
      tpu.enqueue_indirect_dma source(%dma_start3A_138 : memref<20000x64xbf16, #tpu.memory_space<hbm>>) target(%dma_start3A_132 : memref<128x64xbf16, #tpu.memory_space<vmem>>) offsets(%dma_start3A_135 : memref<128xi32, #tpu.memory_space<vmem>>) semaphore(%dma_start3A_140 : memref<!tpu.dma_semaphore, #tpu.memory_space<semaphore_mem>>)
      %scan3A_141 = arith.constant 0 : i32
      %scan3A_142 = arith.constant 10 : i32
      %scan3A_143 = arith.addi %scan3A_141, %scan3A_142 : i32
      %scan3A_144 = arith.constant 1 : i32
      scf.for %scan3A_146 = %scan3A_141 to %scan3A_143 step %scan3A_144  : i32 {
        %mul3A_147 = arith.constant 8 : i32
        %mul3A_148 = arith.muli %scan3A_146, %mul3A_147 : i32
        %add3A_149 = arith.constant 0 : i32
        %add3A_150 = arith.addi %add3A_149, %mul3A_148 : i32
        %add3A_151 = arith.constant 0 : i32
        %add3A_152 = arith.addi %add3A_150, %add3A_151 : i32
        %dma_wait3A = arith.constant 0 : i32
        %dma_wait3A_153 = arith.constant 0 : i32
        %dma_wait3A_154 = arith.constant 0 : i32
        %dma_wait3A_155 = arith.constant 0 : i32
        %dma_wait3A_156 = tpu.memref_slice %arg9[%dma_wait3A, %dma_wait3A_154, %dma_wait3A_155] : memref<8x128x64xbf16, #tpu.memory_space<vmem>> -> memref<1x128x64xbf16, #tpu.memory_space<vmem>>
        %dma_wait3A_157 = tpu.memref_squeeze %dma_wait3A_156 : memref<1x128x64xbf16, #tpu.memory_space<vmem>> -> memref<128x64xbf16, #tpu.memory_space<vmem>>
        %dma_wait3A_158 = arith.constant 0 : i32
        %dma_wait3A_159 = tpu.memref_slice %arg7[%add3A_152, %dma_wait3A_158] : memref<80x128xi32, #tpu.memory_space<vmem>> -> memref<1x128xi32, #tpu.memory_space<vmem>>
        %dma_wait3A_160 = tpu.memref_squeeze %dma_wait3A_159 : memref<1x128xi32, #tpu.memory_space<vmem>> -> memref<128xi32, #tpu.memory_space<vmem>>
        %dma_wait3A_161 = arith.constant 0 : i32
        %dma_wait3A_162 = arith.constant 0 : i32
        %dma_wait3A_163 = tpu.memref_slice %arg2[%dma_wait3A_161, %dma_wait3A_162] : memref<20000x64xbf16, #tpu.memory_space<hbm>> -> memref<20000x64xbf16, #tpu.memory_space<hbm>>
        %dma_wait3A_164 = tpu.memref_slice %arg11[%dma_wait3A_153] : memref<8x!tpu.dma_semaphore, #tpu.memory_space<semaphore_mem>> -> memref<1x!tpu.dma_semaphore, #tpu.memory_space<semaphore_mem>>
        %dma_wait3A_165 = tpu.memref_squeeze %dma_wait3A_164 : memref<1x!tpu.dma_semaphore, #tpu.memory_space<semaphore_mem>> -> memref<!tpu.dma_semaphore, #tpu.memory_space<semaphore_mem>>
        tpu.wait_indirect_dma semaphore(%dma_wait3A_165 : memref<!tpu.dma_semaphore, #tpu.memory_space<semaphore_mem>>) src(%dma_wait3A_163 : memref<20000x64xbf16, #tpu.memory_space<hbm>>) dst(%dma_wait3A_157 : memref<128x64xbf16, #tpu.memory_space<vmem>>)
        %add3A_166 = arith.constant 0 : i32
        %add3A_167 = arith.addi %add3A_150, %add3A_166 : i32
        %dma_start3A_168 = arith.constant 0 : i32
        %dma_start3A_169 = arith.constant 0 : i32
        %dma_start3A_170 = arith.constant 0 : i32
        %dma_start3A_171 = arith.constant 0 : i32
        %dma_start3A_172 = tpu.memref_slice %arg9[%dma_start3A_168, %dma_start3A_170, %dma_start3A_171] : memref<8x128x64xbf16, #tpu.memory_space<vmem>> -> memref<1x128x64xbf16, #tpu.memory_space<vmem>>
        %dma_start3A_173 = tpu.memref_squeeze %dma_start3A_172 : memref<1x128x64xbf16, #tpu.memory_space<vmem>> -> memref<128x64xbf16, #tpu.memory_space<vmem>>
        %dma_start3A_174 = arith.constant 0 : i32
        %dma_start3A_175 = tpu.memref_slice %arg8[%add3A_167, %dma_start3A_174] : memref<80x128xi32, #tpu.memory_space<vmem>> -> memref<1x128xi32, #tpu.memory_space<vmem>>
        %dma_start3A_176 = tpu.memref_squeeze %dma_start3A_175 : memref<1x128xi32, #tpu.memory_space<vmem>> -> memref<128xi32, #tpu.memory_space<vmem>>
        %dma_start3A_177 = arith.constant 0 : i32
        %dma_start3A_178 = arith.constant 0 : i32
        %dma_start3A_179 = tpu.memref_slice %arg10[%dma_start3A_177, %dma_start3A_178] : memref<10240x64xbf16, #tpu.memory_space<vmem_shared>> -> memref<10240x64xbf16, #tpu.memory_space<vmem_shared>>
        %dma_start3A_180 = tpu.memref_slice %arg12[%dma_start3A_169] : memref<8x!tpu.dma_semaphore, #tpu.memory_space<semaphore_mem>> -> memref<1x!tpu.dma_semaphore, #tpu.memory_space<semaphore_mem>>
        %dma_start3A_181 = tpu.memref_squeeze %dma_start3A_180 : memref<1x!tpu.dma_semaphore, #tpu.memory_space<semaphore_mem>> -> memref<!tpu.dma_semaphore, #tpu.memory_space<semaphore_mem>>
        tpu.enqueue_indirect_dma source(%dma_start3A_173 : memref<128x64xbf16, #tpu.memory_space<vmem>>) target(%dma_start3A_179 : memref<10240x64xbf16, #tpu.memory_space<vmem_shared>>) offsets(%dma_start3A_176 : memref<128xi32, #tpu.memory_space<vmem>>) semaphore(%dma_start3A_181 : memref<!tpu.dma_semaphore, #tpu.memory_space<semaphore_mem>>) {add = true}
        %add3A_182 = arith.constant 1 : i32
        %add3A_183 = arith.addi %add3A_150, %add3A_182 : i32
        %dma_wait3A_184 = arith.constant 1 : i32
        %dma_wait3A_185 = arith.constant 1 : i32
        %dma_wait3A_186 = arith.constant 0 : i32
        %dma_wait3A_187 = arith.constant 0 : i32
        %dma_wait3A_188 = tpu.memref_slice %arg9[%dma_wait3A_184, %dma_wait3A_186, %dma_wait3A_187] : memref<8x128x64xbf16, #tpu.memory_space<vmem>> -> memref<1x128x64xbf16, #tpu.memory_space<vmem>>
        %dma_wait3A_189 = tpu.memref_squeeze %dma_wait3A_188 : memref<1x128x64xbf16, #tpu.memory_space<vmem>> -> memref<128x64xbf16, #tpu.memory_space<vmem>>
        %dma_wait3A_190 = arith.constant 0 : i32
        %dma_wait3A_191 = tpu.memref_slice %arg7[%add3A_183, %dma_wait3A_190] : memref<80x128xi32, #tpu.memory_space<vmem>> -> memref<1x128xi32, #tpu.memory_space<vmem>>
        %dma_wait3A_192 = tpu.memref_squeeze %dma_wait3A_191 : memref<1x128xi32, #tpu.memory_space<vmem>> -> memref<128xi32, #tpu.memory_space<vmem>>
        %dma_wait3A_193 = arith.constant 0 : i32
        %dma_wait3A_194 = arith.constant 0 : i32
        %dma_wait3A_195 = tpu.memref_slice %arg2[%dma_wait3A_193, %dma_wait3A_194] : memref<20000x64xbf16, #tpu.memory_space<hbm>> -> memref<20000x64xbf16, #tpu.memory_space<hbm>>
        %dma_wait3A_196 = tpu.memref_slice %arg11[%dma_wait3A_185] : memref<8x!tpu.dma_semaphore, #tpu.memory_space<semaphore_mem>> -> memref<1x!tpu.dma_semaphore, #tpu.memory_space<semaphore_mem>>
        %dma_wait3A_197 = tpu.memref_squeeze %dma_wait3A_196 : memref<1x!tpu.dma_semaphore, #tpu.memory_space<semaphore_mem>> -> memref<!tpu.dma_semaphore, #tpu.memory_space<semaphore_mem>>
        tpu.wait_indirect_dma semaphore(%dma_wait3A_197 : memref<!tpu.dma_semaphore, #tpu.memory_space<semaphore_mem>>) src(%dma_wait3A_195 : memref<20000x64xbf16, #tpu.memory_space<hbm>>) dst(%dma_wait3A_189 : memref<128x64xbf16, #tpu.memory_space<vmem>>)
        %add3A_198 = arith.constant 1 : i32
        %add3A_199 = arith.addi %add3A_150, %add3A_198 : i32
        %dma_start3A_200 = arith.constant 1 : i32
        %dma_start3A_201 = arith.constant 1 : i32
        %dma_start3A_202 = arith.constant 0 : i32
        %dma_start3A_203 = arith.constant 0 : i32
        %dma_start3A_204 = tpu.memref_slice %arg9[%dma_start3A_200, %dma_start3A_202, %dma_start3A_203] : memref<8x128x64xbf16, #tpu.memory_space<vmem>> -> memref<1x128x64xbf16, #tpu.memory_space<vmem>>
        %dma_start3A_205 = tpu.memref_squeeze %dma_start3A_204 : memref<1x128x64xbf16, #tpu.memory_space<vmem>> -> memref<128x64xbf16, #tpu.memory_space<vmem>>
        %dma_start3A_206 = arith.constant 0 : i32
        %dma_start3A_207 = tpu.memref_slice %arg8[%add3A_199, %dma_start3A_206] : memref<80x128xi32, #tpu.memory_space<vmem>> -> memref<1x128xi32, #tpu.memory_space<vmem>>
        %dma_start3A_208 = tpu.memref_squeeze %dma_start3A_207 : memref<1x128xi32, #tpu.memory_space<vmem>> -> memref<128xi32, #tpu.memory_space<vmem>>
        %dma_start3A_209 = arith.constant 0 : i32
        %dma_start3A_210 = arith.constant 0 : i32
        %dma_start3A_211 = tpu.memref_slice %arg10[%dma_start3A_209, %dma_start3A_210] : memref<10240x64xbf16, #tpu.memory_space<vmem_shared>> -> memref<10240x64xbf16, #tpu.memory_space<vmem_shared>>
        %dma_start3A_212 = tpu.memref_slice %arg12[%dma_start3A_201] : memref<8x!tpu.dma_semaphore, #tpu.memory_space<semaphore_mem>> -> memref<1x!tpu.dma_semaphore, #tpu.memory_space<semaphore_mem>>
        %dma_start3A_213 = tpu.memref_squeeze %dma_start3A_212 : memref<1x!tpu.dma_semaphore, #tpu.memory_space<semaphore_mem>> -> memref<!tpu.dma_semaphore, #tpu.memory_space<semaphore_mem>>
        tpu.enqueue_indirect_dma source(%dma_start3A_205 : memref<128x64xbf16, #tpu.memory_space<vmem>>) target(%dma_start3A_211 : memref<10240x64xbf16, #tpu.memory_space<vmem_shared>>) offsets(%dma_start3A_208 : memref<128xi32, #tpu.memory_space<vmem>>) semaphore(%dma_start3A_213 : memref<!tpu.dma_semaphore, #tpu.memory_space<semaphore_mem>>) {add = true}
        %add3A_214 = arith.constant 2 : i32
        %add3A_215 = arith.addi %add3A_150, %add3A_214 : i32
        %dma_wait3A_216 = arith.constant 2 : i32
        %dma_wait3A_217 = arith.constant 2 : i32
        %dma_wait3A_218 = arith.constant 0 : i32
        %dma_wait3A_219 = arith.constant 0 : i32
        %dma_wait3A_220 = tpu.memref_slice %arg9[%dma_wait3A_216, %dma_wait3A_218, %dma_wait3A_219] : memref<8x128x64xbf16, #tpu.memory_space<vmem>> -> memref<1x128x64xbf16, #tpu.memory_space<vmem>>
        %dma_wait3A_221 = tpu.memref_squeeze %dma_wait3A_220 : memref<1x128x64xbf16, #tpu.memory_space<vmem>> -> memref<128x64xbf16, #tpu.memory_space<vmem>>
        %dma_wait3A_222 = arith.constant 0 : i32
        %dma_wait3A_223 = tpu.memref_slice %arg7[%add3A_215, %dma_wait3A_222] : memref<80x128xi32, #tpu.memory_space<vmem>> -> memref<1x128xi32, #tpu.memory_space<vmem>>
        %dma_wait3A_224 = tpu.memref_squeeze %dma_wait3A_223 : memref<1x128xi32, #tpu.memory_space<vmem>> -> memref<128xi32, #tpu.memory_space<vmem>>
        %dma_wait3A_225 = arith.constant 0 : i32
        %dma_wait3A_226 = arith.constant 0 : i32
        %dma_wait3A_227 = tpu.memref_slice %arg2[%dma_wait3A_225, %dma_wait3A_226] : memref<20000x64xbf16, #tpu.memory_space<hbm>> -> memref<20000x64xbf16, #tpu.memory_space<hbm>>
        %dma_wait3A_228 = tpu.memref_slice %arg11[%dma_wait3A_217] : memref<8x!tpu.dma_semaphore, #tpu.memory_space<semaphore_mem>> -> memref<1x!tpu.dma_semaphore, #tpu.memory_space<semaphore_mem>>
        %dma_wait3A_229 = tpu.memref_squeeze %dma_wait3A_228 : memref<1x!tpu.dma_semaphore, #tpu.memory_space<semaphore_mem>> -> memref<!tpu.dma_semaphore, #tpu.memory_space<semaphore_mem>>
        tpu.wait_indirect_dma semaphore(%dma_wait3A_229 : memref<!tpu.dma_semaphore, #tpu.memory_space<semaphore_mem>>) src(%dma_wait3A_227 : memref<20000x64xbf16, #tpu.memory_space<hbm>>) dst(%dma_wait3A_221 : memref<128x64xbf16, #tpu.memory_space<vmem>>)
        %add3A_230 = arith.constant 2 : i32
        %add3A_231 = arith.addi %add3A_150, %add3A_230 : i32
        %dma_start3A_232 = arith.constant 2 : i32
        %dma_start3A_233 = arith.constant 2 : i32
        %dma_start3A_234 = arith.constant 0 : i32
        %dma_start3A_235 = arith.constant 0 : i32
        %dma_start3A_236 = tpu.memref_slice %arg9[%dma_start3A_232, %dma_start3A_234, %dma_start3A_235] : memref<8x128x64xbf16, #tpu.memory_space<vmem>> -> memref<1x128x64xbf16, #tpu.memory_space<vmem>>
        %dma_start3A_237 = tpu.memref_squeeze %dma_start3A_236 : memref<1x128x64xbf16, #tpu.memory_space<vmem>> -> memref<128x64xbf16, #tpu.memory_space<vmem>>
        %dma_start3A_238 = arith.constant 0 : i32
        %dma_start3A_239 = tpu.memref_slice %arg8[%add3A_231, %dma_start3A_238] : memref<80x128xi32, #tpu.memory_space<vmem>> -> memref<1x128xi32, #tpu.memory_space<vmem>>
        %dma_start3A_240 = tpu.memref_squeeze %dma_start3A_239 : memref<1x128xi32, #tpu.memory_space<vmem>> -> memref<128xi32, #tpu.memory_space<vmem>>
        %dma_start3A_241 = arith.constant 0 : i32
        %dma_start3A_242 = arith.constant 0 : i32
        %dma_start3A_243 = tpu.memref_slice %arg10[%dma_start3A_241, %dma_start3A_242] : memref<10240x64xbf16, #tpu.memory_space<vmem_shared>> -> memref<10240x64xbf16, #tpu.memory_space<vmem_shared>>
        %dma_start3A_244 = tpu.memref_slice %arg12[%dma_start3A_233] : memref<8x!tpu.dma_semaphore, #tpu.memory_space<semaphore_mem>> -> memref<1x!tpu.dma_semaphore, #tpu.memory_space<semaphore_mem>>
        %dma_start3A_245 = tpu.memref_squeeze %dma_start3A_244 : memref<1x!tpu.dma_semaphore, #tpu.memory_space<semaphore_mem>> -> memref<!tpu.dma_semaphore, #tpu.memory_space<semaphore_mem>>
        tpu.enqueue_indirect_dma source(%dma_start3A_237 : memref<128x64xbf16, #tpu.memory_space<vmem>>) target(%dma_start3A_243 : memref<10240x64xbf16, #tpu.memory_space<vmem_shared>>) offsets(%dma_start3A_240 : memref<128xi32, #tpu.memory_space<vmem>>) semaphore(%dma_start3A_245 : memref<!tpu.dma_semaphore, #tpu.memory_space<semaphore_mem>>) {add = true}
        %add3A_246 = arith.constant 3 : i32
        %add3A_247 = arith.addi %add3A_150, %add3A_246 : i32
        %dma_wait3A_248 = arith.constant 3 : i32
        %dma_wait3A_249 = arith.constant 3 : i32
        %dma_wait3A_250 = arith.constant 0 : i32
        %dma_wait3A_251 = arith.constant 0 : i32
        %dma_wait3A_252 = tpu.memref_slice %arg9[%dma_wait3A_248, %dma_wait3A_250, %dma_wait3A_251] : memref<8x128x64xbf16, #tpu.memory_space<vmem>> -> memref<1x128x64xbf16, #tpu.memory_space<vmem>>
        %dma_wait3A_253 = tpu.memref_squeeze %dma_wait3A_252 : memref<1x128x64xbf16, #tpu.memory_space<vmem>> -> memref<128x64xbf16, #tpu.memory_space<vmem>>
        %dma_wait3A_254 = arith.constant 0 : i32
        %dma_wait3A_255 = tpu.memref_slice %arg7[%add3A_247, %dma_wait3A_254] : memref<80x128xi32, #tpu.memory_space<vmem>> -> memref<1x128xi32, #tpu.memory_space<vmem>>
        %dma_wait3A_256 = tpu.memref_squeeze %dma_wait3A_255 : memref<1x128xi32, #tpu.memory_space<vmem>> -> memref<128xi32, #tpu.memory_space<vmem>>
        %dma_wait3A_257 = arith.constant 0 : i32
        %dma_wait3A_258 = arith.constant 0 : i32
        %dma_wait3A_259 = tpu.memref_slice %arg2[%dma_wait3A_257, %dma_wait3A_258] : memref<20000x64xbf16, #tpu.memory_space<hbm>> -> memref<20000x64xbf16, #tpu.memory_space<hbm>>
        %dma_wait3A_260 = tpu.memref_slice %arg11[%dma_wait3A_249] : memref<8x!tpu.dma_semaphore, #tpu.memory_space<semaphore_mem>> -> memref<1x!tpu.dma_semaphore, #tpu.memory_space<semaphore_mem>>
        %dma_wait3A_261 = tpu.memref_squeeze %dma_wait3A_260 : memref<1x!tpu.dma_semaphore, #tpu.memory_space<semaphore_mem>> -> memref<!tpu.dma_semaphore, #tpu.memory_space<semaphore_mem>>
        tpu.wait_indirect_dma semaphore(%dma_wait3A_261 : memref<!tpu.dma_semaphore, #tpu.memory_space<semaphore_mem>>) src(%dma_wait3A_259 : memref<20000x64xbf16, #tpu.memory_space<hbm>>) dst(%dma_wait3A_253 : memref<128x64xbf16, #tpu.memory_space<vmem>>)
        %add3A_262 = arith.constant 3 : i32
        %add3A_263 = arith.addi %add3A_150, %add3A_262 : i32
        %dma_start3A_264 = arith.constant 3 : i32
        %dma_start3A_265 = arith.constant 3 : i32
        %dma_start3A_266 = arith.constant 0 : i32
        %dma_start3A_267 = arith.constant 0 : i32
        %dma_start3A_268 = tpu.memref_slice %arg9[%dma_start3A_264, %dma_start3A_266, %dma_start3A_267] : memref<8x128x64xbf16, #tpu.memory_space<vmem>> -> memref<1x128x64xbf16, #tpu.memory_space<vmem>>
        %dma_start3A_269 = tpu.memref_squeeze %dma_start3A_268 : memref<1x128x64xbf16, #tpu.memory_space<vmem>> -> memref<128x64xbf16, #tpu.memory_space<vmem>>
        %dma_start3A_270 = arith.constant 0 : i32
        %dma_start3A_271 = tpu.memref_slice %arg8[%add3A_263, %dma_start3A_270] : memref<80x128xi32, #tpu.memory_space<vmem>> -> memref<1x128xi32, #tpu.memory_space<vmem>>
        %dma_start3A_272 = tpu.memref_squeeze %dma_start3A_271 : memref<1x128xi32, #tpu.memory_space<vmem>> -> memref<128xi32, #tpu.memory_space<vmem>>
        %dma_start3A_273 = arith.constant 0 : i32
        %dma_start3A_274 = arith.constant 0 : i32
        %dma_start3A_275 = tpu.memref_slice %arg10[%dma_start3A_273, %dma_start3A_274] : memref<10240x64xbf16, #tpu.memory_space<vmem_shared>> -> memref<10240x64xbf16, #tpu.memory_space<vmem_shared>>
        %dma_start3A_276 = tpu.memref_slice %arg12[%dma_start3A_265] : memref<8x!tpu.dma_semaphore, #tpu.memory_space<semaphore_mem>> -> memref<1x!tpu.dma_semaphore, #tpu.memory_space<semaphore_mem>>
        %dma_start3A_277 = tpu.memref_squeeze %dma_start3A_276 : memref<1x!tpu.dma_semaphore, #tpu.memory_space<semaphore_mem>> -> memref<!tpu.dma_semaphore, #tpu.memory_space<semaphore_mem>>
        tpu.enqueue_indirect_dma source(%dma_start3A_269 : memref<128x64xbf16, #tpu.memory_space<vmem>>) target(%dma_start3A_275 : memref<10240x64xbf16, #tpu.memory_space<vmem_shared>>) offsets(%dma_start3A_272 : memref<128xi32, #tpu.memory_space<vmem>>) semaphore(%dma_start3A_277 : memref<!tpu.dma_semaphore, #tpu.memory_space<semaphore_mem>>) {add = true}
        %add3A_278 = arith.constant 4 : i32
        %add3A_279 = arith.addi %add3A_150, %add3A_278 : i32
        %dma_wait3A_280 = arith.constant 4 : i32
        %dma_wait3A_281 = arith.constant 4 : i32
        %dma_wait3A_282 = arith.constant 0 : i32
        %dma_wait3A_283 = arith.constant 0 : i32
        %dma_wait3A_284 = tpu.memref_slice %arg9[%dma_wait3A_280, %dma_wait3A_282, %dma_wait3A_283] : memref<8x128x64xbf16, #tpu.memory_space<vmem>> -> memref<1x128x64xbf16, #tpu.memory_space<vmem>>
        %dma_wait3A_285 = tpu.memref_squeeze %dma_wait3A_284 : memref<1x128x64xbf16, #tpu.memory_space<vmem>> -> memref<128x64xbf16, #tpu.memory_space<vmem>>
        %dma_wait3A_286 = arith.constant 0 : i32
        %dma_wait3A_287 = tpu.memref_slice %arg7[%add3A_279, %dma_wait3A_286] : memref<80x128xi32, #tpu.memory_space<vmem>> -> memref<1x128xi32, #tpu.memory_space<vmem>>
        %dma_wait3A_288 = tpu.memref_squeeze %dma_wait3A_287 : memref<1x128xi32, #tpu.memory_space<vmem>> -> memref<128xi32, #tpu.memory_space<vmem>>
        %dma_wait3A_289 = arith.constant 0 : i32
        %dma_wait3A_290 = arith.constant 0 : i32
        %dma_wait3A_291 = tpu.memref_slice %arg2[%dma_wait3A_289, %dma_wait3A_290] : memref<20000x64xbf16, #tpu.memory_space<hbm>> -> memref<20000x64xbf16, #tpu.memory_space<hbm>>
        %dma_wait3A_292 = tpu.memref_slice %arg11[%dma_wait3A_281] : memref<8x!tpu.dma_semaphore, #tpu.memory_space<semaphore_mem>> -> memref<1x!tpu.dma_semaphore, #tpu.memory_space<semaphore_mem>>
        %dma_wait3A_293 = tpu.memref_squeeze %dma_wait3A_292 : memref<1x!tpu.dma_semaphore, #tpu.memory_space<semaphore_mem>> -> memref<!tpu.dma_semaphore, #tpu.memory_space<semaphore_mem>>
        tpu.wait_indirect_dma semaphore(%dma_wait3A_293 : memref<!tpu.dma_semaphore, #tpu.memory_space<semaphore_mem>>) src(%dma_wait3A_291 : memref<20000x64xbf16, #tpu.memory_space<hbm>>) dst(%dma_wait3A_285 : memref<128x64xbf16, #tpu.memory_space<vmem>>)
        %add3A_294 = arith.constant 4 : i32
        %add3A_295 = arith.addi %add3A_150, %add3A_294 : i32
        %dma_start3A_296 = arith.constant 4 : i32
        %dma_start3A_297 = arith.constant 4 : i32
        %dma_start3A_298 = arith.constant 0 : i32
        %dma_start3A_299 = arith.constant 0 : i32
        %dma_start3A_300 = tpu.memref_slice %arg9[%dma_start3A_296, %dma_start3A_298, %dma_start3A_299] : memref<8x128x64xbf16, #tpu.memory_space<vmem>> -> memref<1x128x64xbf16, #tpu.memory_space<vmem>>
        %dma_start3A_301 = tpu.memref_squeeze %dma_start3A_300 : memref<1x128x64xbf16, #tpu.memory_space<vmem>> -> memref<128x64xbf16, #tpu.memory_space<vmem>>
        %dma_start3A_302 = arith.constant 0 : i32
        %dma_start3A_303 = tpu.memref_slice %arg8[%add3A_295, %dma_start3A_302] : memref<80x128xi32, #tpu.memory_space<vmem>> -> memref<1x128xi32, #tpu.memory_space<vmem>>
        %dma_start3A_304 = tpu.memref_squeeze %dma_start3A_303 : memref<1x128xi32, #tpu.memory_space<vmem>> -> memref<128xi32, #tpu.memory_space<vmem>>
        %dma_start3A_305 = arith.constant 0 : i32
        %dma_start3A_306 = arith.constant 0 : i32
        %dma_start3A_307 = tpu.memref_slice %arg10[%dma_start3A_305, %dma_start3A_306] : memref<10240x64xbf16, #tpu.memory_space<vmem_shared>> -> memref<10240x64xbf16, #tpu.memory_space<vmem_shared>>
        %dma_start3A_308 = tpu.memref_slice %arg12[%dma_start3A_297] : memref<8x!tpu.dma_semaphore, #tpu.memory_space<semaphore_mem>> -> memref<1x!tpu.dma_semaphore, #tpu.memory_space<semaphore_mem>>
        %dma_start3A_309 = tpu.memref_squeeze %dma_start3A_308 : memref<1x!tpu.dma_semaphore, #tpu.memory_space<semaphore_mem>> -> memref<!tpu.dma_semaphore, #tpu.memory_space<semaphore_mem>>
        tpu.enqueue_indirect_dma source(%dma_start3A_301 : memref<128x64xbf16, #tpu.memory_space<vmem>>) target(%dma_start3A_307 : memref<10240x64xbf16, #tpu.memory_space<vmem_shared>>) offsets(%dma_start3A_304 : memref<128xi32, #tpu.memory_space<vmem>>) semaphore(%dma_start3A_309 : memref<!tpu.dma_semaphore, #tpu.memory_space<semaphore_mem>>) {add = true}
        %add3A_310 = arith.constant 5 : i32
        %add3A_311 = arith.addi %add3A_150, %add3A_310 : i32
        %dma_wait3A_312 = arith.constant 5 : i32
        %dma_wait3A_313 = arith.constant 5 : i32
        %dma_wait3A_314 = arith.constant 0 : i32
        %dma_wait3A_315 = arith.constant 0 : i32
        %dma_wait3A_316 = tpu.memref_slice %arg9[%dma_wait3A_312, %dma_wait3A_314, %dma_wait3A_315] : memref<8x128x64xbf16, #tpu.memory_space<vmem>> -> memref<1x128x64xbf16, #tpu.memory_space<vmem>>
        %dma_wait3A_317 = tpu.memref_squeeze %dma_wait3A_316 : memref<1x128x64xbf16, #tpu.memory_space<vmem>> -> memref<128x64xbf16, #tpu.memory_space<vmem>>
        %dma_wait3A_318 = arith.constant 0 : i32
        %dma_wait3A_319 = tpu.memref_slice %arg7[%add3A_311, %dma_wait3A_318] : memref<80x128xi32, #tpu.memory_space<vmem>> -> memref<1x128xi32, #tpu.memory_space<vmem>>
        %dma_wait3A_320 = tpu.memref_squeeze %dma_wait3A_319 : memref<1x128xi32, #tpu.memory_space<vmem>> -> memref<128xi32, #tpu.memory_space<vmem>>
        %dma_wait3A_321 = arith.constant 0 : i32
        %dma_wait3A_322 = arith.constant 0 : i32
        %dma_wait3A_323 = tpu.memref_slice %arg2[%dma_wait3A_321, %dma_wait3A_322] : memref<20000x64xbf16, #tpu.memory_space<hbm>> -> memref<20000x64xbf16, #tpu.memory_space<hbm>>
        %dma_wait3A_324 = tpu.memref_slice %arg11[%dma_wait3A_313] : memref<8x!tpu.dma_semaphore, #tpu.memory_space<semaphore_mem>> -> memref<1x!tpu.dma_semaphore, #tpu.memory_space<semaphore_mem>>
        %dma_wait3A_325 = tpu.memref_squeeze %dma_wait3A_324 : memref<1x!tpu.dma_semaphore, #tpu.memory_space<semaphore_mem>> -> memref<!tpu.dma_semaphore, #tpu.memory_space<semaphore_mem>>
        tpu.wait_indirect_dma semaphore(%dma_wait3A_325 : memref<!tpu.dma_semaphore, #tpu.memory_space<semaphore_mem>>) src(%dma_wait3A_323 : memref<20000x64xbf16, #tpu.memory_space<hbm>>) dst(%dma_wait3A_317 : memref<128x64xbf16, #tpu.memory_space<vmem>>)
        %add3A_326 = arith.constant 5 : i32
        %add3A_327 = arith.addi %add3A_150, %add3A_326 : i32
        %dma_start3A_328 = arith.constant 5 : i32
        %dma_start3A_329 = arith.constant 5 : i32
        %dma_start3A_330 = arith.constant 0 : i32
        %dma_start3A_331 = arith.constant 0 : i32
        %dma_start3A_332 = tpu.memref_slice %arg9[%dma_start3A_328, %dma_start3A_330, %dma_start3A_331] : memref<8x128x64xbf16, #tpu.memory_space<vmem>> -> memref<1x128x64xbf16, #tpu.memory_space<vmem>>
        %dma_start3A_333 = tpu.memref_squeeze %dma_start3A_332 : memref<1x128x64xbf16, #tpu.memory_space<vmem>> -> memref<128x64xbf16, #tpu.memory_space<vmem>>
        %dma_start3A_334 = arith.constant 0 : i32
        %dma_start3A_335 = tpu.memref_slice %arg8[%add3A_327, %dma_start3A_334] : memref<80x128xi32, #tpu.memory_space<vmem>> -> memref<1x128xi32, #tpu.memory_space<vmem>>
        %dma_start3A_336 = tpu.memref_squeeze %dma_start3A_335 : memref<1x128xi32, #tpu.memory_space<vmem>> -> memref<128xi32, #tpu.memory_space<vmem>>
        %dma_start3A_337 = arith.constant 0 : i32
        %dma_start3A_338 = arith.constant 0 : i32
        %dma_start3A_339 = tpu.memref_slice %arg10[%dma_start3A_337, %dma_start3A_338] : memref<10240x64xbf16, #tpu.memory_space<vmem_shared>> -> memref<10240x64xbf16, #tpu.memory_space<vmem_shared>>
        %dma_start3A_340 = tpu.memref_slice %arg12[%dma_start3A_329] : memref<8x!tpu.dma_semaphore, #tpu.memory_space<semaphore_mem>> -> memref<1x!tpu.dma_semaphore, #tpu.memory_space<semaphore_mem>>
        %dma_start3A_341 = tpu.memref_squeeze %dma_start3A_340 : memref<1x!tpu.dma_semaphore, #tpu.memory_space<semaphore_mem>> -> memref<!tpu.dma_semaphore, #tpu.memory_space<semaphore_mem>>
        tpu.enqueue_indirect_dma source(%dma_start3A_333 : memref<128x64xbf16, #tpu.memory_space<vmem>>) target(%dma_start3A_339 : memref<10240x64xbf16, #tpu.memory_space<vmem_shared>>) offsets(%dma_start3A_336 : memref<128xi32, #tpu.memory_space<vmem>>) semaphore(%dma_start3A_341 : memref<!tpu.dma_semaphore, #tpu.memory_space<semaphore_mem>>) {add = true}
        %add3A_342 = arith.constant 6 : i32
        %add3A_343 = arith.addi %add3A_150, %add3A_342 : i32
        %dma_wait3A_344 = arith.constant 6 : i32
        %dma_wait3A_345 = arith.constant 6 : i32
        %dma_wait3A_346 = arith.constant 0 : i32
        %dma_wait3A_347 = arith.constant 0 : i32
        %dma_wait3A_348 = tpu.memref_slice %arg9[%dma_wait3A_344, %dma_wait3A_346, %dma_wait3A_347] : memref<8x128x64xbf16, #tpu.memory_space<vmem>> -> memref<1x128x64xbf16, #tpu.memory_space<vmem>>
        %dma_wait3A_349 = tpu.memref_squeeze %dma_wait3A_348 : memref<1x128x64xbf16, #tpu.memory_space<vmem>> -> memref<128x64xbf16, #tpu.memory_space<vmem>>
        %dma_wait3A_350 = arith.constant 0 : i32
        %dma_wait3A_351 = tpu.memref_slice %arg7[%add3A_343, %dma_wait3A_350] : memref<80x128xi32, #tpu.memory_space<vmem>> -> memref<1x128xi32, #tpu.memory_space<vmem>>
        %dma_wait3A_352 = tpu.memref_squeeze %dma_wait3A_351 : memref<1x128xi32, #tpu.memory_space<vmem>> -> memref<128xi32, #tpu.memory_space<vmem>>
        %dma_wait3A_353 = arith.constant 0 : i32
        %dma_wait3A_354 = arith.constant 0 : i32
        %dma_wait3A_355 = tpu.memref_slice %arg2[%dma_wait3A_353, %dma_wait3A_354] : memref<20000x64xbf16, #tpu.memory_space<hbm>> -> memref<20000x64xbf16, #tpu.memory_space<hbm>>
        %dma_wait3A_356 = tpu.memref_slice %arg11[%dma_wait3A_345] : memref<8x!tpu.dma_semaphore, #tpu.memory_space<semaphore_mem>> -> memref<1x!tpu.dma_semaphore, #tpu.memory_space<semaphore_mem>>
        %dma_wait3A_357 = tpu.memref_squeeze %dma_wait3A_356 : memref<1x!tpu.dma_semaphore, #tpu.memory_space<semaphore_mem>> -> memref<!tpu.dma_semaphore, #tpu.memory_space<semaphore_mem>>
        tpu.wait_indirect_dma semaphore(%dma_wait3A_357 : memref<!tpu.dma_semaphore, #tpu.memory_space<semaphore_mem>>) src(%dma_wait3A_355 : memref<20000x64xbf16, #tpu.memory_space<hbm>>) dst(%dma_wait3A_349 : memref<128x64xbf16, #tpu.memory_space<vmem>>)
        %add3A_358 = arith.constant 6 : i32
        %add3A_359 = arith.addi %add3A_150, %add3A_358 : i32
        %dma_start3A_360 = arith.constant 6 : i32
        %dma_start3A_361 = arith.constant 6 : i32
        %dma_start3A_362 = arith.constant 0 : i32
        %dma_start3A_363 = arith.constant 0 : i32
        %dma_start3A_364 = tpu.memref_slice %arg9[%dma_start3A_360, %dma_start3A_362, %dma_start3A_363] : memref<8x128x64xbf16, #tpu.memory_space<vmem>> -> memref<1x128x64xbf16, #tpu.memory_space<vmem>>
        %dma_start3A_365 = tpu.memref_squeeze %dma_start3A_364 : memref<1x128x64xbf16, #tpu.memory_space<vmem>> -> memref<128x64xbf16, #tpu.memory_space<vmem>>
        %dma_start3A_366 = arith.constant 0 : i32
        %dma_start3A_367 = tpu.memref_slice %arg8[%add3A_359, %dma_start3A_366] : memref<80x128xi32, #tpu.memory_space<vmem>> -> memref<1x128xi32, #tpu.memory_space<vmem>>
        %dma_start3A_368 = tpu.memref_squeeze %dma_start3A_367 : memref<1x128xi32, #tpu.memory_space<vmem>> -> memref<128xi32, #tpu.memory_space<vmem>>
        %dma_start3A_369 = arith.constant 0 : i32
        %dma_start3A_370 = arith.constant 0 : i32
        %dma_start3A_371 = tpu.memref_slice %arg10[%dma_start3A_369, %dma_start3A_370] : memref<10240x64xbf16, #tpu.memory_space<vmem_shared>> -> memref<10240x64xbf16, #tpu.memory_space<vmem_shared>>
        %dma_start3A_372 = tpu.memref_slice %arg12[%dma_start3A_361] : memref<8x!tpu.dma_semaphore, #tpu.memory_space<semaphore_mem>> -> memref<1x!tpu.dma_semaphore, #tpu.memory_space<semaphore_mem>>
        %dma_start3A_373 = tpu.memref_squeeze %dma_start3A_372 : memref<1x!tpu.dma_semaphore, #tpu.memory_space<semaphore_mem>> -> memref<!tpu.dma_semaphore, #tpu.memory_space<semaphore_mem>>
        tpu.enqueue_indirect_dma source(%dma_start3A_365 : memref<128x64xbf16, #tpu.memory_space<vmem>>) target(%dma_start3A_371 : memref<10240x64xbf16, #tpu.memory_space<vmem_shared>>) offsets(%dma_start3A_368 : memref<128xi32, #tpu.memory_space<vmem>>) semaphore(%dma_start3A_373 : memref<!tpu.dma_semaphore, #tpu.memory_space<semaphore_mem>>) {add = true}
        %add3A_374 = arith.constant 7 : i32
        %add3A_375 = arith.addi %add3A_150, %add3A_374 : i32
        %dma_wait3A_376 = arith.constant 7 : i32
        %dma_wait3A_377 = arith.constant 7 : i32
        %dma_wait3A_378 = arith.constant 0 : i32
        %dma_wait3A_379 = arith.constant 0 : i32
        %dma_wait3A_380 = tpu.memref_slice %arg9[%dma_wait3A_376, %dma_wait3A_378, %dma_wait3A_379] : memref<8x128x64xbf16, #tpu.memory_space<vmem>> -> memref<1x128x64xbf16, #tpu.memory_space<vmem>>
        %dma_wait3A_381 = tpu.memref_squeeze %dma_wait3A_380 : memref<1x128x64xbf16, #tpu.memory_space<vmem>> -> memref<128x64xbf16, #tpu.memory_space<vmem>>
        %dma_wait3A_382 = arith.constant 0 : i32
        %dma_wait3A_383 = tpu.memref_slice %arg7[%add3A_375, %dma_wait3A_382] : memref<80x128xi32, #tpu.memory_space<vmem>> -> memref<1x128xi32, #tpu.memory_space<vmem>>
        %dma_wait3A_384 = tpu.memref_squeeze %dma_wait3A_383 : memref<1x128xi32, #tpu.memory_space<vmem>> -> memref<128xi32, #tpu.memory_space<vmem>>
        %dma_wait3A_385 = arith.constant 0 : i32
        %dma_wait3A_386 = arith.constant 0 : i32
        %dma_wait3A_387 = tpu.memref_slice %arg2[%dma_wait3A_385, %dma_wait3A_386] : memref<20000x64xbf16, #tpu.memory_space<hbm>> -> memref<20000x64xbf16, #tpu.memory_space<hbm>>
        %dma_wait3A_388 = tpu.memref_slice %arg11[%dma_wait3A_377] : memref<8x!tpu.dma_semaphore, #tpu.memory_space<semaphore_mem>> -> memref<1x!tpu.dma_semaphore, #tpu.memory_space<semaphore_mem>>
        %dma_wait3A_389 = tpu.memref_squeeze %dma_wait3A_388 : memref<1x!tpu.dma_semaphore, #tpu.memory_space<semaphore_mem>> -> memref<!tpu.dma_semaphore, #tpu.memory_space<semaphore_mem>>
        tpu.wait_indirect_dma semaphore(%dma_wait3A_389 : memref<!tpu.dma_semaphore, #tpu.memory_space<semaphore_mem>>) src(%dma_wait3A_387 : memref<20000x64xbf16, #tpu.memory_space<hbm>>) dst(%dma_wait3A_381 : memref<128x64xbf16, #tpu.memory_space<vmem>>)
        %add3A_390 = arith.constant 7 : i32
        %add3A_391 = arith.addi %add3A_150, %add3A_390 : i32
        %dma_start3A_392 = arith.constant 7 : i32
        %dma_start3A_393 = arith.constant 7 : i32
        %dma_start3A_394 = arith.constant 0 : i32
        %dma_start3A_395 = arith.constant 0 : i32
        %dma_start3A_396 = tpu.memref_slice %arg9[%dma_start3A_392, %dma_start3A_394, %dma_start3A_395] : memref<8x128x64xbf16, #tpu.memory_space<vmem>> -> memref<1x128x64xbf16, #tpu.memory_space<vmem>>
        %dma_start3A_397 = tpu.memref_squeeze %dma_start3A_396 : memref<1x128x64xbf16, #tpu.memory_space<vmem>> -> memref<128x64xbf16, #tpu.memory_space<vmem>>
        %dma_start3A_398 = arith.constant 0 : i32
        %dma_start3A_399 = tpu.memref_slice %arg8[%add3A_391, %dma_start3A_398] : memref<80x128xi32, #tpu.memory_space<vmem>> -> memref<1x128xi32, #tpu.memory_space<vmem>>
        %dma_start3A_400 = tpu.memref_squeeze %dma_start3A_399 : memref<1x128xi32, #tpu.memory_space<vmem>> -> memref<128xi32, #tpu.memory_space<vmem>>
        %dma_start3A_401 = arith.constant 0 : i32
        %dma_start3A_402 = arith.constant 0 : i32
        %dma_start3A_403 = tpu.memref_slice %arg10[%dma_start3A_401, %dma_start3A_402] : memref<10240x64xbf16, #tpu.memory_space<vmem_shared>> -> memref<10240x64xbf16, #tpu.memory_space<vmem_shared>>
        %dma_start3A_404 = tpu.memref_slice %arg12[%dma_start3A_393] : memref<8x!tpu.dma_semaphore, #tpu.memory_space<semaphore_mem>> -> memref<1x!tpu.dma_semaphore, #tpu.memory_space<semaphore_mem>>
        %dma_start3A_405 = tpu.memref_squeeze %dma_start3A_404 : memref<1x!tpu.dma_semaphore, #tpu.memory_space<semaphore_mem>> -> memref<!tpu.dma_semaphore, #tpu.memory_space<semaphore_mem>>
        tpu.enqueue_indirect_dma source(%dma_start3A_397 : memref<128x64xbf16, #tpu.memory_space<vmem>>) target(%dma_start3A_403 : memref<10240x64xbf16, #tpu.memory_space<vmem_shared>>) offsets(%dma_start3A_400 : memref<128xi32, #tpu.memory_space<vmem>>) semaphore(%dma_start3A_405 : memref<!tpu.dma_semaphore, #tpu.memory_space<semaphore_mem>>) {add = true}
        %add3A_406 = arith.constant 0 : i32
        %add3A_407 = arith.addi %add3A_150, %add3A_406 : i32
        %dma_wait3A_408 = arith.constant 0 : i32
        %dma_wait3A_409 = arith.constant 0 : i32
        %dma_wait3A_410 = arith.constant 0 : i32
        %dma_wait3A_411 = arith.constant 0 : i32
        %dma_wait3A_412 = tpu.memref_slice %arg9[%dma_wait3A_408, %dma_wait3A_410, %dma_wait3A_411] : memref<8x128x64xbf16, #tpu.memory_space<vmem>> -> memref<1x128x64xbf16, #tpu.memory_space<vmem>>
        %dma_wait3A_413 = tpu.memref_squeeze %dma_wait3A_412 : memref<1x128x64xbf16, #tpu.memory_space<vmem>> -> memref<128x64xbf16, #tpu.memory_space<vmem>>
        %dma_wait3A_414 = arith.constant 0 : i32
        %dma_wait3A_415 = tpu.memref_slice %arg8[%add3A_407, %dma_wait3A_414] : memref<80x128xi32, #tpu.memory_space<vmem>> -> memref<1x128xi32, #tpu.memory_space<vmem>>
        %dma_wait3A_416 = tpu.memref_squeeze %dma_wait3A_415 : memref<1x128xi32, #tpu.memory_space<vmem>> -> memref<128xi32, #tpu.memory_space<vmem>>
        %dma_wait3A_417 = arith.constant 0 : i32
        %dma_wait3A_418 = arith.constant 0 : i32
        %dma_wait3A_419 = tpu.memref_slice %arg10[%dma_wait3A_417, %dma_wait3A_418] : memref<10240x64xbf16, #tpu.memory_space<vmem_shared>> -> memref<10240x64xbf16, #tpu.memory_space<vmem_shared>>
        %dma_wait3A_420 = tpu.memref_slice %arg12[%dma_wait3A_409] : memref<8x!tpu.dma_semaphore, #tpu.memory_space<semaphore_mem>> -> memref<1x!tpu.dma_semaphore, #tpu.memory_space<semaphore_mem>>
        %dma_wait3A_421 = tpu.memref_squeeze %dma_wait3A_420 : memref<1x!tpu.dma_semaphore, #tpu.memory_space<semaphore_mem>> -> memref<!tpu.dma_semaphore, #tpu.memory_space<semaphore_mem>>
        tpu.wait_indirect_dma semaphore(%dma_wait3A_421 : memref<!tpu.dma_semaphore, #tpu.memory_space<semaphore_mem>>) src(%dma_wait3A_413 : memref<128x64xbf16, #tpu.memory_space<vmem>>) dst(%dma_wait3A_419 : memref<10240x64xbf16, #tpu.memory_space<vmem_shared>>)
        %add3A_422 = arith.constant 0 : i32
        %add3A_423 = arith.addi %add3A_150, %add3A_422 : i32
        %add3A_424 = arith.constant 8 : i32
        %add3A_425 = arith.addi %add3A_423, %add3A_424 : i32
        %lt3A = arith.constant 80 : i32
        %lt3A_426 = arith.cmpi slt, %add3A_425, %lt3A : i32
        %convert_element_type3A = arith.extui %lt3A_426 : i1 to i32
        %cond3A = arith.constant 0 : i32
        %cond3A_427 = arith.cmpi ne, %convert_element_type3A, %cond3A : i32
        scf.if %cond3A_427 {
          %add3A_603 = arith.constant 0 : i32
          %add3A_604 = arith.addi %add3A_150, %add3A_603 : i32
          %add3A_605 = arith.constant 8 : i32
          %add3A_606 = arith.addi %add3A_604, %add3A_605 : i32
          %dma_start3A_607 = arith.constant 0 : i32
          %dma_start3A_608 = arith.constant 0 : i32
          %dma_start3A_609 = arith.constant 0 : i32
          %dma_start3A_610 = arith.constant 0 : i32
          %dma_start3A_611 = tpu.memref_slice %arg9[%dma_start3A_607, %dma_start3A_609, %dma_start3A_610] : memref<8x128x64xbf16, #tpu.memory_space<vmem>> -> memref<1x128x64xbf16, #tpu.memory_space<vmem>>
          %dma_start3A_612 = tpu.memref_squeeze %dma_start3A_611 : memref<1x128x64xbf16, #tpu.memory_space<vmem>> -> memref<128x64xbf16, #tpu.memory_space<vmem>>
          %dma_start3A_613 = arith.constant 0 : i32
          %dma_start3A_614 = tpu.memref_slice %arg7[%add3A_606, %dma_start3A_613] : memref<80x128xi32, #tpu.memory_space<vmem>> -> memref<1x128xi32, #tpu.memory_space<vmem>>
          %dma_start3A_615 = tpu.memref_squeeze %dma_start3A_614 : memref<1x128xi32, #tpu.memory_space<vmem>> -> memref<128xi32, #tpu.memory_space<vmem>>
          %dma_start3A_616 = arith.constant 0 : i32
          %dma_start3A_617 = arith.constant 0 : i32
          %dma_start3A_618 = tpu.memref_slice %arg2[%dma_start3A_616, %dma_start3A_617] : memref<20000x64xbf16, #tpu.memory_space<hbm>> -> memref<20000x64xbf16, #tpu.memory_space<hbm>>
          %dma_start3A_619 = tpu.memref_slice %arg11[%dma_start3A_608] : memref<8x!tpu.dma_semaphore, #tpu.memory_space<semaphore_mem>> -> memref<1x!tpu.dma_semaphore, #tpu.memory_space<semaphore_mem>>
          %dma_start3A_620 = tpu.memref_squeeze %dma_start3A_619 : memref<1x!tpu.dma_semaphore, #tpu.memory_space<semaphore_mem>> -> memref<!tpu.dma_semaphore, #tpu.memory_space<semaphore_mem>>
          tpu.enqueue_indirect_dma source(%dma_start3A_618 : memref<20000x64xbf16, #tpu.memory_space<hbm>>) target(%dma_start3A_612 : memref<128x64xbf16, #tpu.memory_space<vmem>>) offsets(%dma_start3A_615 : memref<128xi32, #tpu.memory_space<vmem>>) semaphore(%dma_start3A_620 : memref<!tpu.dma_semaphore, #tpu.memory_space<semaphore_mem>>)
        } else {
        }
        %add3A_428 = arith.constant 1 : i32
        %add3A_429 = arith.addi %add3A_150, %add3A_428 : i32
        %dma_wait3A_430 = arith.constant 1 : i32
        %dma_wait3A_431 = arith.constant 1 : i32
        %dma_wait3A_432 = arith.constant 0 : i32
        %dma_wait3A_433 = arith.constant 0 : i32
        %dma_wait3A_434 = tpu.memref_slice %arg9[%dma_wait3A_430, %dma_wait3A_432, %dma_wait3A_433] : memref<8x128x64xbf16, #tpu.memory_space<vmem>> -> memref<1x128x64xbf16, #tpu.memory_space<vmem>>
        %dma_wait3A_435 = tpu.memref_squeeze %dma_wait3A_434 : memref<1x128x64xbf16, #tpu.memory_space<vmem>> -> memref<128x64xbf16, #tpu.memory_space<vmem>>
        %dma_wait3A_436 = arith.constant 0 : i32
        %dma_wait3A_437 = tpu.memref_slice %arg8[%add3A_429, %dma_wait3A_436] : memref<80x128xi32, #tpu.memory_space<vmem>> -> memref<1x128xi32, #tpu.memory_space<vmem>>
        %dma_wait3A_438 = tpu.memref_squeeze %dma_wait3A_437 : memref<1x128xi32, #tpu.memory_space<vmem>> -> memref<128xi32, #tpu.memory_space<vmem>>
        %dma_wait3A_439 = arith.constant 0 : i32
        %dma_wait3A_440 = arith.constant 0 : i32
        %dma_wait3A_441 = tpu.memref_slice %arg10[%dma_wait3A_439, %dma_wait3A_440] : memref<10240x64xbf16, #tpu.memory_space<vmem_shared>> -> memref<10240x64xbf16, #tpu.memory_space<vmem_shared>>
        %dma_wait3A_442 = tpu.memref_slice %arg12[%dma_wait3A_431] : memref<8x!tpu.dma_semaphore, #tpu.memory_space<semaphore_mem>> -> memref<1x!tpu.dma_semaphore, #tpu.memory_space<semaphore_mem>>
        %dma_wait3A_443 = tpu.memref_squeeze %dma_wait3A_442 : memref<1x!tpu.dma_semaphore, #tpu.memory_space<semaphore_mem>> -> memref<!tpu.dma_semaphore, #tpu.memory_space<semaphore_mem>>
        tpu.wait_indirect_dma semaphore(%dma_wait3A_443 : memref<!tpu.dma_semaphore, #tpu.memory_space<semaphore_mem>>) src(%dma_wait3A_435 : memref<128x64xbf16, #tpu.memory_space<vmem>>) dst(%dma_wait3A_441 : memref<10240x64xbf16, #tpu.memory_space<vmem_shared>>)
        %add3A_444 = arith.constant 1 : i32
        %add3A_445 = arith.addi %add3A_150, %add3A_444 : i32
        %add3A_446 = arith.constant 8 : i32
        %add3A_447 = arith.addi %add3A_445, %add3A_446 : i32
        %lt3A_448 = arith.constant 80 : i32
        %lt3A_449 = arith.cmpi slt, %add3A_447, %lt3A_448 : i32
        %convert_element_type3A_450 = arith.extui %lt3A_449 : i1 to i32
        %cond3A_451 = arith.constant 0 : i32
        %cond3A_452 = arith.cmpi ne, %convert_element_type3A_450, %cond3A_451 : i32
        scf.if %cond3A_452 {
          %add3A_603 = arith.constant 1 : i32
          %add3A_604 = arith.addi %add3A_150, %add3A_603 : i32
          %add3A_605 = arith.constant 8 : i32
          %add3A_606 = arith.addi %add3A_604, %add3A_605 : i32
          %dma_start3A_607 = arith.constant 1 : i32
          %dma_start3A_608 = arith.constant 1 : i32
          %dma_start3A_609 = arith.constant 0 : i32
          %dma_start3A_610 = arith.constant 0 : i32
          %dma_start3A_611 = tpu.memref_slice %arg9[%dma_start3A_607, %dma_start3A_609, %dma_start3A_610] : memref<8x128x64xbf16, #tpu.memory_space<vmem>> -> memref<1x128x64xbf16, #tpu.memory_space<vmem>>
          %dma_start3A_612 = tpu.memref_squeeze %dma_start3A_611 : memref<1x128x64xbf16, #tpu.memory_space<vmem>> -> memref<128x64xbf16, #tpu.memory_space<vmem>>
          %dma_start3A_613 = arith.constant 0 : i32
          %dma_start3A_614 = tpu.memref_slice %arg7[%add3A_606, %dma_start3A_613] : memref<80x128xi32, #tpu.memory_space<vmem>> -> memref<1x128xi32, #tpu.memory_space<vmem>>
          %dma_start3A_615 = tpu.memref_squeeze %dma_start3A_614 : memref<1x128xi32, #tpu.memory_space<vmem>> -> memref<128xi32, #tpu.memory_space<vmem>>
          %dma_start3A_616 = arith.constant 0 : i32
          %dma_start3A_617 = arith.constant 0 : i32
          %dma_start3A_618 = tpu.memref_slice %arg2[%dma_start3A_616, %dma_start3A_617] : memref<20000x64xbf16, #tpu.memory_space<hbm>> -> memref<20000x64xbf16, #tpu.memory_space<hbm>>
          %dma_start3A_619 = tpu.memref_slice %arg11[%dma_start3A_608] : memref<8x!tpu.dma_semaphore, #tpu.memory_space<semaphore_mem>> -> memref<1x!tpu.dma_semaphore, #tpu.memory_space<semaphore_mem>>
          %dma_start3A_620 = tpu.memref_squeeze %dma_start3A_619 : memref<1x!tpu.dma_semaphore, #tpu.memory_space<semaphore_mem>> -> memref<!tpu.dma_semaphore, #tpu.memory_space<semaphore_mem>>
          tpu.enqueue_indirect_dma source(%dma_start3A_618 : memref<20000x64xbf16, #tpu.memory_space<hbm>>) target(%dma_start3A_612 : memref<128x64xbf16, #tpu.memory_space<vmem>>) offsets(%dma_start3A_615 : memref<128xi32, #tpu.memory_space<vmem>>) semaphore(%dma_start3A_620 : memref<!tpu.dma_semaphore, #tpu.memory_space<semaphore_mem>>)
        } else {
        }
        %add3A_453 = arith.constant 2 : i32
        %add3A_454 = arith.addi %add3A_150, %add3A_453 : i32
        %dma_wait3A_455 = arith.constant 2 : i32
        %dma_wait3A_456 = arith.constant 2 : i32
        %dma_wait3A_457 = arith.constant 0 : i32
        %dma_wait3A_458 = arith.constant 0 : i32
        %dma_wait3A_459 = tpu.memref_slice %arg9[%dma_wait3A_455, %dma_wait3A_457, %dma_wait3A_458] : memref<8x128x64xbf16, #tpu.memory_space<vmem>> -> memref<1x128x64xbf16, #tpu.memory_space<vmem>>
        %dma_wait3A_460 = tpu.memref_squeeze %dma_wait3A_459 : memref<1x128x64xbf16, #tpu.memory_space<vmem>> -> memref<128x64xbf16, #tpu.memory_space<vmem>>
        %dma_wait3A_461 = arith.constant 0 : i32
        %dma_wait3A_462 = tpu.memref_slice %arg8[%add3A_454, %dma_wait3A_461] : memref<80x128xi32, #tpu.memory_space<vmem>> -> memref<1x128xi32, #tpu.memory_space<vmem>>
        %dma_wait3A_463 = tpu.memref_squeeze %dma_wait3A_462 : memref<1x128xi32, #tpu.memory_space<vmem>> -> memref<128xi32, #tpu.memory_space<vmem>>
        %dma_wait3A_464 = arith.constant 0 : i32
        %dma_wait3A_465 = arith.constant 0 : i32
        %dma_wait3A_466 = tpu.memref_slice %arg10[%dma_wait3A_464, %dma_wait3A_465] : memref<10240x64xbf16, #tpu.memory_space<vmem_shared>> -> memref<10240x64xbf16, #tpu.memory_space<vmem_shared>>
        %dma_wait3A_467 = tpu.memref_slice %arg12[%dma_wait3A_456] : memref<8x!tpu.dma_semaphore, #tpu.memory_space<semaphore_mem>> -> memref<1x!tpu.dma_semaphore, #tpu.memory_space<semaphore_mem>>
        %dma_wait3A_468 = tpu.memref_squeeze %dma_wait3A_467 : memref<1x!tpu.dma_semaphore, #tpu.memory_space<semaphore_mem>> -> memref<!tpu.dma_semaphore, #tpu.memory_space<semaphore_mem>>
        tpu.wait_indirect_dma semaphore(%dma_wait3A_468 : memref<!tpu.dma_semaphore, #tpu.memory_space<semaphore_mem>>) src(%dma_wait3A_460 : memref<128x64xbf16, #tpu.memory_space<vmem>>) dst(%dma_wait3A_466 : memref<10240x64xbf16, #tpu.memory_space<vmem_shared>>)
        %add3A_469 = arith.constant 2 : i32
        %add3A_470 = arith.addi %add3A_150, %add3A_469 : i32
        %add3A_471 = arith.constant 8 : i32
        %add3A_472 = arith.addi %add3A_470, %add3A_471 : i32
        %lt3A_473 = arith.constant 80 : i32
        %lt3A_474 = arith.cmpi slt, %add3A_472, %lt3A_473 : i32
        %convert_element_type3A_475 = arith.extui %lt3A_474 : i1 to i32
        %cond3A_476 = arith.constant 0 : i32
        %cond3A_477 = arith.cmpi ne, %convert_element_type3A_475, %cond3A_476 : i32
        scf.if %cond3A_477 {
          %add3A_603 = arith.constant 2 : i32
          %add3A_604 = arith.addi %add3A_150, %add3A_603 : i32
          %add3A_605 = arith.constant 8 : i32
          %add3A_606 = arith.addi %add3A_604, %add3A_605 : i32
          %dma_start3A_607 = arith.constant 2 : i32
          %dma_start3A_608 = arith.constant 2 : i32
          %dma_start3A_609 = arith.constant 0 : i32
          %dma_start3A_610 = arith.constant 0 : i32
          %dma_start3A_611 = tpu.memref_slice %arg9[%dma_start3A_607, %dma_start3A_609, %dma_start3A_610] : memref<8x128x64xbf16, #tpu.memory_space<vmem>> -> memref<1x128x64xbf16, #tpu.memory_space<vmem>>
          %dma_start3A_612 = tpu.memref_squeeze %dma_start3A_611 : memref<1x128x64xbf16, #tpu.memory_space<vmem>> -> memref<128x64xbf16, #tpu.memory_space<vmem>>
          %dma_start3A_613 = arith.constant 0 : i32
          %dma_start3A_614 = tpu.memref_slice %arg7[%add3A_606, %dma_start3A_613] : memref<80x128xi32, #tpu.memory_space<vmem>> -> memref<1x128xi32, #tpu.memory_space<vmem>>
          %dma_start3A_615 = tpu.memref_squeeze %dma_start3A_614 : memref<1x128xi32, #tpu.memory_space<vmem>> -> memref<128xi32, #tpu.memory_space<vmem>>
          %dma_start3A_616 = arith.constant 0 : i32
          %dma_start3A_617 = arith.constant 0 : i32
          %dma_start3A_618 = tpu.memref_slice %arg2[%dma_start3A_616, %dma_start3A_617] : memref<20000x64xbf16, #tpu.memory_space<hbm>> -> memref<20000x64xbf16, #tpu.memory_space<hbm>>
          %dma_start3A_619 = tpu.memref_slice %arg11[%dma_start3A_608] : memref<8x!tpu.dma_semaphore, #tpu.memory_space<semaphore_mem>> -> memref<1x!tpu.dma_semaphore, #tpu.memory_space<semaphore_mem>>
          %dma_start3A_620 = tpu.memref_squeeze %dma_start3A_619 : memref<1x!tpu.dma_semaphore, #tpu.memory_space<semaphore_mem>> -> memref<!tpu.dma_semaphore, #tpu.memory_space<semaphore_mem>>
          tpu.enqueue_indirect_dma source(%dma_start3A_618 : memref<20000x64xbf16, #tpu.memory_space<hbm>>) target(%dma_start3A_612 : memref<128x64xbf16, #tpu.memory_space<vmem>>) offsets(%dma_start3A_615 : memref<128xi32, #tpu.memory_space<vmem>>) semaphore(%dma_start3A_620 : memref<!tpu.dma_semaphore, #tpu.memory_space<semaphore_mem>>)
        } else {
        }
        %add3A_478 = arith.constant 3 : i32
        %add3A_479 = arith.addi %add3A_150, %add3A_478 : i32
        %dma_wait3A_480 = arith.constant 3 : i32
        %dma_wait3A_481 = arith.constant 3 : i32
        %dma_wait3A_482 = arith.constant 0 : i32
        %dma_wait3A_483 = arith.constant 0 : i32
        %dma_wait3A_484 = tpu.memref_slice %arg9[%dma_wait3A_480, %dma_wait3A_482, %dma_wait3A_483] : memref<8x128x64xbf16, #tpu.memory_space<vmem>> -> memref<1x128x64xbf16, #tpu.memory_space<vmem>>
        %dma_wait3A_485 = tpu.memref_squeeze %dma_wait3A_484 : memref<1x128x64xbf16, #tpu.memory_space<vmem>> -> memref<128x64xbf16, #tpu.memory_space<vmem>>
        %dma_wait3A_486 = arith.constant 0 : i32
        %dma_wait3A_487 = tpu.memref_slice %arg8[%add3A_479, %dma_wait3A_486] : memref<80x128xi32, #tpu.memory_space<vmem>> -> memref<1x128xi32, #tpu.memory_space<vmem>>
        %dma_wait3A_488 = tpu.memref_squeeze %dma_wait3A_487 : memref<1x128xi32, #tpu.memory_space<vmem>> -> memref<128xi32, #tpu.memory_space<vmem>>
        %dma_wait3A_489 = arith.constant 0 : i32
        %dma_wait3A_490 = arith.constant 0 : i32
        %dma_wait3A_491 = tpu.memref_slice %arg10[%dma_wait3A_489, %dma_wait3A_490] : memref<10240x64xbf16, #tpu.memory_space<vmem_shared>> -> memref<10240x64xbf16, #tpu.memory_space<vmem_shared>>
        %dma_wait3A_492 = tpu.memref_slice %arg12[%dma_wait3A_481] : memref<8x!tpu.dma_semaphore, #tpu.memory_space<semaphore_mem>> -> memref<1x!tpu.dma_semaphore, #tpu.memory_space<semaphore_mem>>
        %dma_wait3A_493 = tpu.memref_squeeze %dma_wait3A_492 : memref<1x!tpu.dma_semaphore, #tpu.memory_space<semaphore_mem>> -> memref<!tpu.dma_semaphore, #tpu.memory_space<semaphore_mem>>
        tpu.wait_indirect_dma semaphore(%dma_wait3A_493 : memref<!tpu.dma_semaphore, #tpu.memory_space<semaphore_mem>>) src(%dma_wait3A_485 : memref<128x64xbf16, #tpu.memory_space<vmem>>) dst(%dma_wait3A_491 : memref<10240x64xbf16, #tpu.memory_space<vmem_shared>>)
        %add3A_494 = arith.constant 3 : i32
        %add3A_495 = arith.addi %add3A_150, %add3A_494 : i32
        %add3A_496 = arith.constant 8 : i32
        %add3A_497 = arith.addi %add3A_495, %add3A_496 : i32
        %lt3A_498 = arith.constant 80 : i32
        %lt3A_499 = arith.cmpi slt, %add3A_497, %lt3A_498 : i32
        %convert_element_type3A_500 = arith.extui %lt3A_499 : i1 to i32
        %cond3A_501 = arith.constant 0 : i32
        %cond3A_502 = arith.cmpi ne, %convert_element_type3A_500, %cond3A_501 : i32
        scf.if %cond3A_502 {
          %add3A_603 = arith.constant 3 : i32
          %add3A_604 = arith.addi %add3A_150, %add3A_603 : i32
          %add3A_605 = arith.constant 8 : i32
          %add3A_606 = arith.addi %add3A_604, %add3A_605 : i32
          %dma_start3A_607 = arith.constant 3 : i32
          %dma_start3A_608 = arith.constant 3 : i32
          %dma_start3A_609 = arith.constant 0 : i32
          %dma_start3A_610 = arith.constant 0 : i32
          %dma_start3A_611 = tpu.memref_slice %arg9[%dma_start3A_607, %dma_start3A_609, %dma_start3A_610] : memref<8x128x64xbf16, #tpu.memory_space<vmem>> -> memref<1x128x64xbf16, #tpu.memory_space<vmem>>
          %dma_start3A_612 = tpu.memref_squeeze %dma_start3A_611 : memref<1x128x64xbf16, #tpu.memory_space<vmem>> -> memref<128x64xbf16, #tpu.memory_space<vmem>>
          %dma_start3A_613 = arith.constant 0 : i32
          %dma_start3A_614 = tpu.memref_slice %arg7[%add3A_606, %dma_start3A_613] : memref<80x128xi32, #tpu.memory_space<vmem>> -> memref<1x128xi32, #tpu.memory_space<vmem>>
          %dma_start3A_615 = tpu.memref_squeeze %dma_start3A_614 : memref<1x128xi32, #tpu.memory_space<vmem>> -> memref<128xi32, #tpu.memory_space<vmem>>
          %dma_start3A_616 = arith.constant 0 : i32
          %dma_start3A_617 = arith.constant 0 : i32
          %dma_start3A_618 = tpu.memref_slice %arg2[%dma_start3A_616, %dma_start3A_617] : memref<20000x64xbf16, #tpu.memory_space<hbm>> -> memref<20000x64xbf16, #tpu.memory_space<hbm>>
          %dma_start3A_619 = tpu.memref_slice %arg11[%dma_start3A_608] : memref<8x!tpu.dma_semaphore, #tpu.memory_space<semaphore_mem>> -> memref<1x!tpu.dma_semaphore, #tpu.memory_space<semaphore_mem>>
          %dma_start3A_620 = tpu.memref_squeeze %dma_start3A_619 : memref<1x!tpu.dma_semaphore, #tpu.memory_space<semaphore_mem>> -> memref<!tpu.dma_semaphore, #tpu.memory_space<semaphore_mem>>
          tpu.enqueue_indirect_dma source(%dma_start3A_618 : memref<20000x64xbf16, #tpu.memory_space<hbm>>) target(%dma_start3A_612 : memref<128x64xbf16, #tpu.memory_space<vmem>>) offsets(%dma_start3A_615 : memref<128xi32, #tpu.memory_space<vmem>>) semaphore(%dma_start3A_620 : memref<!tpu.dma_semaphore, #tpu.memory_space<semaphore_mem>>)
        } else {
        }
        %add3A_503 = arith.constant 4 : i32
        %add3A_504 = arith.addi %add3A_150, %add3A_503 : i32
        %dma_wait3A_505 = arith.constant 4 : i32
        %dma_wait3A_506 = arith.constant 4 : i32
        %dma_wait3A_507 = arith.constant 0 : i32
        %dma_wait3A_508 = arith.constant 0 : i32
        %dma_wait3A_509 = tpu.memref_slice %arg9[%dma_wait3A_505, %dma_wait3A_507, %dma_wait3A_508] : memref<8x128x64xbf16, #tpu.memory_space<vmem>> -> memref<1x128x64xbf16, #tpu.memory_space<vmem>>
        %dma_wait3A_510 = tpu.memref_squeeze %dma_wait3A_509 : memref<1x128x64xbf16, #tpu.memory_space<vmem>> -> memref<128x64xbf16, #tpu.memory_space<vmem>>
        %dma_wait3A_511 = arith.constant 0 : i32
        %dma_wait3A_512 = tpu.memref_slice %arg8[%add3A_504, %dma_wait3A_511] : memref<80x128xi32, #tpu.memory_space<vmem>> -> memref<1x128xi32, #tpu.memory_space<vmem>>
        %dma_wait3A_513 = tpu.memref_squeeze %dma_wait3A_512 : memref<1x128xi32, #tpu.memory_space<vmem>> -> memref<128xi32, #tpu.memory_space<vmem>>
        %dma_wait3A_514 = arith.constant 0 : i32
        %dma_wait3A_515 = arith.constant 0 : i32
        %dma_wait3A_516 = tpu.memref_slice %arg10[%dma_wait3A_514, %dma_wait3A_515] : memref<10240x64xbf16, #tpu.memory_space<vmem_shared>> -> memref<10240x64xbf16, #tpu.memory_space<vmem_shared>>
        %dma_wait3A_517 = tpu.memref_slice %arg12[%dma_wait3A_506] : memref<8x!tpu.dma_semaphore, #tpu.memory_space<semaphore_mem>> -> memref<1x!tpu.dma_semaphore, #tpu.memory_space<semaphore_mem>>
        %dma_wait3A_518 = tpu.memref_squeeze %dma_wait3A_517 : memref<1x!tpu.dma_semaphore, #tpu.memory_space<semaphore_mem>> -> memref<!tpu.dma_semaphore, #tpu.memory_space<semaphore_mem>>
        tpu.wait_indirect_dma semaphore(%dma_wait3A_518 : memref<!tpu.dma_semaphore, #tpu.memory_space<semaphore_mem>>) src(%dma_wait3A_510 : memref<128x64xbf16, #tpu.memory_space<vmem>>) dst(%dma_wait3A_516 : memref<10240x64xbf16, #tpu.memory_space<vmem_shared>>)
        %add3A_519 = arith.constant 4 : i32
        %add3A_520 = arith.addi %add3A_150, %add3A_519 : i32
        %add3A_521 = arith.constant 8 : i32
        %add3A_522 = arith.addi %add3A_520, %add3A_521 : i32
        %lt3A_523 = arith.constant 80 : i32
        %lt3A_524 = arith.cmpi slt, %add3A_522, %lt3A_523 : i32
        %convert_element_type3A_525 = arith.extui %lt3A_524 : i1 to i32
        %cond3A_526 = arith.constant 0 : i32
        %cond3A_527 = arith.cmpi ne, %convert_element_type3A_525, %cond3A_526 : i32
        scf.if %cond3A_527 {
          %add3A_603 = arith.constant 4 : i32
          %add3A_604 = arith.addi %add3A_150, %add3A_603 : i32
          %add3A_605 = arith.constant 8 : i32
          %add3A_606 = arith.addi %add3A_604, %add3A_605 : i32
          %dma_start3A_607 = arith.constant 4 : i32
          %dma_start3A_608 = arith.constant 4 : i32
          %dma_start3A_609 = arith.constant 0 : i32
          %dma_start3A_610 = arith.constant 0 : i32
          %dma_start3A_611 = tpu.memref_slice %arg9[%dma_start3A_607, %dma_start3A_609, %dma_start3A_610] : memref<8x128x64xbf16, #tpu.memory_space<vmem>> -> memref<1x128x64xbf16, #tpu.memory_space<vmem>>
          %dma_start3A_612 = tpu.memref_squeeze %dma_start3A_611 : memref<1x128x64xbf16, #tpu.memory_space<vmem>> -> memref<128x64xbf16, #tpu.memory_space<vmem>>
          %dma_start3A_613 = arith.constant 0 : i32
          %dma_start3A_614 = tpu.memref_slice %arg7[%add3A_606, %dma_start3A_613] : memref<80x128xi32, #tpu.memory_space<vmem>> -> memref<1x128xi32, #tpu.memory_space<vmem>>
          %dma_start3A_615 = tpu.memref_squeeze %dma_start3A_614 : memref<1x128xi32, #tpu.memory_space<vmem>> -> memref<128xi32, #tpu.memory_space<vmem>>
          %dma_start3A_616 = arith.constant 0 : i32
          %dma_start3A_617 = arith.constant 0 : i32
          %dma_start3A_618 = tpu.memref_slice %arg2[%dma_start3A_616, %dma_start3A_617] : memref<20000x64xbf16, #tpu.memory_space<hbm>> -> memref<20000x64xbf16, #tpu.memory_space<hbm>>
          %dma_start3A_619 = tpu.memref_slice %arg11[%dma_start3A_608] : memref<8x!tpu.dma_semaphore, #tpu.memory_space<semaphore_mem>> -> memref<1x!tpu.dma_semaphore, #tpu.memory_space<semaphore_mem>>
          %dma_start3A_620 = tpu.memref_squeeze %dma_start3A_619 : memref<1x!tpu.dma_semaphore, #tpu.memory_space<semaphore_mem>> -> memref<!tpu.dma_semaphore, #tpu.memory_space<semaphore_mem>>
          tpu.enqueue_indirect_dma source(%dma_start3A_618 : memref<20000x64xbf16, #tpu.memory_space<hbm>>) target(%dma_start3A_612 : memref<128x64xbf16, #tpu.memory_space<vmem>>) offsets(%dma_start3A_615 : memref<128xi32, #tpu.memory_space<vmem>>) semaphore(%dma_start3A_620 : memref<!tpu.dma_semaphore, #tpu.memory_space<semaphore_mem>>)
        } else {
        }
        %add3A_528 = arith.constant 5 : i32
        %add3A_529 = arith.addi %add3A_150, %add3A_528 : i32
        %dma_wait3A_530 = arith.constant 5 : i32
        %dma_wait3A_531 = arith.constant 5 : i32
        %dma_wait3A_532 = arith.constant 0 : i32
        %dma_wait3A_533 = arith.constant 0 : i32
        %dma_wait3A_534 = tpu.memref_slice %arg9[%dma_wait3A_530, %dma_wait3A_532, %dma_wait3A_533] : memref<8x128x64xbf16, #tpu.memory_space<vmem>> -> memref<1x128x64xbf16, #tpu.memory_space<vmem>>
        %dma_wait3A_535 = tpu.memref_squeeze %dma_wait3A_534 : memref<1x128x64xbf16, #tpu.memory_space<vmem>> -> memref<128x64xbf16, #tpu.memory_space<vmem>>
        %dma_wait3A_536 = arith.constant 0 : i32
        %dma_wait3A_537 = tpu.memref_slice %arg8[%add3A_529, %dma_wait3A_536] : memref<80x128xi32, #tpu.memory_space<vmem>> -> memref<1x128xi32, #tpu.memory_space<vmem>>
        %dma_wait3A_538 = tpu.memref_squeeze %dma_wait3A_537 : memref<1x128xi32, #tpu.memory_space<vmem>> -> memref<128xi32, #tpu.memory_space<vmem>>
        %dma_wait3A_539 = arith.constant 0 : i32
        %dma_wait3A_540 = arith.constant 0 : i32
        %dma_wait3A_541 = tpu.memref_slice %arg10[%dma_wait3A_539, %dma_wait3A_540] : memref<10240x64xbf16, #tpu.memory_space<vmem_shared>> -> memref<10240x64xbf16, #tpu.memory_space<vmem_shared>>
        %dma_wait3A_542 = tpu.memref_slice %arg12[%dma_wait3A_531] : memref<8x!tpu.dma_semaphore, #tpu.memory_space<semaphore_mem>> -> memref<1x!tpu.dma_semaphore, #tpu.memory_space<semaphore_mem>>
        %dma_wait3A_543 = tpu.memref_squeeze %dma_wait3A_542 : memref<1x!tpu.dma_semaphore, #tpu.memory_space<semaphore_mem>> -> memref<!tpu.dma_semaphore, #tpu.memory_space<semaphore_mem>>
        tpu.wait_indirect_dma semaphore(%dma_wait3A_543 : memref<!tpu.dma_semaphore, #tpu.memory_space<semaphore_mem>>) src(%dma_wait3A_535 : memref<128x64xbf16, #tpu.memory_space<vmem>>) dst(%dma_wait3A_541 : memref<10240x64xbf16, #tpu.memory_space<vmem_shared>>)
        %add3A_544 = arith.constant 5 : i32
        %add3A_545 = arith.addi %add3A_150, %add3A_544 : i32
        %add3A_546 = arith.constant 8 : i32
        %add3A_547 = arith.addi %add3A_545, %add3A_546 : i32
        %lt3A_548 = arith.constant 80 : i32
        %lt3A_549 = arith.cmpi slt, %add3A_547, %lt3A_548 : i32
        %convert_element_type3A_550 = arith.extui %lt3A_549 : i1 to i32
        %cond3A_551 = arith.constant 0 : i32
        %cond3A_552 = arith.cmpi ne, %convert_element_type3A_550, %cond3A_551 : i32
        scf.if %cond3A_552 {
          %add3A_603 = arith.constant 5 : i32
          %add3A_604 = arith.addi %add3A_150, %add3A_603 : i32
          %add3A_605 = arith.constant 8 : i32
          %add3A_606 = arith.addi %add3A_604, %add3A_605 : i32
          %dma_start3A_607 = arith.constant 5 : i32
          %dma_start3A_608 = arith.constant 5 : i32
          %dma_start3A_609 = arith.constant 0 : i32
          %dma_start3A_610 = arith.constant 0 : i32
          %dma_start3A_611 = tpu.memref_slice %arg9[%dma_start3A_607, %dma_start3A_609, %dma_start3A_610] : memref<8x128x64xbf16, #tpu.memory_space<vmem>> -> memref<1x128x64xbf16, #tpu.memory_space<vmem>>
          %dma_start3A_612 = tpu.memref_squeeze %dma_start3A_611 : memref<1x128x64xbf16, #tpu.memory_space<vmem>> -> memref<128x64xbf16, #tpu.memory_space<vmem>>
          %dma_start3A_613 = arith.constant 0 : i32
          %dma_start3A_614 = tpu.memref_slice %arg7[%add3A_606, %dma_start3A_613] : memref<80x128xi32, #tpu.memory_space<vmem>> -> memref<1x128xi32, #tpu.memory_space<vmem>>
          %dma_start3A_615 = tpu.memref_squeeze %dma_start3A_614 : memref<1x128xi32, #tpu.memory_space<vmem>> -> memref<128xi32, #tpu.memory_space<vmem>>
          %dma_start3A_616 = arith.constant 0 : i32
          %dma_start3A_617 = arith.constant 0 : i32
          %dma_start3A_618 = tpu.memref_slice %arg2[%dma_start3A_616, %dma_start3A_617] : memref<20000x64xbf16, #tpu.memory_space<hbm>> -> memref<20000x64xbf16, #tpu.memory_space<hbm>>
          %dma_start3A_619 = tpu.memref_slice %arg11[%dma_start3A_608] : memref<8x!tpu.dma_semaphore, #tpu.memory_space<semaphore_mem>> -> memref<1x!tpu.dma_semaphore, #tpu.memory_space<semaphore_mem>>
          %dma_start3A_620 = tpu.memref_squeeze %dma_start3A_619 : memref<1x!tpu.dma_semaphore, #tpu.memory_space<semaphore_mem>> -> memref<!tpu.dma_semaphore, #tpu.memory_space<semaphore_mem>>
          tpu.enqueue_indirect_dma source(%dma_start3A_618 : memref<20000x64xbf16, #tpu.memory_space<hbm>>) target(%dma_start3A_612 : memref<128x64xbf16, #tpu.memory_space<vmem>>) offsets(%dma_start3A_615 : memref<128xi32, #tpu.memory_space<vmem>>) semaphore(%dma_start3A_620 : memref<!tpu.dma_semaphore, #tpu.memory_space<semaphore_mem>>)
        } else {
        }
        %add3A_553 = arith.constant 6 : i32
        %add3A_554 = arith.addi %add3A_150, %add3A_553 : i32
        %dma_wait3A_555 = arith.constant 6 : i32
        %dma_wait3A_556 = arith.constant 6 : i32
        %dma_wait3A_557 = arith.constant 0 : i32
        %dma_wait3A_558 = arith.constant 0 : i32
        %dma_wait3A_559 = tpu.memref_slice %arg9[%dma_wait3A_555, %dma_wait3A_557, %dma_wait3A_558] : memref<8x128x64xbf16, #tpu.memory_space<vmem>> -> memref<1x128x64xbf16, #tpu.memory_space<vmem>>
        %dma_wait3A_560 = tpu.memref_squeeze %dma_wait3A_559 : memref<1x128x64xbf16, #tpu.memory_space<vmem>> -> memref<128x64xbf16, #tpu.memory_space<vmem>>
        %dma_wait3A_561 = arith.constant 0 : i32
        %dma_wait3A_562 = tpu.memref_slice %arg8[%add3A_554, %dma_wait3A_561] : memref<80x128xi32, #tpu.memory_space<vmem>> -> memref<1x128xi32, #tpu.memory_space<vmem>>
        %dma_wait3A_563 = tpu.memref_squeeze %dma_wait3A_562 : memref<1x128xi32, #tpu.memory_space<vmem>> -> memref<128xi32, #tpu.memory_space<vmem>>
        %dma_wait3A_564 = arith.constant 0 : i32
        %dma_wait3A_565 = arith.constant 0 : i32
        %dma_wait3A_566 = tpu.memref_slice %arg10[%dma_wait3A_564, %dma_wait3A_565] : memref<10240x64xbf16, #tpu.memory_space<vmem_shared>> -> memref<10240x64xbf16, #tpu.memory_space<vmem_shared>>
        %dma_wait3A_567 = tpu.memref_slice %arg12[%dma_wait3A_556] : memref<8x!tpu.dma_semaphore, #tpu.memory_space<semaphore_mem>> -> memref<1x!tpu.dma_semaphore, #tpu.memory_space<semaphore_mem>>
        %dma_wait3A_568 = tpu.memref_squeeze %dma_wait3A_567 : memref<1x!tpu.dma_semaphore, #tpu.memory_space<semaphore_mem>> -> memref<!tpu.dma_semaphore, #tpu.memory_space<semaphore_mem>>
        tpu.wait_indirect_dma semaphore(%dma_wait3A_568 : memref<!tpu.dma_semaphore, #tpu.memory_space<semaphore_mem>>) src(%dma_wait3A_560 : memref<128x64xbf16, #tpu.memory_space<vmem>>) dst(%dma_wait3A_566 : memref<10240x64xbf16, #tpu.memory_space<vmem_shared>>)
        %add3A_569 = arith.constant 6 : i32
        %add3A_570 = arith.addi %add3A_150, %add3A_569 : i32
        %add3A_571 = arith.constant 8 : i32
        %add3A_572 = arith.addi %add3A_570, %add3A_571 : i32
        %lt3A_573 = arith.constant 80 : i32
        %lt3A_574 = arith.cmpi slt, %add3A_572, %lt3A_573 : i32
        %convert_element_type3A_575 = arith.extui %lt3A_574 : i1 to i32
        %cond3A_576 = arith.constant 0 : i32
        %cond3A_577 = arith.cmpi ne, %convert_element_type3A_575, %cond3A_576 : i32
        scf.if %cond3A_577 {
          %add3A_603 = arith.constant 6 : i32
          %add3A_604 = arith.addi %add3A_150, %add3A_603 : i32
          %add3A_605 = arith.constant 8 : i32
          %add3A_606 = arith.addi %add3A_604, %add3A_605 : i32
          %dma_start3A_607 = arith.constant 6 : i32
          %dma_start3A_608 = arith.constant 6 : i32
          %dma_start3A_609 = arith.constant 0 : i32
          %dma_start3A_610 = arith.constant 0 : i32
          %dma_start3A_611 = tpu.memref_slice %arg9[%dma_start3A_607, %dma_start3A_609, %dma_start3A_610] : memref<8x128x64xbf16, #tpu.memory_space<vmem>> -> memref<1x128x64xbf16, #tpu.memory_space<vmem>>
          %dma_start3A_612 = tpu.memref_squeeze %dma_start3A_611 : memref<1x128x64xbf16, #tpu.memory_space<vmem>> -> memref<128x64xbf16, #tpu.memory_space<vmem>>
          %dma_start3A_613 = arith.constant 0 : i32
          %dma_start3A_614 = tpu.memref_slice %arg7[%add3A_606, %dma_start3A_613] : memref<80x128xi32, #tpu.memory_space<vmem>> -> memref<1x128xi32, #tpu.memory_space<vmem>>
          %dma_start3A_615 = tpu.memref_squeeze %dma_start3A_614 : memref<1x128xi32, #tpu.memory_space<vmem>> -> memref<128xi32, #tpu.memory_space<vmem>>
          %dma_start3A_616 = arith.constant 0 : i32
          %dma_start3A_617 = arith.constant 0 : i32
          %dma_start3A_618 = tpu.memref_slice %arg2[%dma_start3A_616, %dma_start3A_617] : memref<20000x64xbf16, #tpu.memory_space<hbm>> -> memref<20000x64xbf16, #tpu.memory_space<hbm>>
          %dma_start3A_619 = tpu.memref_slice %arg11[%dma_start3A_608] : memref<8x!tpu.dma_semaphore, #tpu.memory_space<semaphore_mem>> -> memref<1x!tpu.dma_semaphore, #tpu.memory_space<semaphore_mem>>
          %dma_start3A_620 = tpu.memref_squeeze %dma_start3A_619 : memref<1x!tpu.dma_semaphore, #tpu.memory_space<semaphore_mem>> -> memref<!tpu.dma_semaphore, #tpu.memory_space<semaphore_mem>>
          tpu.enqueue_indirect_dma source(%dma_start3A_618 : memref<20000x64xbf16, #tpu.memory_space<hbm>>) target(%dma_start3A_612 : memref<128x64xbf16, #tpu.memory_space<vmem>>) offsets(%dma_start3A_615 : memref<128xi32, #tpu.memory_space<vmem>>) semaphore(%dma_start3A_620 : memref<!tpu.dma_semaphore, #tpu.memory_space<semaphore_mem>>)
        } else {
        }
        %add3A_578 = arith.constant 7 : i32
        %add3A_579 = arith.addi %add3A_150, %add3A_578 : i32
        %dma_wait3A_580 = arith.constant 7 : i32
        %dma_wait3A_581 = arith.constant 7 : i32
        %dma_wait3A_582 = arith.constant 0 : i32
        %dma_wait3A_583 = arith.constant 0 : i32
        %dma_wait3A_584 = tpu.memref_slice %arg9[%dma_wait3A_580, %dma_wait3A_582, %dma_wait3A_583] : memref<8x128x64xbf16, #tpu.memory_space<vmem>> -> memref<1x128x64xbf16, #tpu.memory_space<vmem>>
        %dma_wait3A_585 = tpu.memref_squeeze %dma_wait3A_584 : memref<1x128x64xbf16, #tpu.memory_space<vmem>> -> memref<128x64xbf16, #tpu.memory_space<vmem>>
        %dma_wait3A_586 = arith.constant 0 : i32
        %dma_wait3A_587 = tpu.memref_slice %arg8[%add3A_579, %dma_wait3A_586] : memref<80x128xi32, #tpu.memory_space<vmem>> -> memref<1x128xi32, #tpu.memory_space<vmem>>
        %dma_wait3A_588 = tpu.memref_squeeze %dma_wait3A_587 : memref<1x128xi32, #tpu.memory_space<vmem>> -> memref<128xi32, #tpu.memory_space<vmem>>
        %dma_wait3A_589 = arith.constant 0 : i32
        %dma_wait3A_590 = arith.constant 0 : i32
        %dma_wait3A_591 = tpu.memref_slice %arg10[%dma_wait3A_589, %dma_wait3A_590] : memref<10240x64xbf16, #tpu.memory_space<vmem_shared>> -> memref<10240x64xbf16, #tpu.memory_space<vmem_shared>>
        %dma_wait3A_592 = tpu.memref_slice %arg12[%dma_wait3A_581] : memref<8x!tpu.dma_semaphore, #tpu.memory_space<semaphore_mem>> -> memref<1x!tpu.dma_semaphore, #tpu.memory_space<semaphore_mem>>
        %dma_wait3A_593 = tpu.memref_squeeze %dma_wait3A_592 : memref<1x!tpu.dma_semaphore, #tpu.memory_space<semaphore_mem>> -> memref<!tpu.dma_semaphore, #tpu.memory_space<semaphore_mem>>
        tpu.wait_indirect_dma semaphore(%dma_wait3A_593 : memref<!tpu.dma_semaphore, #tpu.memory_space<semaphore_mem>>) src(%dma_wait3A_585 : memref<128x64xbf16, #tpu.memory_space<vmem>>) dst(%dma_wait3A_591 : memref<10240x64xbf16, #tpu.memory_space<vmem_shared>>)
        %add3A_594 = arith.constant 7 : i32
        %add3A_595 = arith.addi %add3A_150, %add3A_594 : i32
        %add3A_596 = arith.constant 8 : i32
        %add3A_597 = arith.addi %add3A_595, %add3A_596 : i32
        %lt3A_598 = arith.constant 80 : i32
        %lt3A_599 = arith.cmpi slt, %add3A_597, %lt3A_598 : i32
        %convert_element_type3A_600 = arith.extui %lt3A_599 : i1 to i32
        %cond3A_601 = arith.constant 0 : i32
        %cond3A_602 = arith.cmpi ne, %convert_element_type3A_600, %cond3A_601 : i32
        scf.if %cond3A_602 {
          %add3A_603 = arith.constant 7 : i32
          %add3A_604 = arith.addi %add3A_150, %add3A_603 : i32
          %add3A_605 = arith.constant 8 : i32
          %add3A_606 = arith.addi %add3A_604, %add3A_605 : i32
          %dma_start3A_607 = arith.constant 7 : i32
          %dma_start3A_608 = arith.constant 7 : i32
          %dma_start3A_609 = arith.constant 0 : i32
          %dma_start3A_610 = arith.constant 0 : i32
          %dma_start3A_611 = tpu.memref_slice %arg9[%dma_start3A_607, %dma_start3A_609, %dma_start3A_610] : memref<8x128x64xbf16, #tpu.memory_space<vmem>> -> memref<1x128x64xbf16, #tpu.memory_space<vmem>>
          %dma_start3A_612 = tpu.memref_squeeze %dma_start3A_611 : memref<1x128x64xbf16, #tpu.memory_space<vmem>> -> memref<128x64xbf16, #tpu.memory_space<vmem>>
          %dma_start3A_613 = arith.constant 0 : i32
          %dma_start3A_614 = tpu.memref_slice %arg7[%add3A_606, %dma_start3A_613] : memref<80x128xi32, #tpu.memory_space<vmem>> -> memref<1x128xi32, #tpu.memory_space<vmem>>
          %dma_start3A_615 = tpu.memref_squeeze %dma_start3A_614 : memref<1x128xi32, #tpu.memory_space<vmem>> -> memref<128xi32, #tpu.memory_space<vmem>>
          %dma_start3A_616 = arith.constant 0 : i32
          %dma_start3A_617 = arith.constant 0 : i32
          %dma_start3A_618 = tpu.memref_slice %arg2[%dma_start3A_616, %dma_start3A_617] : memref<20000x64xbf16, #tpu.memory_space<hbm>> -> memref<20000x64xbf16, #tpu.memory_space<hbm>>
          %dma_start3A_619 = tpu.memref_slice %arg11[%dma_start3A_608] : memref<8x!tpu.dma_semaphore, #tpu.memory_space<semaphore_mem>> -> memref<1x!tpu.dma_semaphore, #tpu.memory_space<semaphore_mem>>
          %dma_start3A_620 = tpu.memref_squeeze %dma_start3A_619 : memref<1x!tpu.dma_semaphore, #tpu.memory_space<semaphore_mem>> -> memref<!tpu.dma_semaphore, #tpu.memory_space<semaphore_mem>>
          tpu.enqueue_indirect_dma source(%dma_start3A_618 : memref<20000x64xbf16, #tpu.memory_space<hbm>>) target(%dma_start3A_612 : memref<128x64xbf16, #tpu.memory_space<vmem>>) offsets(%dma_start3A_615 : memref<128xi32, #tpu.memory_space<vmem>>) semaphore(%dma_start3A_620 : memref<!tpu.dma_semaphore, #tpu.memory_space<semaphore_mem>>)
        } else {
        }
      }
      %scan3A_145 = arith.constant 10 : i32
    }
    %scan3A_10 = arith.constant 2 : i32
    %barrier3A_11 = arith.constant 0 : index
    tpu.barrier barrier_id(%barrier3A_11)
    %mul3A_12 = arith.constant 10240 : i32
    %mul3A_13 = arith.muli %arg0, %mul3A_12 : i32
    %add3A_14 = arith.addi %mul3A_13, %mul3A_0 : i32
    "tpu.region"() ({
      %run_scoped3A = tpu.sem_alloc : memref<!tpu.dma_semaphore, #tpu.memory_space<semaphore_mem>>
      %dma_start3A = arith.constant 0 : i32
      %dma_start3A_15 = tpu.memref_slice %arg6[%add3A_14, %dma_start3A] : memref<20480x64xbf16, #tpu.memory_space<hbm>> -> memref<640x64xbf16, #tpu.memory_space<hbm>>
      %dma_start3A_16 = arith.constant 0 : i32
      %dma_start3A_17 = tpu.memref_slice %arg10[%mul3A_0, %dma_start3A_16] : memref<10240x64xbf16, #tpu.memory_space<vmem_shared>> -> memref<640x64xbf16, #tpu.memory_space<vmem_shared>>
      tpu.enqueue_dma source(%dma_start3A_17 : memref<640x64xbf16, #tpu.memory_space<vmem_shared>>) target(%dma_start3A_15 : memref<640x64xbf16, #tpu.memory_space<hbm>>) target_semaphore(%run_scoped3A : memref<!tpu.dma_semaphore, #tpu.memory_space<semaphore_mem>>)
      %dma_wait3A = arith.constant 0 : i32
      %dma_wait3A_18 = tpu.memref_slice %arg6[%add3A_14, %dma_wait3A] : memref<20480x64xbf16, #tpu.memory_space<hbm>> -> memref<640x64xbf16, #tpu.memory_space<hbm>>
      %dma_wait3A_19 = arith.constant 0 : i32
      %dma_wait3A_20 = tpu.memref_slice %arg10[%mul3A_0, %dma_wait3A_19] : memref<10240x64xbf16, #tpu.memory_space<vmem_shared>> -> memref<640x64xbf16, #tpu.memory_space<vmem_shared>>
      tpu.wait_dma2 semaphore(%run_scoped3A : memref<!tpu.dma_semaphore, #tpu.memory_space<semaphore_mem>>) src(%dma_wait3A_20 : memref<640x64xbf16, #tpu.memory_space<vmem_shared>>) dst(%dma_wait3A_18 : memref<640x64xbf16, #tpu.memory_space<hbm>>)
      tpu.yield
    }) : () -> ()
    return
  }
}

#map = affine_map<(d0, d1) -> (0, 0)>
module attributes {stable_mosaic.version = 14 : i64} {
  func.func @k(%arg0: i32, %arg1: i32, %arg2: memref<10000x64xbf16, #tpu.memory_space<hbm>>, %arg3: memref<2560x128xi32, #tpu.memory_space<hbm>>, %arg4: memref<2560x128xi32, #tpu.memory_space<hbm>>, %arg5: memref<10240x64xbf16, #tpu.memory_space<hbm>>, %arg6: memref<20480x64xbf16, #tpu.memory_space<hbm>>, %arg7: memref<80x128xi32, #tpu.memory_space<vmem>>, %arg8: memref<80x128xi32, #tpu.memory_space<vmem>>, %arg9: memref<8x128x64xbf16, #tpu.memory_space<vmem>>, %arg10: memref<10240x64xbf16, #tpu.memory_space<vmem_shared>>, %arg11: memref<8x!tpu.dma_semaphore, #tpu.memory_space<semaphore_mem>>, %arg12: memref<8x!tpu.dma_semaphore, #tpu.memory_space<semaphore_mem>>) attributes {dimension_semantics = [#tpu.dimension_semantics<core_parallel>, #tpu.dimension_semantics<subcore_parallel>], iteration_bounds = array<i64: 2, 16>, scalar_prefetch = 0 : i64, scratch_operands = 6 : i64, tpu.core_type = #tpu.core_type<sc_vector_subcore>, window_params = [{transform_indices = #map}, {transform_indices = #map}, {transform_indices = #map}, {transform_indices = #map}, {transform_indices = #map}]} {
    %mul3A = arith.constant 16 : i32
    %mul3A_0 = arith.muli %arg0, %mul3A : i32
    %add3A = arith.addi %mul3A_0, %arg1 : i32
    %mul3A_1 = arith.constant 640 : i32
    %mul3A_2 = arith.muli %arg1, %mul3A_1 : i32
    %mul3A_3 = arith.constant 80 : i32
    %mul3A_4 = arith.muli %add3A, %mul3A_3 : i32
    "tpu.region"() ({
      %run_scoped3A = tpu.sem_alloc : memref<!tpu.dma_semaphore, #tpu.memory_space<semaphore_mem>>
      %dma_start3A_140 = arith.constant 0 : i32
      %dma_start3A_141 = tpu.memref_slice %arg10[%mul3A_2, %dma_start3A_140] : memref<10240x64xbf16, #tpu.memory_space<vmem_shared>> -> memref<640x64xbf16, #tpu.memory_space<vmem_shared>>
      %dma_start3A_142 = arith.constant 0 : i32
      %dma_start3A_143 = tpu.memref_slice %arg5[%mul3A_2, %dma_start3A_142] : memref<10240x64xbf16, #tpu.memory_space<hbm>> -> memref<640x64xbf16, #tpu.memory_space<hbm>>
      tpu.enqueue_dma source(%dma_start3A_143 : memref<640x64xbf16, #tpu.memory_space<hbm>>) target(%dma_start3A_141 : memref<640x64xbf16, #tpu.memory_space<vmem_shared>>) target_semaphore(%run_scoped3A : memref<!tpu.dma_semaphore, #tpu.memory_space<semaphore_mem>>)
      %dma_wait3A = arith.constant 0 : i32
      %dma_wait3A_144 = tpu.memref_slice %arg10[%mul3A_2, %dma_wait3A] : memref<10240x64xbf16, #tpu.memory_space<vmem_shared>> -> memref<640x64xbf16, #tpu.memory_space<vmem_shared>>
      %dma_wait3A_145 = arith.constant 0 : i32
      %dma_wait3A_146 = tpu.memref_slice %arg5[%mul3A_2, %dma_wait3A_145] : memref<10240x64xbf16, #tpu.memory_space<hbm>> -> memref<640x64xbf16, #tpu.memory_space<hbm>>
      tpu.wait_dma2 semaphore(%run_scoped3A : memref<!tpu.dma_semaphore, #tpu.memory_space<semaphore_mem>>) src(%dma_wait3A_146 : memref<640x64xbf16, #tpu.memory_space<hbm>>) dst(%dma_wait3A_144 : memref<640x64xbf16, #tpu.memory_space<vmem_shared>>)
      tpu.yield
    }) : () -> ()
    %barrier3A = arith.constant 0 : index
    tpu.barrier barrier_id(%barrier3A)
    %scan3A = arith.constant 0 : i32
    %mul3A_5 = arith.constant 80 : i32
    %mul3A_6 = arith.muli %scan3A, %mul3A_5 : i32
    %add3A_7 = arith.constant 0 : i32
    %add3A_8 = arith.addi %add3A_7, %mul3A_6 : i32
    %add3A_9 = arith.addi %mul3A_4, %add3A_8 : i32
    "tpu.region"() ({
      %run_scoped3A = tpu.sem_alloc : memref<!tpu.dma_semaphore, #tpu.memory_space<semaphore_mem>>
      %dma_start3A_140 = arith.constant 0 : i32
      %dma_start3A_141 = tpu.memref_slice %arg3[%add3A_9, %dma_start3A_140] : memref<2560x128xi32, #tpu.memory_space<hbm>> -> memref<80x128xi32, #tpu.memory_space<hbm>>
      %dma_start3A_142 = arith.constant 0 : i32
      %dma_start3A_143 = tpu.memref_slice %arg3[%add3A_9, %dma_start3A_142] : memref<2560x128xi32, #tpu.memory_space<hbm>> -> memref<80x128xi32, #tpu.memory_space<hbm>>
      tpu.enqueue_dma source(%dma_start3A_143 : memref<80x128xi32, #tpu.memory_space<hbm>>) target(%arg7 : memref<80x128xi32, #tpu.memory_space<vmem>>) target_semaphore(%run_scoped3A : memref<!tpu.dma_semaphore, #tpu.memory_space<semaphore_mem>>)
      %dma_wait3A = arith.constant 0 : i32
      %dma_wait3A_144 = tpu.memref_slice %arg3[%add3A_9, %dma_wait3A] : memref<2560x128xi32, #tpu.memory_space<hbm>> -> memref<80x128xi32, #tpu.memory_space<hbm>>
      %dma_wait3A_145 = arith.constant 0 : i32
      %dma_wait3A_146 = tpu.memref_slice %arg3[%add3A_9, %dma_wait3A_145] : memref<2560x128xi32, #tpu.memory_space<hbm>> -> memref<80x128xi32, #tpu.memory_space<hbm>>
      tpu.wait_dma2 semaphore(%run_scoped3A : memref<!tpu.dma_semaphore, #tpu.memory_space<semaphore_mem>>) src(%dma_wait3A_146 : memref<80x128xi32, #tpu.memory_space<hbm>>) dst(%arg7 : memref<80x128xi32, #tpu.memory_space<vmem>>)
      tpu.yield
    }) : () -> ()
    %add3A_10 = arith.addi %mul3A_4, %add3A_8 : i32
    "tpu.region"() ({
      %run_scoped3A = tpu.sem_alloc : memref<!tpu.dma_semaphore, #tpu.memory_space<semaphore_mem>>
      %dma_start3A_140 = arith.constant 0 : i32
      %dma_start3A_141 = tpu.memref_slice %arg4[%add3A_10, %dma_start3A_140] : memref<2560x128xi32, #tpu.memory_space<hbm>> -> memref<80x128xi32, #tpu.memory_space<hbm>>
      %dma_start3A_142 = arith.constant 0 : i32
      %dma_start3A_143 = tpu.memref_slice %arg4[%add3A_10, %dma_start3A_142] : memref<2560x128xi32, #tpu.memory_space<hbm>> -> memref<80x128xi32, #tpu.memory_space<hbm>>
      tpu.enqueue_dma source(%dma_start3A_143 : memref<80x128xi32, #tpu.memory_space<hbm>>) target(%arg8 : memref<80x128xi32, #tpu.memory_space<vmem>>) target_semaphore(%run_scoped3A : memref<!tpu.dma_semaphore, #tpu.memory_space<semaphore_mem>>)
      %dma_wait3A = arith.constant 0 : i32
      %dma_wait3A_144 = tpu.memref_slice %arg4[%add3A_10, %dma_wait3A] : memref<2560x128xi32, #tpu.memory_space<hbm>> -> memref<80x128xi32, #tpu.memory_space<hbm>>
      %dma_wait3A_145 = arith.constant 0 : i32
      %dma_wait3A_146 = tpu.memref_slice %arg4[%add3A_10, %dma_wait3A_145] : memref<2560x128xi32, #tpu.memory_space<hbm>> -> memref<80x128xi32, #tpu.memory_space<hbm>>
      tpu.wait_dma2 semaphore(%run_scoped3A : memref<!tpu.dma_semaphore, #tpu.memory_space<semaphore_mem>>) src(%dma_wait3A_146 : memref<80x128xi32, #tpu.memory_space<hbm>>) dst(%arg8 : memref<80x128xi32, #tpu.memory_space<vmem>>)
      tpu.yield
    }) : () -> ()
    %dma_start3A = arith.constant 0 : i32
    %dma_start3A_11 = arith.constant 0 : i32
    %dma_start3A_12 = arith.constant 0 : i32
    %dma_start3A_13 = arith.constant 0 : i32
    %dma_start3A_14 = arith.constant 0 : i32
    %dma_start3A_15 = tpu.memref_slice %arg9[%dma_start3A_11, %dma_start3A_13, %dma_start3A_14] : memref<8x128x64xbf16, #tpu.memory_space<vmem>> -> memref<1x128x64xbf16, #tpu.memory_space<vmem>>
    %dma_start3A_16 = tpu.memref_squeeze %dma_start3A_15 : memref<1x128x64xbf16, #tpu.memory_space<vmem>> -> memref<128x64xbf16, #tpu.memory_space<vmem>>
    %dma_start3A_17 = arith.constant 0 : i32
    %dma_start3A_18 = tpu.memref_slice %arg7[%dma_start3A, %dma_start3A_17] : memref<80x128xi32, #tpu.memory_space<vmem>> -> memref<1x128xi32, #tpu.memory_space<vmem>>
    %dma_start3A_19 = tpu.memref_squeeze %dma_start3A_18 : memref<1x128xi32, #tpu.memory_space<vmem>> -> memref<128xi32, #tpu.memory_space<vmem>>
    %dma_start3A_20 = arith.constant 0 : i32
    %dma_start3A_21 = arith.constant 0 : i32
    %dma_start3A_22 = tpu.memref_slice %arg2[%dma_start3A_20, %dma_start3A_21] : memref<10000x64xbf16, #tpu.memory_space<hbm>> -> memref<10000x64xbf16, #tpu.memory_space<hbm>>
    %dma_start3A_23 = tpu.memref_slice %arg11[%dma_start3A_12] : memref<8x!tpu.dma_semaphore, #tpu.memory_space<semaphore_mem>> -> memref<1x!tpu.dma_semaphore, #tpu.memory_space<semaphore_mem>>
    %dma_start3A_24 = tpu.memref_squeeze %dma_start3A_23 : memref<1x!tpu.dma_semaphore, #tpu.memory_space<semaphore_mem>> -> memref<!tpu.dma_semaphore, #tpu.memory_space<semaphore_mem>>
    tpu.enqueue_indirect_dma source(%dma_start3A_22 : memref<10000x64xbf16, #tpu.memory_space<hbm>>) target(%dma_start3A_16 : memref<128x64xbf16, #tpu.memory_space<vmem>>) offsets(%dma_start3A_19 : memref<128xi32, #tpu.memory_space<vmem>>) semaphore(%dma_start3A_24 : memref<!tpu.dma_semaphore, #tpu.memory_space<semaphore_mem>>)
    %dma_start3A_25 = arith.constant 1 : i32
    %dma_start3A_26 = arith.constant 1 : i32
    %dma_start3A_27 = arith.constant 1 : i32
    %dma_start3A_28 = arith.constant 0 : i32
    %dma_start3A_29 = arith.constant 0 : i32
    %dma_start3A_30 = tpu.memref_slice %arg9[%dma_start3A_26, %dma_start3A_28, %dma_start3A_29] : memref<8x128x64xbf16, #tpu.memory_space<vmem>> -> memref<1x128x64xbf16, #tpu.memory_space<vmem>>
    %dma_start3A_31 = tpu.memref_squeeze %dma_start3A_30 : memref<1x128x64xbf16, #tpu.memory_space<vmem>> -> memref<128x64xbf16, #tpu.memory_space<vmem>>
    %dma_start3A_32 = arith.constant 0 : i32
    %dma_start3A_33 = tpu.memref_slice %arg7[%dma_start3A_25, %dma_start3A_32] : memref<80x128xi32, #tpu.memory_space<vmem>> -> memref<1x128xi32, #tpu.memory_space<vmem>>
    %dma_start3A_34 = tpu.memref_squeeze %dma_start3A_33 : memref<1x128xi32, #tpu.memory_space<vmem>> -> memref<128xi32, #tpu.memory_space<vmem>>
    %dma_start3A_35 = arith.constant 0 : i32
    %dma_start3A_36 = arith.constant 0 : i32
    %dma_start3A_37 = tpu.memref_slice %arg2[%dma_start3A_35, %dma_start3A_36] : memref<10000x64xbf16, #tpu.memory_space<hbm>> -> memref<10000x64xbf16, #tpu.memory_space<hbm>>
    %dma_start3A_38 = tpu.memref_slice %arg11[%dma_start3A_27] : memref<8x!tpu.dma_semaphore, #tpu.memory_space<semaphore_mem>> -> memref<1x!tpu.dma_semaphore, #tpu.memory_space<semaphore_mem>>
    %dma_start3A_39 = tpu.memref_squeeze %dma_start3A_38 : memref<1x!tpu.dma_semaphore, #tpu.memory_space<semaphore_mem>> -> memref<!tpu.dma_semaphore, #tpu.memory_space<semaphore_mem>>
    tpu.enqueue_indirect_dma source(%dma_start3A_37 : memref<10000x64xbf16, #tpu.memory_space<hbm>>) target(%dma_start3A_31 : memref<128x64xbf16, #tpu.memory_space<vmem>>) offsets(%dma_start3A_34 : memref<128xi32, #tpu.memory_space<vmem>>) semaphore(%dma_start3A_39 : memref<!tpu.dma_semaphore, #tpu.memory_space<semaphore_mem>>)
    %dma_start3A_40 = arith.constant 2 : i32
    %dma_start3A_41 = arith.constant 2 : i32
    %dma_start3A_42 = arith.constant 2 : i32
    %dma_start3A_43 = arith.constant 0 : i32
    %dma_start3A_44 = arith.constant 0 : i32
    %dma_start3A_45 = tpu.memref_slice %arg9[%dma_start3A_41, %dma_start3A_43, %dma_start3A_44] : memref<8x128x64xbf16, #tpu.memory_space<vmem>> -> memref<1x128x64xbf16, #tpu.memory_space<vmem>>
    %dma_start3A_46 = tpu.memref_squeeze %dma_start3A_45 : memref<1x128x64xbf16, #tpu.memory_space<vmem>> -> memref<128x64xbf16, #tpu.memory_space<vmem>>
    %dma_start3A_47 = arith.constant 0 : i32
    %dma_start3A_48 = tpu.memref_slice %arg7[%dma_start3A_40, %dma_start3A_47] : memref<80x128xi32, #tpu.memory_space<vmem>> -> memref<1x128xi32, #tpu.memory_space<vmem>>
    %dma_start3A_49 = tpu.memref_squeeze %dma_start3A_48 : memref<1x128xi32, #tpu.memory_space<vmem>> -> memref<128xi32, #tpu.memory_space<vmem>>
    %dma_start3A_50 = arith.constant 0 : i32
    %dma_start3A_51 = arith.constant 0 : i32
    %dma_start3A_52 = tpu.memref_slice %arg2[%dma_start3A_50, %dma_start3A_51] : memref<10000x64xbf16, #tpu.memory_space<hbm>> -> memref<10000x64xbf16, #tpu.memory_space<hbm>>
    %dma_start3A_53 = tpu.memref_slice %arg11[%dma_start3A_42] : memref<8x!tpu.dma_semaphore, #tpu.memory_space<semaphore_mem>> -> memref<1x!tpu.dma_semaphore, #tpu.memory_space<semaphore_mem>>
    %dma_start3A_54 = tpu.memref_squeeze %dma_start3A_53 : memref<1x!tpu.dma_semaphore, #tpu.memory_space<semaphore_mem>> -> memref<!tpu.dma_semaphore, #tpu.memory_space<semaphore_mem>>
    tpu.enqueue_indirect_dma source(%dma_start3A_52 : memref<10000x64xbf16, #tpu.memory_space<hbm>>) target(%dma_start3A_46 : memref<128x64xbf16, #tpu.memory_space<vmem>>) offsets(%dma_start3A_49 : memref<128xi32, #tpu.memory_space<vmem>>) semaphore(%dma_start3A_54 : memref<!tpu.dma_semaphore, #tpu.memory_space<semaphore_mem>>)
    %dma_start3A_55 = arith.constant 3 : i32
    %dma_start3A_56 = arith.constant 3 : i32
    %dma_start3A_57 = arith.constant 3 : i32
    %dma_start3A_58 = arith.constant 0 : i32
    %dma_start3A_59 = arith.constant 0 : i32
    %dma_start3A_60 = tpu.memref_slice %arg9[%dma_start3A_56, %dma_start3A_58, %dma_start3A_59] : memref<8x128x64xbf16, #tpu.memory_space<vmem>> -> memref<1x128x64xbf16, #tpu.memory_space<vmem>>
    %dma_start3A_61 = tpu.memref_squeeze %dma_start3A_60 : memref<1x128x64xbf16, #tpu.memory_space<vmem>> -> memref<128x64xbf16, #tpu.memory_space<vmem>>
    %dma_start3A_62 = arith.constant 0 : i32
    %dma_start3A_63 = tpu.memref_slice %arg7[%dma_start3A_55, %dma_start3A_62] : memref<80x128xi32, #tpu.memory_space<vmem>> -> memref<1x128xi32, #tpu.memory_space<vmem>>
    %dma_start3A_64 = tpu.memref_squeeze %dma_start3A_63 : memref<1x128xi32, #tpu.memory_space<vmem>> -> memref<128xi32, #tpu.memory_space<vmem>>
    %dma_start3A_65 = arith.constant 0 : i32
    %dma_start3A_66 = arith.constant 0 : i32
    %dma_start3A_67 = tpu.memref_slice %arg2[%dma_start3A_65, %dma_start3A_66] : memref<10000x64xbf16, #tpu.memory_space<hbm>> -> memref<10000x64xbf16, #tpu.memory_space<hbm>>
    %dma_start3A_68 = tpu.memref_slice %arg11[%dma_start3A_57] : memref<8x!tpu.dma_semaphore, #tpu.memory_space<semaphore_mem>> -> memref<1x!tpu.dma_semaphore, #tpu.memory_space<semaphore_mem>>
    %dma_start3A_69 = tpu.memref_squeeze %dma_start3A_68 : memref<1x!tpu.dma_semaphore, #tpu.memory_space<semaphore_mem>> -> memref<!tpu.dma_semaphore, #tpu.memory_space<semaphore_mem>>
    tpu.enqueue_indirect_dma source(%dma_start3A_67 : memref<10000x64xbf16, #tpu.memory_space<hbm>>) target(%dma_start3A_61 : memref<128x64xbf16, #tpu.memory_space<vmem>>) offsets(%dma_start3A_64 : memref<128xi32, #tpu.memory_space<vmem>>) semaphore(%dma_start3A_69 : memref<!tpu.dma_semaphore, #tpu.memory_space<semaphore_mem>>)
    %dma_start3A_70 = arith.constant 4 : i32
    %dma_start3A_71 = arith.constant 4 : i32
    %dma_start3A_72 = arith.constant 4 : i32
    %dma_start3A_73 = arith.constant 0 : i32
    %dma_start3A_74 = arith.constant 0 : i32
    %dma_start3A_75 = tpu.memref_slice %arg9[%dma_start3A_71, %dma_start3A_73, %dma_start3A_74] : memref<8x128x64xbf16, #tpu.memory_space<vmem>> -> memref<1x128x64xbf16, #tpu.memory_space<vmem>>
    %dma_start3A_76 = tpu.memref_squeeze %dma_start3A_75 : memref<1x128x64xbf16, #tpu.memory_space<vmem>> -> memref<128x64xbf16, #tpu.memory_space<vmem>>
    %dma_start3A_77 = arith.constant 0 : i32
    %dma_start3A_78 = tpu.memref_slice %arg7[%dma_start3A_70, %dma_start3A_77] : memref<80x128xi32, #tpu.memory_space<vmem>> -> memref<1x128xi32, #tpu.memory_space<vmem>>
    %dma_start3A_79 = tpu.memref_squeeze %dma_start3A_78 : memref<1x128xi32, #tpu.memory_space<vmem>> -> memref<128xi32, #tpu.memory_space<vmem>>
    %dma_start3A_80 = arith.constant 0 : i32
    %dma_start3A_81 = arith.constant 0 : i32
    %dma_start3A_82 = tpu.memref_slice %arg2[%dma_start3A_80, %dma_start3A_81] : memref<10000x64xbf16, #tpu.memory_space<hbm>> -> memref<10000x64xbf16, #tpu.memory_space<hbm>>
    %dma_start3A_83 = tpu.memref_slice %arg11[%dma_start3A_72] : memref<8x!tpu.dma_semaphore, #tpu.memory_space<semaphore_mem>> -> memref<1x!tpu.dma_semaphore, #tpu.memory_space<semaphore_mem>>
    %dma_start3A_84 = tpu.memref_squeeze %dma_start3A_83 : memref<1x!tpu.dma_semaphore, #tpu.memory_space<semaphore_mem>> -> memref<!tpu.dma_semaphore, #tpu.memory_space<semaphore_mem>>
    tpu.enqueue_indirect_dma source(%dma_start3A_82 : memref<10000x64xbf16, #tpu.memory_space<hbm>>) target(%dma_start3A_76 : memref<128x64xbf16, #tpu.memory_space<vmem>>) offsets(%dma_start3A_79 : memref<128xi32, #tpu.memory_space<vmem>>) semaphore(%dma_start3A_84 : memref<!tpu.dma_semaphore, #tpu.memory_space<semaphore_mem>>)
    %dma_start3A_85 = arith.constant 5 : i32
    %dma_start3A_86 = arith.constant 5 : i32
    %dma_start3A_87 = arith.constant 5 : i32
    %dma_start3A_88 = arith.constant 0 : i32
    %dma_start3A_89 = arith.constant 0 : i32
    %dma_start3A_90 = tpu.memref_slice %arg9[%dma_start3A_86, %dma_start3A_88, %dma_start3A_89] : memref<8x128x64xbf16, #tpu.memory_space<vmem>> -> memref<1x128x64xbf16, #tpu.memory_space<vmem>>
    %dma_start3A_91 = tpu.memref_squeeze %dma_start3A_90 : memref<1x128x64xbf16, #tpu.memory_space<vmem>> -> memref<128x64xbf16, #tpu.memory_space<vmem>>
    %dma_start3A_92 = arith.constant 0 : i32
    %dma_start3A_93 = tpu.memref_slice %arg7[%dma_start3A_85, %dma_start3A_92] : memref<80x128xi32, #tpu.memory_space<vmem>> -> memref<1x128xi32, #tpu.memory_space<vmem>>
    %dma_start3A_94 = tpu.memref_squeeze %dma_start3A_93 : memref<1x128xi32, #tpu.memory_space<vmem>> -> memref<128xi32, #tpu.memory_space<vmem>>
    %dma_start3A_95 = arith.constant 0 : i32
    %dma_start3A_96 = arith.constant 0 : i32
    %dma_start3A_97 = tpu.memref_slice %arg2[%dma_start3A_95, %dma_start3A_96] : memref<10000x64xbf16, #tpu.memory_space<hbm>> -> memref<10000x64xbf16, #tpu.memory_space<hbm>>
    %dma_start3A_98 = tpu.memref_slice %arg11[%dma_start3A_87] : memref<8x!tpu.dma_semaphore, #tpu.memory_space<semaphore_mem>> -> memref<1x!tpu.dma_semaphore, #tpu.memory_space<semaphore_mem>>
    %dma_start3A_99 = tpu.memref_squeeze %dma_start3A_98 : memref<1x!tpu.dma_semaphore, #tpu.memory_space<semaphore_mem>> -> memref<!tpu.dma_semaphore, #tpu.memory_space<semaphore_mem>>
    tpu.enqueue_indirect_dma source(%dma_start3A_97 : memref<10000x64xbf16, #tpu.memory_space<hbm>>) target(%dma_start3A_91 : memref<128x64xbf16, #tpu.memory_space<vmem>>) offsets(%dma_start3A_94 : memref<128xi32, #tpu.memory_space<vmem>>) semaphore(%dma_start3A_99 : memref<!tpu.dma_semaphore, #tpu.memory_space<semaphore_mem>>)
    %dma_start3A_100 = arith.constant 6 : i32
    %dma_start3A_101 = arith.constant 6 : i32
    %dma_start3A_102 = arith.constant 6 : i32
    %dma_start3A_103 = arith.constant 0 : i32
    %dma_start3A_104 = arith.constant 0 : i32
    %dma_start3A_105 = tpu.memref_slice %arg9[%dma_start3A_101, %dma_start3A_103, %dma_start3A_104] : memref<8x128x64xbf16, #tpu.memory_space<vmem>> -> memref<1x128x64xbf16, #tpu.memory_space<vmem>>
    %dma_start3A_106 = tpu.memref_squeeze %dma_start3A_105 : memref<1x128x64xbf16, #tpu.memory_space<vmem>> -> memref<128x64xbf16, #tpu.memory_space<vmem>>
    %dma_start3A_107 = arith.constant 0 : i32
    %dma_start3A_108 = tpu.memref_slice %arg7[%dma_start3A_100, %dma_start3A_107] : memref<80x128xi32, #tpu.memory_space<vmem>> -> memref<1x128xi32, #tpu.memory_space<vmem>>
    %dma_start3A_109 = tpu.memref_squeeze %dma_start3A_108 : memref<1x128xi32, #tpu.memory_space<vmem>> -> memref<128xi32, #tpu.memory_space<vmem>>
    %dma_start3A_110 = arith.constant 0 : i32
    %dma_start3A_111 = arith.constant 0 : i32
    %dma_start3A_112 = tpu.memref_slice %arg2[%dma_start3A_110, %dma_start3A_111] : memref<10000x64xbf16, #tpu.memory_space<hbm>> -> memref<10000x64xbf16, #tpu.memory_space<hbm>>
    %dma_start3A_113 = tpu.memref_slice %arg11[%dma_start3A_102] : memref<8x!tpu.dma_semaphore, #tpu.memory_space<semaphore_mem>> -> memref<1x!tpu.dma_semaphore, #tpu.memory_space<semaphore_mem>>
    %dma_start3A_114 = tpu.memref_squeeze %dma_start3A_113 : memref<1x!tpu.dma_semaphore, #tpu.memory_space<semaphore_mem>> -> memref<!tpu.dma_semaphore, #tpu.memory_space<semaphore_mem>>
    tpu.enqueue_indirect_dma source(%dma_start3A_112 : memref<10000x64xbf16, #tpu.memory_space<hbm>>) target(%dma_start3A_106 : memref<128x64xbf16, #tpu.memory_space<vmem>>) offsets(%dma_start3A_109 : memref<128xi32, #tpu.memory_space<vmem>>) semaphore(%dma_start3A_114 : memref<!tpu.dma_semaphore, #tpu.memory_space<semaphore_mem>>)
    %dma_start3A_115 = arith.constant 7 : i32
    %dma_start3A_116 = arith.constant 7 : i32
    %dma_start3A_117 = arith.constant 7 : i32
    %dma_start3A_118 = arith.constant 0 : i32
    %dma_start3A_119 = arith.constant 0 : i32
    %dma_start3A_120 = tpu.memref_slice %arg9[%dma_start3A_116, %dma_start3A_118, %dma_start3A_119] : memref<8x128x64xbf16, #tpu.memory_space<vmem>> -> memref<1x128x64xbf16, #tpu.memory_space<vmem>>
    %dma_start3A_121 = tpu.memref_squeeze %dma_start3A_120 : memref<1x128x64xbf16, #tpu.memory_space<vmem>> -> memref<128x64xbf16, #tpu.memory_space<vmem>>
    %dma_start3A_122 = arith.constant 0 : i32
    %dma_start3A_123 = tpu.memref_slice %arg7[%dma_start3A_115, %dma_start3A_122] : memref<80x128xi32, #tpu.memory_space<vmem>> -> memref<1x128xi32, #tpu.memory_space<vmem>>
    %dma_start3A_124 = tpu.memref_squeeze %dma_start3A_123 : memref<1x128xi32, #tpu.memory_space<vmem>> -> memref<128xi32, #tpu.memory_space<vmem>>
    %dma_start3A_125 = arith.constant 0 : i32
    %dma_start3A_126 = arith.constant 0 : i32
    %dma_start3A_127 = tpu.memref_slice %arg2[%dma_start3A_125, %dma_start3A_126] : memref<10000x64xbf16, #tpu.memory_space<hbm>> -> memref<10000x64xbf16, #tpu.memory_space<hbm>>
    %dma_start3A_128 = tpu.memref_slice %arg11[%dma_start3A_117] : memref<8x!tpu.dma_semaphore, #tpu.memory_space<semaphore_mem>> -> memref<1x!tpu.dma_semaphore, #tpu.memory_space<semaphore_mem>>
    %dma_start3A_129 = tpu.memref_squeeze %dma_start3A_128 : memref<1x!tpu.dma_semaphore, #tpu.memory_space<semaphore_mem>> -> memref<!tpu.dma_semaphore, #tpu.memory_space<semaphore_mem>>
    tpu.enqueue_indirect_dma source(%dma_start3A_127 : memref<10000x64xbf16, #tpu.memory_space<hbm>>) target(%dma_start3A_121 : memref<128x64xbf16, #tpu.memory_space<vmem>>) offsets(%dma_start3A_124 : memref<128xi32, #tpu.memory_space<vmem>>) semaphore(%dma_start3A_129 : memref<!tpu.dma_semaphore, #tpu.memory_space<semaphore_mem>>)
    %scan3A_130 = arith.constant 0 : i32
    %scan3A_131 = arith.constant 10 : i32
    %scan3A_132 = arith.addi %scan3A_130, %scan3A_131 : i32
    %scan3A_133 = arith.constant 1 : i32
    scf.for %scan3A_140 = %scan3A_130 to %scan3A_132 step %scan3A_133  : i32 {
      %mul3A_141 = arith.constant 8 : i32
      %mul3A_142 = arith.muli %scan3A_140, %mul3A_141 : i32
      %add3A_143 = arith.constant 0 : i32
      %add3A_144 = arith.addi %add3A_143, %mul3A_142 : i32
      %add3A_145 = arith.constant 0 : i32
      %add3A_146 = arith.addi %add3A_144, %add3A_145 : i32
      %dma_wait3A = arith.constant 0 : i32
      %dma_wait3A_147 = arith.constant 0 : i32
      %dma_wait3A_148 = arith.constant 0 : i32
      %dma_wait3A_149 = arith.constant 0 : i32
      %dma_wait3A_150 = tpu.memref_slice %arg9[%dma_wait3A, %dma_wait3A_148, %dma_wait3A_149] : memref<8x128x64xbf16, #tpu.memory_space<vmem>> -> memref<1x128x64xbf16, #tpu.memory_space<vmem>>
      %dma_wait3A_151 = tpu.memref_squeeze %dma_wait3A_150 : memref<1x128x64xbf16, #tpu.memory_space<vmem>> -> memref<128x64xbf16, #tpu.memory_space<vmem>>
      %dma_wait3A_152 = arith.constant 0 : i32
      %dma_wait3A_153 = tpu.memref_slice %arg7[%add3A_146, %dma_wait3A_152] : memref<80x128xi32, #tpu.memory_space<vmem>> -> memref<1x128xi32, #tpu.memory_space<vmem>>
      %dma_wait3A_154 = tpu.memref_squeeze %dma_wait3A_153 : memref<1x128xi32, #tpu.memory_space<vmem>> -> memref<128xi32, #tpu.memory_space<vmem>>
      %dma_wait3A_155 = arith.constant 0 : i32
      %dma_wait3A_156 = arith.constant 0 : i32
      %dma_wait3A_157 = tpu.memref_slice %arg2[%dma_wait3A_155, %dma_wait3A_156] : memref<10000x64xbf16, #tpu.memory_space<hbm>> -> memref<10000x64xbf16, #tpu.memory_space<hbm>>
      %dma_wait3A_158 = tpu.memref_slice %arg11[%dma_wait3A_147] : memref<8x!tpu.dma_semaphore, #tpu.memory_space<semaphore_mem>> -> memref<1x!tpu.dma_semaphore, #tpu.memory_space<semaphore_mem>>
      %dma_wait3A_159 = tpu.memref_squeeze %dma_wait3A_158 : memref<1x!tpu.dma_semaphore, #tpu.memory_space<semaphore_mem>> -> memref<!tpu.dma_semaphore, #tpu.memory_space<semaphore_mem>>
      tpu.wait_indirect_dma semaphore(%dma_wait3A_159 : memref<!tpu.dma_semaphore, #tpu.memory_space<semaphore_mem>>) src(%dma_wait3A_157 : memref<10000x64xbf16, #tpu.memory_space<hbm>>) dst(%dma_wait3A_151 : memref<128x64xbf16, #tpu.memory_space<vmem>>)
      %add3A_160 = arith.constant 0 : i32
      %add3A_161 = arith.addi %add3A_144, %add3A_160 : i32
      %dma_start3A_162 = arith.constant 0 : i32
      %dma_start3A_163 = arith.constant 0 : i32
      %dma_start3A_164 = arith.constant 0 : i32
      %dma_start3A_165 = arith.constant 0 : i32
      %dma_start3A_166 = tpu.memref_slice %arg9[%dma_start3A_162, %dma_start3A_164, %dma_start3A_165] : memref<8x128x64xbf16, #tpu.memory_space<vmem>> -> memref<1x128x64xbf16, #tpu.memory_space<vmem>>
      %dma_start3A_167 = tpu.memref_squeeze %dma_start3A_166 : memref<1x128x64xbf16, #tpu.memory_space<vmem>> -> memref<128x64xbf16, #tpu.memory_space<vmem>>
      %dma_start3A_168 = arith.constant 0 : i32
      %dma_start3A_169 = tpu.memref_slice %arg8[%add3A_161, %dma_start3A_168] : memref<80x128xi32, #tpu.memory_space<vmem>> -> memref<1x128xi32, #tpu.memory_space<vmem>>
      %dma_start3A_170 = tpu.memref_squeeze %dma_start3A_169 : memref<1x128xi32, #tpu.memory_space<vmem>> -> memref<128xi32, #tpu.memory_space<vmem>>
      %dma_start3A_171 = arith.constant 0 : i32
      %dma_start3A_172 = arith.constant 0 : i32
      %dma_start3A_173 = tpu.memref_slice %arg10[%dma_start3A_171, %dma_start3A_172] : memref<10240x64xbf16, #tpu.memory_space<vmem_shared>> -> memref<10240x64xbf16, #tpu.memory_space<vmem_shared>>
      %dma_start3A_174 = tpu.memref_slice %arg12[%dma_start3A_163] : memref<8x!tpu.dma_semaphore, #tpu.memory_space<semaphore_mem>> -> memref<1x!tpu.dma_semaphore, #tpu.memory_space<semaphore_mem>>
      %dma_start3A_175 = tpu.memref_squeeze %dma_start3A_174 : memref<1x!tpu.dma_semaphore, #tpu.memory_space<semaphore_mem>> -> memref<!tpu.dma_semaphore, #tpu.memory_space<semaphore_mem>>
      tpu.enqueue_indirect_dma source(%dma_start3A_167 : memref<128x64xbf16, #tpu.memory_space<vmem>>) target(%dma_start3A_173 : memref<10240x64xbf16, #tpu.memory_space<vmem_shared>>) offsets(%dma_start3A_170 : memref<128xi32, #tpu.memory_space<vmem>>) semaphore(%dma_start3A_175 : memref<!tpu.dma_semaphore, #tpu.memory_space<semaphore_mem>>) {add = true}
      %add3A_176 = arith.constant 1 : i32
      %add3A_177 = arith.addi %add3A_144, %add3A_176 : i32
      %dma_wait3A_178 = arith.constant 1 : i32
      %dma_wait3A_179 = arith.constant 1 : i32
      %dma_wait3A_180 = arith.constant 0 : i32
      %dma_wait3A_181 = arith.constant 0 : i32
      %dma_wait3A_182 = tpu.memref_slice %arg9[%dma_wait3A_178, %dma_wait3A_180, %dma_wait3A_181] : memref<8x128x64xbf16, #tpu.memory_space<vmem>> -> memref<1x128x64xbf16, #tpu.memory_space<vmem>>
      %dma_wait3A_183 = tpu.memref_squeeze %dma_wait3A_182 : memref<1x128x64xbf16, #tpu.memory_space<vmem>> -> memref<128x64xbf16, #tpu.memory_space<vmem>>
      %dma_wait3A_184 = arith.constant 0 : i32
      %dma_wait3A_185 = tpu.memref_slice %arg7[%add3A_177, %dma_wait3A_184] : memref<80x128xi32, #tpu.memory_space<vmem>> -> memref<1x128xi32, #tpu.memory_space<vmem>>
      %dma_wait3A_186 = tpu.memref_squeeze %dma_wait3A_185 : memref<1x128xi32, #tpu.memory_space<vmem>> -> memref<128xi32, #tpu.memory_space<vmem>>
      %dma_wait3A_187 = arith.constant 0 : i32
      %dma_wait3A_188 = arith.constant 0 : i32
      %dma_wait3A_189 = tpu.memref_slice %arg2[%dma_wait3A_187, %dma_wait3A_188] : memref<10000x64xbf16, #tpu.memory_space<hbm>> -> memref<10000x64xbf16, #tpu.memory_space<hbm>>
      %dma_wait3A_190 = tpu.memref_slice %arg11[%dma_wait3A_179] : memref<8x!tpu.dma_semaphore, #tpu.memory_space<semaphore_mem>> -> memref<1x!tpu.dma_semaphore, #tpu.memory_space<semaphore_mem>>
      %dma_wait3A_191 = tpu.memref_squeeze %dma_wait3A_190 : memref<1x!tpu.dma_semaphore, #tpu.memory_space<semaphore_mem>> -> memref<!tpu.dma_semaphore, #tpu.memory_space<semaphore_mem>>
      tpu.wait_indirect_dma semaphore(%dma_wait3A_191 : memref<!tpu.dma_semaphore, #tpu.memory_space<semaphore_mem>>) src(%dma_wait3A_189 : memref<10000x64xbf16, #tpu.memory_space<hbm>>) dst(%dma_wait3A_183 : memref<128x64xbf16, #tpu.memory_space<vmem>>)
      %add3A_192 = arith.constant 1 : i32
      %add3A_193 = arith.addi %add3A_144, %add3A_192 : i32
      %dma_start3A_194 = arith.constant 1 : i32
      %dma_start3A_195 = arith.constant 1 : i32
      %dma_start3A_196 = arith.constant 0 : i32
      %dma_start3A_197 = arith.constant 0 : i32
      %dma_start3A_198 = tpu.memref_slice %arg9[%dma_start3A_194, %dma_start3A_196, %dma_start3A_197] : memref<8x128x64xbf16, #tpu.memory_space<vmem>> -> memref<1x128x64xbf16, #tpu.memory_space<vmem>>
      %dma_start3A_199 = tpu.memref_squeeze %dma_start3A_198 : memref<1x128x64xbf16, #tpu.memory_space<vmem>> -> memref<128x64xbf16, #tpu.memory_space<vmem>>
      %dma_start3A_200 = arith.constant 0 : i32
      %dma_start3A_201 = tpu.memref_slice %arg8[%add3A_193, %dma_start3A_200] : memref<80x128xi32, #tpu.memory_space<vmem>> -> memref<1x128xi32, #tpu.memory_space<vmem>>
      %dma_start3A_202 = tpu.memref_squeeze %dma_start3A_201 : memref<1x128xi32, #tpu.memory_space<vmem>> -> memref<128xi32, #tpu.memory_space<vmem>>
      %dma_start3A_203 = arith.constant 0 : i32
      %dma_start3A_204 = arith.constant 0 : i32
      %dma_start3A_205 = tpu.memref_slice %arg10[%dma_start3A_203, %dma_start3A_204] : memref<10240x64xbf16, #tpu.memory_space<vmem_shared>> -> memref<10240x64xbf16, #tpu.memory_space<vmem_shared>>
      %dma_start3A_206 = tpu.memref_slice %arg12[%dma_start3A_195] : memref<8x!tpu.dma_semaphore, #tpu.memory_space<semaphore_mem>> -> memref<1x!tpu.dma_semaphore, #tpu.memory_space<semaphore_mem>>
      %dma_start3A_207 = tpu.memref_squeeze %dma_start3A_206 : memref<1x!tpu.dma_semaphore, #tpu.memory_space<semaphore_mem>> -> memref<!tpu.dma_semaphore, #tpu.memory_space<semaphore_mem>>
      tpu.enqueue_indirect_dma source(%dma_start3A_199 : memref<128x64xbf16, #tpu.memory_space<vmem>>) target(%dma_start3A_205 : memref<10240x64xbf16, #tpu.memory_space<vmem_shared>>) offsets(%dma_start3A_202 : memref<128xi32, #tpu.memory_space<vmem>>) semaphore(%dma_start3A_207 : memref<!tpu.dma_semaphore, #tpu.memory_space<semaphore_mem>>) {add = true}
      %add3A_208 = arith.constant 2 : i32
      %add3A_209 = arith.addi %add3A_144, %add3A_208 : i32
      %dma_wait3A_210 = arith.constant 2 : i32
      %dma_wait3A_211 = arith.constant 2 : i32
      %dma_wait3A_212 = arith.constant 0 : i32
      %dma_wait3A_213 = arith.constant 0 : i32
      %dma_wait3A_214 = tpu.memref_slice %arg9[%dma_wait3A_210, %dma_wait3A_212, %dma_wait3A_213] : memref<8x128x64xbf16, #tpu.memory_space<vmem>> -> memref<1x128x64xbf16, #tpu.memory_space<vmem>>
      %dma_wait3A_215 = tpu.memref_squeeze %dma_wait3A_214 : memref<1x128x64xbf16, #tpu.memory_space<vmem>> -> memref<128x64xbf16, #tpu.memory_space<vmem>>
      %dma_wait3A_216 = arith.constant 0 : i32
      %dma_wait3A_217 = tpu.memref_slice %arg7[%add3A_209, %dma_wait3A_216] : memref<80x128xi32, #tpu.memory_space<vmem>> -> memref<1x128xi32, #tpu.memory_space<vmem>>
      %dma_wait3A_218 = tpu.memref_squeeze %dma_wait3A_217 : memref<1x128xi32, #tpu.memory_space<vmem>> -> memref<128xi32, #tpu.memory_space<vmem>>
      %dma_wait3A_219 = arith.constant 0 : i32
      %dma_wait3A_220 = arith.constant 0 : i32
      %dma_wait3A_221 = tpu.memref_slice %arg2[%dma_wait3A_219, %dma_wait3A_220] : memref<10000x64xbf16, #tpu.memory_space<hbm>> -> memref<10000x64xbf16, #tpu.memory_space<hbm>>
      %dma_wait3A_222 = tpu.memref_slice %arg11[%dma_wait3A_211] : memref<8x!tpu.dma_semaphore, #tpu.memory_space<semaphore_mem>> -> memref<1x!tpu.dma_semaphore, #tpu.memory_space<semaphore_mem>>
      %dma_wait3A_223 = tpu.memref_squeeze %dma_wait3A_222 : memref<1x!tpu.dma_semaphore, #tpu.memory_space<semaphore_mem>> -> memref<!tpu.dma_semaphore, #tpu.memory_space<semaphore_mem>>
      tpu.wait_indirect_dma semaphore(%dma_wait3A_223 : memref<!tpu.dma_semaphore, #tpu.memory_space<semaphore_mem>>) src(%dma_wait3A_221 : memref<10000x64xbf16, #tpu.memory_space<hbm>>) dst(%dma_wait3A_215 : memref<128x64xbf16, #tpu.memory_space<vmem>>)
      %add3A_224 = arith.constant 2 : i32
      %add3A_225 = arith.addi %add3A_144, %add3A_224 : i32
      %dma_start3A_226 = arith.constant 2 : i32
      %dma_start3A_227 = arith.constant 2 : i32
      %dma_start3A_228 = arith.constant 0 : i32
      %dma_start3A_229 = arith.constant 0 : i32
      %dma_start3A_230 = tpu.memref_slice %arg9[%dma_start3A_226, %dma_start3A_228, %dma_start3A_229] : memref<8x128x64xbf16, #tpu.memory_space<vmem>> -> memref<1x128x64xbf16, #tpu.memory_space<vmem>>
      %dma_start3A_231 = tpu.memref_squeeze %dma_start3A_230 : memref<1x128x64xbf16, #tpu.memory_space<vmem>> -> memref<128x64xbf16, #tpu.memory_space<vmem>>
      %dma_start3A_232 = arith.constant 0 : i32
      %dma_start3A_233 = tpu.memref_slice %arg8[%add3A_225, %dma_start3A_232] : memref<80x128xi32, #tpu.memory_space<vmem>> -> memref<1x128xi32, #tpu.memory_space<vmem>>
      %dma_start3A_234 = tpu.memref_squeeze %dma_start3A_233 : memref<1x128xi32, #tpu.memory_space<vmem>> -> memref<128xi32, #tpu.memory_space<vmem>>
      %dma_start3A_235 = arith.constant 0 : i32
      %dma_start3A_236 = arith.constant 0 : i32
      %dma_start3A_237 = tpu.memref_slice %arg10[%dma_start3A_235, %dma_start3A_236] : memref<10240x64xbf16, #tpu.memory_space<vmem_shared>> -> memref<10240x64xbf16, #tpu.memory_space<vmem_shared>>
      %dma_start3A_238 = tpu.memref_slice %arg12[%dma_start3A_227] : memref<8x!tpu.dma_semaphore, #tpu.memory_space<semaphore_mem>> -> memref<1x!tpu.dma_semaphore, #tpu.memory_space<semaphore_mem>>
      %dma_start3A_239 = tpu.memref_squeeze %dma_start3A_238 : memref<1x!tpu.dma_semaphore, #tpu.memory_space<semaphore_mem>> -> memref<!tpu.dma_semaphore, #tpu.memory_space<semaphore_mem>>
      tpu.enqueue_indirect_dma source(%dma_start3A_231 : memref<128x64xbf16, #tpu.memory_space<vmem>>) target(%dma_start3A_237 : memref<10240x64xbf16, #tpu.memory_space<vmem_shared>>) offsets(%dma_start3A_234 : memref<128xi32, #tpu.memory_space<vmem>>) semaphore(%dma_start3A_239 : memref<!tpu.dma_semaphore, #tpu.memory_space<semaphore_mem>>) {add = true}
      %add3A_240 = arith.constant 3 : i32
      %add3A_241 = arith.addi %add3A_144, %add3A_240 : i32
      %dma_wait3A_242 = arith.constant 3 : i32
      %dma_wait3A_243 = arith.constant 3 : i32
      %dma_wait3A_244 = arith.constant 0 : i32
      %dma_wait3A_245 = arith.constant 0 : i32
      %dma_wait3A_246 = tpu.memref_slice %arg9[%dma_wait3A_242, %dma_wait3A_244, %dma_wait3A_245] : memref<8x128x64xbf16, #tpu.memory_space<vmem>> -> memref<1x128x64xbf16, #tpu.memory_space<vmem>>
      %dma_wait3A_247 = tpu.memref_squeeze %dma_wait3A_246 : memref<1x128x64xbf16, #tpu.memory_space<vmem>> -> memref<128x64xbf16, #tpu.memory_space<vmem>>
      %dma_wait3A_248 = arith.constant 0 : i32
      %dma_wait3A_249 = tpu.memref_slice %arg7[%add3A_241, %dma_wait3A_248] : memref<80x128xi32, #tpu.memory_space<vmem>> -> memref<1x128xi32, #tpu.memory_space<vmem>>
      %dma_wait3A_250 = tpu.memref_squeeze %dma_wait3A_249 : memref<1x128xi32, #tpu.memory_space<vmem>> -> memref<128xi32, #tpu.memory_space<vmem>>
      %dma_wait3A_251 = arith.constant 0 : i32
      %dma_wait3A_252 = arith.constant 0 : i32
      %dma_wait3A_253 = tpu.memref_slice %arg2[%dma_wait3A_251, %dma_wait3A_252] : memref<10000x64xbf16, #tpu.memory_space<hbm>> -> memref<10000x64xbf16, #tpu.memory_space<hbm>>
      %dma_wait3A_254 = tpu.memref_slice %arg11[%dma_wait3A_243] : memref<8x!tpu.dma_semaphore, #tpu.memory_space<semaphore_mem>> -> memref<1x!tpu.dma_semaphore, #tpu.memory_space<semaphore_mem>>
      %dma_wait3A_255 = tpu.memref_squeeze %dma_wait3A_254 : memref<1x!tpu.dma_semaphore, #tpu.memory_space<semaphore_mem>> -> memref<!tpu.dma_semaphore, #tpu.memory_space<semaphore_mem>>
      tpu.wait_indirect_dma semaphore(%dma_wait3A_255 : memref<!tpu.dma_semaphore, #tpu.memory_space<semaphore_mem>>) src(%dma_wait3A_253 : memref<10000x64xbf16, #tpu.memory_space<hbm>>) dst(%dma_wait3A_247 : memref<128x64xbf16, #tpu.memory_space<vmem>>)
      %add3A_256 = arith.constant 3 : i32
      %add3A_257 = arith.addi %add3A_144, %add3A_256 : i32
      %dma_start3A_258 = arith.constant 3 : i32
      %dma_start3A_259 = arith.constant 3 : i32
      %dma_start3A_260 = arith.constant 0 : i32
      %dma_start3A_261 = arith.constant 0 : i32
      %dma_start3A_262 = tpu.memref_slice %arg9[%dma_start3A_258, %dma_start3A_260, %dma_start3A_261] : memref<8x128x64xbf16, #tpu.memory_space<vmem>> -> memref<1x128x64xbf16, #tpu.memory_space<vmem>>
      %dma_start3A_263 = tpu.memref_squeeze %dma_start3A_262 : memref<1x128x64xbf16, #tpu.memory_space<vmem>> -> memref<128x64xbf16, #tpu.memory_space<vmem>>
      %dma_start3A_264 = arith.constant 0 : i32
      %dma_start3A_265 = tpu.memref_slice %arg8[%add3A_257, %dma_start3A_264] : memref<80x128xi32, #tpu.memory_space<vmem>> -> memref<1x128xi32, #tpu.memory_space<vmem>>
      %dma_start3A_266 = tpu.memref_squeeze %dma_start3A_265 : memref<1x128xi32, #tpu.memory_space<vmem>> -> memref<128xi32, #tpu.memory_space<vmem>>
      %dma_start3A_267 = arith.constant 0 : i32
      %dma_start3A_268 = arith.constant 0 : i32
      %dma_start3A_269 = tpu.memref_slice %arg10[%dma_start3A_267, %dma_start3A_268] : memref<10240x64xbf16, #tpu.memory_space<vmem_shared>> -> memref<10240x64xbf16, #tpu.memory_space<vmem_shared>>
      %dma_start3A_270 = tpu.memref_slice %arg12[%dma_start3A_259] : memref<8x!tpu.dma_semaphore, #tpu.memory_space<semaphore_mem>> -> memref<1x!tpu.dma_semaphore, #tpu.memory_space<semaphore_mem>>
      %dma_start3A_271 = tpu.memref_squeeze %dma_start3A_270 : memref<1x!tpu.dma_semaphore, #tpu.memory_space<semaphore_mem>> -> memref<!tpu.dma_semaphore, #tpu.memory_space<semaphore_mem>>
      tpu.enqueue_indirect_dma source(%dma_start3A_263 : memref<128x64xbf16, #tpu.memory_space<vmem>>) target(%dma_start3A_269 : memref<10240x64xbf16, #tpu.memory_space<vmem_shared>>) offsets(%dma_start3A_266 : memref<128xi32, #tpu.memory_space<vmem>>) semaphore(%dma_start3A_271 : memref<!tpu.dma_semaphore, #tpu.memory_space<semaphore_mem>>) {add = true}
      %add3A_272 = arith.constant 4 : i32
      %add3A_273 = arith.addi %add3A_144, %add3A_272 : i32
      %dma_wait3A_274 = arith.constant 4 : i32
      %dma_wait3A_275 = arith.constant 4 : i32
      %dma_wait3A_276 = arith.constant 0 : i32
      %dma_wait3A_277 = arith.constant 0 : i32
      %dma_wait3A_278 = tpu.memref_slice %arg9[%dma_wait3A_274, %dma_wait3A_276, %dma_wait3A_277] : memref<8x128x64xbf16, #tpu.memory_space<vmem>> -> memref<1x128x64xbf16, #tpu.memory_space<vmem>>
      %dma_wait3A_279 = tpu.memref_squeeze %dma_wait3A_278 : memref<1x128x64xbf16, #tpu.memory_space<vmem>> -> memref<128x64xbf16, #tpu.memory_space<vmem>>
      %dma_wait3A_280 = arith.constant 0 : i32
      %dma_wait3A_281 = tpu.memref_slice %arg7[%add3A_273, %dma_wait3A_280] : memref<80x128xi32, #tpu.memory_space<vmem>> -> memref<1x128xi32, #tpu.memory_space<vmem>>
      %dma_wait3A_282 = tpu.memref_squeeze %dma_wait3A_281 : memref<1x128xi32, #tpu.memory_space<vmem>> -> memref<128xi32, #tpu.memory_space<vmem>>
      %dma_wait3A_283 = arith.constant 0 : i32
      %dma_wait3A_284 = arith.constant 0 : i32
      %dma_wait3A_285 = tpu.memref_slice %arg2[%dma_wait3A_283, %dma_wait3A_284] : memref<10000x64xbf16, #tpu.memory_space<hbm>> -> memref<10000x64xbf16, #tpu.memory_space<hbm>>
      %dma_wait3A_286 = tpu.memref_slice %arg11[%dma_wait3A_275] : memref<8x!tpu.dma_semaphore, #tpu.memory_space<semaphore_mem>> -> memref<1x!tpu.dma_semaphore, #tpu.memory_space<semaphore_mem>>
      %dma_wait3A_287 = tpu.memref_squeeze %dma_wait3A_286 : memref<1x!tpu.dma_semaphore, #tpu.memory_space<semaphore_mem>> -> memref<!tpu.dma_semaphore, #tpu.memory_space<semaphore_mem>>
      tpu.wait_indirect_dma semaphore(%dma_wait3A_287 : memref<!tpu.dma_semaphore, #tpu.memory_space<semaphore_mem>>) src(%dma_wait3A_285 : memref<10000x64xbf16, #tpu.memory_space<hbm>>) dst(%dma_wait3A_279 : memref<128x64xbf16, #tpu.memory_space<vmem>>)
      %add3A_288 = arith.constant 4 : i32
      %add3A_289 = arith.addi %add3A_144, %add3A_288 : i32
      %dma_start3A_290 = arith.constant 4 : i32
      %dma_start3A_291 = arith.constant 4 : i32
      %dma_start3A_292 = arith.constant 0 : i32
      %dma_start3A_293 = arith.constant 0 : i32
      %dma_start3A_294 = tpu.memref_slice %arg9[%dma_start3A_290, %dma_start3A_292, %dma_start3A_293] : memref<8x128x64xbf16, #tpu.memory_space<vmem>> -> memref<1x128x64xbf16, #tpu.memory_space<vmem>>
      %dma_start3A_295 = tpu.memref_squeeze %dma_start3A_294 : memref<1x128x64xbf16, #tpu.memory_space<vmem>> -> memref<128x64xbf16, #tpu.memory_space<vmem>>
      %dma_start3A_296 = arith.constant 0 : i32
      %dma_start3A_297 = tpu.memref_slice %arg8[%add3A_289, %dma_start3A_296] : memref<80x128xi32, #tpu.memory_space<vmem>> -> memref<1x128xi32, #tpu.memory_space<vmem>>
      %dma_start3A_298 = tpu.memref_squeeze %dma_start3A_297 : memref<1x128xi32, #tpu.memory_space<vmem>> -> memref<128xi32, #tpu.memory_space<vmem>>
      %dma_start3A_299 = arith.constant 0 : i32
      %dma_start3A_300 = arith.constant 0 : i32
      %dma_start3A_301 = tpu.memref_slice %arg10[%dma_start3A_299, %dma_start3A_300] : memref<10240x64xbf16, #tpu.memory_space<vmem_shared>> -> memref<10240x64xbf16, #tpu.memory_space<vmem_shared>>
      %dma_start3A_302 = tpu.memref_slice %arg12[%dma_start3A_291] : memref<8x!tpu.dma_semaphore, #tpu.memory_space<semaphore_mem>> -> memref<1x!tpu.dma_semaphore, #tpu.memory_space<semaphore_mem>>
      %dma_start3A_303 = tpu.memref_squeeze %dma_start3A_302 : memref<1x!tpu.dma_semaphore, #tpu.memory_space<semaphore_mem>> -> memref<!tpu.dma_semaphore, #tpu.memory_space<semaphore_mem>>
      tpu.enqueue_indirect_dma source(%dma_start3A_295 : memref<128x64xbf16, #tpu.memory_space<vmem>>) target(%dma_start3A_301 : memref<10240x64xbf16, #tpu.memory_space<vmem_shared>>) offsets(%dma_start3A_298 : memref<128xi32, #tpu.memory_space<vmem>>) semaphore(%dma_start3A_303 : memref<!tpu.dma_semaphore, #tpu.memory_space<semaphore_mem>>) {add = true}
      %add3A_304 = arith.constant 5 : i32
      %add3A_305 = arith.addi %add3A_144, %add3A_304 : i32
      %dma_wait3A_306 = arith.constant 5 : i32
      %dma_wait3A_307 = arith.constant 5 : i32
      %dma_wait3A_308 = arith.constant 0 : i32
      %dma_wait3A_309 = arith.constant 0 : i32
      %dma_wait3A_310 = tpu.memref_slice %arg9[%dma_wait3A_306, %dma_wait3A_308, %dma_wait3A_309] : memref<8x128x64xbf16, #tpu.memory_space<vmem>> -> memref<1x128x64xbf16, #tpu.memory_space<vmem>>
      %dma_wait3A_311 = tpu.memref_squeeze %dma_wait3A_310 : memref<1x128x64xbf16, #tpu.memory_space<vmem>> -> memref<128x64xbf16, #tpu.memory_space<vmem>>
      %dma_wait3A_312 = arith.constant 0 : i32
      %dma_wait3A_313 = tpu.memref_slice %arg7[%add3A_305, %dma_wait3A_312] : memref<80x128xi32, #tpu.memory_space<vmem>> -> memref<1x128xi32, #tpu.memory_space<vmem>>
      %dma_wait3A_314 = tpu.memref_squeeze %dma_wait3A_313 : memref<1x128xi32, #tpu.memory_space<vmem>> -> memref<128xi32, #tpu.memory_space<vmem>>
      %dma_wait3A_315 = arith.constant 0 : i32
      %dma_wait3A_316 = arith.constant 0 : i32
      %dma_wait3A_317 = tpu.memref_slice %arg2[%dma_wait3A_315, %dma_wait3A_316] : memref<10000x64xbf16, #tpu.memory_space<hbm>> -> memref<10000x64xbf16, #tpu.memory_space<hbm>>
      %dma_wait3A_318 = tpu.memref_slice %arg11[%dma_wait3A_307] : memref<8x!tpu.dma_semaphore, #tpu.memory_space<semaphore_mem>> -> memref<1x!tpu.dma_semaphore, #tpu.memory_space<semaphore_mem>>
      %dma_wait3A_319 = tpu.memref_squeeze %dma_wait3A_318 : memref<1x!tpu.dma_semaphore, #tpu.memory_space<semaphore_mem>> -> memref<!tpu.dma_semaphore, #tpu.memory_space<semaphore_mem>>
      tpu.wait_indirect_dma semaphore(%dma_wait3A_319 : memref<!tpu.dma_semaphore, #tpu.memory_space<semaphore_mem>>) src(%dma_wait3A_317 : memref<10000x64xbf16, #tpu.memory_space<hbm>>) dst(%dma_wait3A_311 : memref<128x64xbf16, #tpu.memory_space<vmem>>)
      %add3A_320 = arith.constant 5 : i32
      %add3A_321 = arith.addi %add3A_144, %add3A_320 : i32
      %dma_start3A_322 = arith.constant 5 : i32
      %dma_start3A_323 = arith.constant 5 : i32
      %dma_start3A_324 = arith.constant 0 : i32
      %dma_start3A_325 = arith.constant 0 : i32
      %dma_start3A_326 = tpu.memref_slice %arg9[%dma_start3A_322, %dma_start3A_324, %dma_start3A_325] : memref<8x128x64xbf16, #tpu.memory_space<vmem>> -> memref<1x128x64xbf16, #tpu.memory_space<vmem>>
      %dma_start3A_327 = tpu.memref_squeeze %dma_start3A_326 : memref<1x128x64xbf16, #tpu.memory_space<vmem>> -> memref<128x64xbf16, #tpu.memory_space<vmem>>
      %dma_start3A_328 = arith.constant 0 : i32
      %dma_start3A_329 = tpu.memref_slice %arg8[%add3A_321, %dma_start3A_328] : memref<80x128xi32, #tpu.memory_space<vmem>> -> memref<1x128xi32, #tpu.memory_space<vmem>>
      %dma_start3A_330 = tpu.memref_squeeze %dma_start3A_329 : memref<1x128xi32, #tpu.memory_space<vmem>> -> memref<128xi32, #tpu.memory_space<vmem>>
      %dma_start3A_331 = arith.constant 0 : i32
      %dma_start3A_332 = arith.constant 0 : i32
      %dma_start3A_333 = tpu.memref_slice %arg10[%dma_start3A_331, %dma_start3A_332] : memref<10240x64xbf16, #tpu.memory_space<vmem_shared>> -> memref<10240x64xbf16, #tpu.memory_space<vmem_shared>>
      %dma_start3A_334 = tpu.memref_slice %arg12[%dma_start3A_323] : memref<8x!tpu.dma_semaphore, #tpu.memory_space<semaphore_mem>> -> memref<1x!tpu.dma_semaphore, #tpu.memory_space<semaphore_mem>>
      %dma_start3A_335 = tpu.memref_squeeze %dma_start3A_334 : memref<1x!tpu.dma_semaphore, #tpu.memory_space<semaphore_mem>> -> memref<!tpu.dma_semaphore, #tpu.memory_space<semaphore_mem>>
      tpu.enqueue_indirect_dma source(%dma_start3A_327 : memref<128x64xbf16, #tpu.memory_space<vmem>>) target(%dma_start3A_333 : memref<10240x64xbf16, #tpu.memory_space<vmem_shared>>) offsets(%dma_start3A_330 : memref<128xi32, #tpu.memory_space<vmem>>) semaphore(%dma_start3A_335 : memref<!tpu.dma_semaphore, #tpu.memory_space<semaphore_mem>>) {add = true}
      %add3A_336 = arith.constant 6 : i32
      %add3A_337 = arith.addi %add3A_144, %add3A_336 : i32
      %dma_wait3A_338 = arith.constant 6 : i32
      %dma_wait3A_339 = arith.constant 6 : i32
      %dma_wait3A_340 = arith.constant 0 : i32
      %dma_wait3A_341 = arith.constant 0 : i32
      %dma_wait3A_342 = tpu.memref_slice %arg9[%dma_wait3A_338, %dma_wait3A_340, %dma_wait3A_341] : memref<8x128x64xbf16, #tpu.memory_space<vmem>> -> memref<1x128x64xbf16, #tpu.memory_space<vmem>>
      %dma_wait3A_343 = tpu.memref_squeeze %dma_wait3A_342 : memref<1x128x64xbf16, #tpu.memory_space<vmem>> -> memref<128x64xbf16, #tpu.memory_space<vmem>>
      %dma_wait3A_344 = arith.constant 0 : i32
      %dma_wait3A_345 = tpu.memref_slice %arg7[%add3A_337, %dma_wait3A_344] : memref<80x128xi32, #tpu.memory_space<vmem>> -> memref<1x128xi32, #tpu.memory_space<vmem>>
      %dma_wait3A_346 = tpu.memref_squeeze %dma_wait3A_345 : memref<1x128xi32, #tpu.memory_space<vmem>> -> memref<128xi32, #tpu.memory_space<vmem>>
      %dma_wait3A_347 = arith.constant 0 : i32
      %dma_wait3A_348 = arith.constant 0 : i32
      %dma_wait3A_349 = tpu.memref_slice %arg2[%dma_wait3A_347, %dma_wait3A_348] : memref<10000x64xbf16, #tpu.memory_space<hbm>> -> memref<10000x64xbf16, #tpu.memory_space<hbm>>
      %dma_wait3A_350 = tpu.memref_slice %arg11[%dma_wait3A_339] : memref<8x!tpu.dma_semaphore, #tpu.memory_space<semaphore_mem>> -> memref<1x!tpu.dma_semaphore, #tpu.memory_space<semaphore_mem>>
      %dma_wait3A_351 = tpu.memref_squeeze %dma_wait3A_350 : memref<1x!tpu.dma_semaphore, #tpu.memory_space<semaphore_mem>> -> memref<!tpu.dma_semaphore, #tpu.memory_space<semaphore_mem>>
      tpu.wait_indirect_dma semaphore(%dma_wait3A_351 : memref<!tpu.dma_semaphore, #tpu.memory_space<semaphore_mem>>) src(%dma_wait3A_349 : memref<10000x64xbf16, #tpu.memory_space<hbm>>) dst(%dma_wait3A_343 : memref<128x64xbf16, #tpu.memory_space<vmem>>)
      %add3A_352 = arith.constant 6 : i32
      %add3A_353 = arith.addi %add3A_144, %add3A_352 : i32
      %dma_start3A_354 = arith.constant 6 : i32
      %dma_start3A_355 = arith.constant 6 : i32
      %dma_start3A_356 = arith.constant 0 : i32
      %dma_start3A_357 = arith.constant 0 : i32
      %dma_start3A_358 = tpu.memref_slice %arg9[%dma_start3A_354, %dma_start3A_356, %dma_start3A_357] : memref<8x128x64xbf16, #tpu.memory_space<vmem>> -> memref<1x128x64xbf16, #tpu.memory_space<vmem>>
      %dma_start3A_359 = tpu.memref_squeeze %dma_start3A_358 : memref<1x128x64xbf16, #tpu.memory_space<vmem>> -> memref<128x64xbf16, #tpu.memory_space<vmem>>
      %dma_start3A_360 = arith.constant 0 : i32
      %dma_start3A_361 = tpu.memref_slice %arg8[%add3A_353, %dma_start3A_360] : memref<80x128xi32, #tpu.memory_space<vmem>> -> memref<1x128xi32, #tpu.memory_space<vmem>>
      %dma_start3A_362 = tpu.memref_squeeze %dma_start3A_361 : memref<1x128xi32, #tpu.memory_space<vmem>> -> memref<128xi32, #tpu.memory_space<vmem>>
      %dma_start3A_363 = arith.constant 0 : i32
      %dma_start3A_364 = arith.constant 0 : i32
      %dma_start3A_365 = tpu.memref_slice %arg10[%dma_start3A_363, %dma_start3A_364] : memref<10240x64xbf16, #tpu.memory_space<vmem_shared>> -> memref<10240x64xbf16, #tpu.memory_space<vmem_shared>>
      %dma_start3A_366 = tpu.memref_slice %arg12[%dma_start3A_355] : memref<8x!tpu.dma_semaphore, #tpu.memory_space<semaphore_mem>> -> memref<1x!tpu.dma_semaphore, #tpu.memory_space<semaphore_mem>>
      %dma_start3A_367 = tpu.memref_squeeze %dma_start3A_366 : memref<1x!tpu.dma_semaphore, #tpu.memory_space<semaphore_mem>> -> memref<!tpu.dma_semaphore, #tpu.memory_space<semaphore_mem>>
      tpu.enqueue_indirect_dma source(%dma_start3A_359 : memref<128x64xbf16, #tpu.memory_space<vmem>>) target(%dma_start3A_365 : memref<10240x64xbf16, #tpu.memory_space<vmem_shared>>) offsets(%dma_start3A_362 : memref<128xi32, #tpu.memory_space<vmem>>) semaphore(%dma_start3A_367 : memref<!tpu.dma_semaphore, #tpu.memory_space<semaphore_mem>>) {add = true}
      %add3A_368 = arith.constant 7 : i32
      %add3A_369 = arith.addi %add3A_144, %add3A_368 : i32
      %dma_wait3A_370 = arith.constant 7 : i32
      %dma_wait3A_371 = arith.constant 7 : i32
      %dma_wait3A_372 = arith.constant 0 : i32
      %dma_wait3A_373 = arith.constant 0 : i32
      %dma_wait3A_374 = tpu.memref_slice %arg9[%dma_wait3A_370, %dma_wait3A_372, %dma_wait3A_373] : memref<8x128x64xbf16, #tpu.memory_space<vmem>> -> memref<1x128x64xbf16, #tpu.memory_space<vmem>>
      %dma_wait3A_375 = tpu.memref_squeeze %dma_wait3A_374 : memref<1x128x64xbf16, #tpu.memory_space<vmem>> -> memref<128x64xbf16, #tpu.memory_space<vmem>>
      %dma_wait3A_376 = arith.constant 0 : i32
      %dma_wait3A_377 = tpu.memref_slice %arg7[%add3A_369, %dma_wait3A_376] : memref<80x128xi32, #tpu.memory_space<vmem>> -> memref<1x128xi32, #tpu.memory_space<vmem>>
      %dma_wait3A_378 = tpu.memref_squeeze %dma_wait3A_377 : memref<1x128xi32, #tpu.memory_space<vmem>> -> memref<128xi32, #tpu.memory_space<vmem>>
      %dma_wait3A_379 = arith.constant 0 : i32
      %dma_wait3A_380 = arith.constant 0 : i32
      %dma_wait3A_381 = tpu.memref_slice %arg2[%dma_wait3A_379, %dma_wait3A_380] : memref<10000x64xbf16, #tpu.memory_space<hbm>> -> memref<10000x64xbf16, #tpu.memory_space<hbm>>
      %dma_wait3A_382 = tpu.memref_slice %arg11[%dma_wait3A_371] : memref<8x!tpu.dma_semaphore, #tpu.memory_space<semaphore_mem>> -> memref<1x!tpu.dma_semaphore, #tpu.memory_space<semaphore_mem>>
      %dma_wait3A_383 = tpu.memref_squeeze %dma_wait3A_382 : memref<1x!tpu.dma_semaphore, #tpu.memory_space<semaphore_mem>> -> memref<!tpu.dma_semaphore, #tpu.memory_space<semaphore_mem>>
      tpu.wait_indirect_dma semaphore(%dma_wait3A_383 : memref<!tpu.dma_semaphore, #tpu.memory_space<semaphore_mem>>) src(%dma_wait3A_381 : memref<10000x64xbf16, #tpu.memory_space<hbm>>) dst(%dma_wait3A_375 : memref<128x64xbf16, #tpu.memory_space<vmem>>)
      %add3A_384 = arith.constant 7 : i32
      %add3A_385 = arith.addi %add3A_144, %add3A_384 : i32
      %dma_start3A_386 = arith.constant 7 : i32
      %dma_start3A_387 = arith.constant 7 : i32
      %dma_start3A_388 = arith.constant 0 : i32
      %dma_start3A_389 = arith.constant 0 : i32
      %dma_start3A_390 = tpu.memref_slice %arg9[%dma_start3A_386, %dma_start3A_388, %dma_start3A_389] : memref<8x128x64xbf16, #tpu.memory_space<vmem>> -> memref<1x128x64xbf16, #tpu.memory_space<vmem>>
      %dma_start3A_391 = tpu.memref_squeeze %dma_start3A_390 : memref<1x128x64xbf16, #tpu.memory_space<vmem>> -> memref<128x64xbf16, #tpu.memory_space<vmem>>
      %dma_start3A_392 = arith.constant 0 : i32
      %dma_start3A_393 = tpu.memref_slice %arg8[%add3A_385, %dma_start3A_392] : memref<80x128xi32, #tpu.memory_space<vmem>> -> memref<1x128xi32, #tpu.memory_space<vmem>>
      %dma_start3A_394 = tpu.memref_squeeze %dma_start3A_393 : memref<1x128xi32, #tpu.memory_space<vmem>> -> memref<128xi32, #tpu.memory_space<vmem>>
      %dma_start3A_395 = arith.constant 0 : i32
      %dma_start3A_396 = arith.constant 0 : i32
      %dma_start3A_397 = tpu.memref_slice %arg10[%dma_start3A_395, %dma_start3A_396] : memref<10240x64xbf16, #tpu.memory_space<vmem_shared>> -> memref<10240x64xbf16, #tpu.memory_space<vmem_shared>>
      %dma_start3A_398 = tpu.memref_slice %arg12[%dma_start3A_387] : memref<8x!tpu.dma_semaphore, #tpu.memory_space<semaphore_mem>> -> memref<1x!tpu.dma_semaphore, #tpu.memory_space<semaphore_mem>>
      %dma_start3A_399 = tpu.memref_squeeze %dma_start3A_398 : memref<1x!tpu.dma_semaphore, #tpu.memory_space<semaphore_mem>> -> memref<!tpu.dma_semaphore, #tpu.memory_space<semaphore_mem>>
      tpu.enqueue_indirect_dma source(%dma_start3A_391 : memref<128x64xbf16, #tpu.memory_space<vmem>>) target(%dma_start3A_397 : memref<10240x64xbf16, #tpu.memory_space<vmem_shared>>) offsets(%dma_start3A_394 : memref<128xi32, #tpu.memory_space<vmem>>) semaphore(%dma_start3A_399 : memref<!tpu.dma_semaphore, #tpu.memory_space<semaphore_mem>>) {add = true}
      %add3A_400 = arith.constant 0 : i32
      %add3A_401 = arith.addi %add3A_144, %add3A_400 : i32
      %dma_wait3A_402 = arith.constant 0 : i32
      %dma_wait3A_403 = arith.constant 0 : i32
      %dma_wait3A_404 = arith.constant 0 : i32
      %dma_wait3A_405 = arith.constant 0 : i32
      %dma_wait3A_406 = tpu.memref_slice %arg9[%dma_wait3A_402, %dma_wait3A_404, %dma_wait3A_405] : memref<8x128x64xbf16, #tpu.memory_space<vmem>> -> memref<1x128x64xbf16, #tpu.memory_space<vmem>>
      %dma_wait3A_407 = tpu.memref_squeeze %dma_wait3A_406 : memref<1x128x64xbf16, #tpu.memory_space<vmem>> -> memref<128x64xbf16, #tpu.memory_space<vmem>>
      %dma_wait3A_408 = arith.constant 0 : i32
      %dma_wait3A_409 = tpu.memref_slice %arg8[%add3A_401, %dma_wait3A_408] : memref<80x128xi32, #tpu.memory_space<vmem>> -> memref<1x128xi32, #tpu.memory_space<vmem>>
      %dma_wait3A_410 = tpu.memref_squeeze %dma_wait3A_409 : memref<1x128xi32, #tpu.memory_space<vmem>> -> memref<128xi32, #tpu.memory_space<vmem>>
      %dma_wait3A_411 = arith.constant 0 : i32
      %dma_wait3A_412 = arith.constant 0 : i32
      %dma_wait3A_413 = tpu.memref_slice %arg10[%dma_wait3A_411, %dma_wait3A_412] : memref<10240x64xbf16, #tpu.memory_space<vmem_shared>> -> memref<10240x64xbf16, #tpu.memory_space<vmem_shared>>
      %dma_wait3A_414 = tpu.memref_slice %arg12[%dma_wait3A_403] : memref<8x!tpu.dma_semaphore, #tpu.memory_space<semaphore_mem>> -> memref<1x!tpu.dma_semaphore, #tpu.memory_space<semaphore_mem>>
      %dma_wait3A_415 = tpu.memref_squeeze %dma_wait3A_414 : memref<1x!tpu.dma_semaphore, #tpu.memory_space<semaphore_mem>> -> memref<!tpu.dma_semaphore, #tpu.memory_space<semaphore_mem>>
      tpu.wait_indirect_dma semaphore(%dma_wait3A_415 : memref<!tpu.dma_semaphore, #tpu.memory_space<semaphore_mem>>) src(%dma_wait3A_407 : memref<128x64xbf16, #tpu.memory_space<vmem>>) dst(%dma_wait3A_413 : memref<10240x64xbf16, #tpu.memory_space<vmem_shared>>)
      %add3A_416 = arith.constant 0 : i32
      %add3A_417 = arith.addi %add3A_144, %add3A_416 : i32
      %add3A_418 = arith.constant 8 : i32
      %add3A_419 = arith.addi %add3A_417, %add3A_418 : i32
      %lt3A = arith.constant 80 : i32
      %lt3A_420 = arith.cmpi slt, %add3A_419, %lt3A : i32
      %convert_element_type3A = arith.extui %lt3A_420 : i1 to i32
      %cond3A = arith.constant 0 : i32
      %cond3A_421 = arith.cmpi ne, %convert_element_type3A, %cond3A : i32
      scf.if %cond3A_421 {
        %add3A_597 = arith.constant 0 : i32
        %add3A_598 = arith.addi %add3A_144, %add3A_597 : i32
        %add3A_599 = arith.constant 8 : i32
        %add3A_600 = arith.addi %add3A_598, %add3A_599 : i32
        %dma_start3A_601 = arith.constant 0 : i32
        %dma_start3A_602 = arith.constant 0 : i32
        %dma_start3A_603 = arith.constant 0 : i32
        %dma_start3A_604 = arith.constant 0 : i32
        %dma_start3A_605 = tpu.memref_slice %arg9[%dma_start3A_601, %dma_start3A_603, %dma_start3A_604] : memref<8x128x64xbf16, #tpu.memory_space<vmem>> -> memref<1x128x64xbf16, #tpu.memory_space<vmem>>
        %dma_start3A_606 = tpu.memref_squeeze %dma_start3A_605 : memref<1x128x64xbf16, #tpu.memory_space<vmem>> -> memref<128x64xbf16, #tpu.memory_space<vmem>>
        %dma_start3A_607 = arith.constant 0 : i32
        %dma_start3A_608 = tpu.memref_slice %arg7[%add3A_600, %dma_start3A_607] : memref<80x128xi32, #tpu.memory_space<vmem>> -> memref<1x128xi32, #tpu.memory_space<vmem>>
        %dma_start3A_609 = tpu.memref_squeeze %dma_start3A_608 : memref<1x128xi32, #tpu.memory_space<vmem>> -> memref<128xi32, #tpu.memory_space<vmem>>
        %dma_start3A_610 = arith.constant 0 : i32
        %dma_start3A_611 = arith.constant 0 : i32
        %dma_start3A_612 = tpu.memref_slice %arg2[%dma_start3A_610, %dma_start3A_611] : memref<10000x64xbf16, #tpu.memory_space<hbm>> -> memref<10000x64xbf16, #tpu.memory_space<hbm>>
        %dma_start3A_613 = tpu.memref_slice %arg11[%dma_start3A_602] : memref<8x!tpu.dma_semaphore, #tpu.memory_space<semaphore_mem>> -> memref<1x!tpu.dma_semaphore, #tpu.memory_space<semaphore_mem>>
        %dma_start3A_614 = tpu.memref_squeeze %dma_start3A_613 : memref<1x!tpu.dma_semaphore, #tpu.memory_space<semaphore_mem>> -> memref<!tpu.dma_semaphore, #tpu.memory_space<semaphore_mem>>
        tpu.enqueue_indirect_dma source(%dma_start3A_612 : memref<10000x64xbf16, #tpu.memory_space<hbm>>) target(%dma_start3A_606 : memref<128x64xbf16, #tpu.memory_space<vmem>>) offsets(%dma_start3A_609 : memref<128xi32, #tpu.memory_space<vmem>>) semaphore(%dma_start3A_614 : memref<!tpu.dma_semaphore, #tpu.memory_space<semaphore_mem>>)
      } else {
      }
      %add3A_422 = arith.constant 1 : i32
      %add3A_423 = arith.addi %add3A_144, %add3A_422 : i32
      %dma_wait3A_424 = arith.constant 1 : i32
      %dma_wait3A_425 = arith.constant 1 : i32
      %dma_wait3A_426 = arith.constant 0 : i32
      %dma_wait3A_427 = arith.constant 0 : i32
      %dma_wait3A_428 = tpu.memref_slice %arg9[%dma_wait3A_424, %dma_wait3A_426, %dma_wait3A_427] : memref<8x128x64xbf16, #tpu.memory_space<vmem>> -> memref<1x128x64xbf16, #tpu.memory_space<vmem>>
      %dma_wait3A_429 = tpu.memref_squeeze %dma_wait3A_428 : memref<1x128x64xbf16, #tpu.memory_space<vmem>> -> memref<128x64xbf16, #tpu.memory_space<vmem>>
      %dma_wait3A_430 = arith.constant 0 : i32
      %dma_wait3A_431 = tpu.memref_slice %arg8[%add3A_423, %dma_wait3A_430] : memref<80x128xi32, #tpu.memory_space<vmem>> -> memref<1x128xi32, #tpu.memory_space<vmem>>
      %dma_wait3A_432 = tpu.memref_squeeze %dma_wait3A_431 : memref<1x128xi32, #tpu.memory_space<vmem>> -> memref<128xi32, #tpu.memory_space<vmem>>
      %dma_wait3A_433 = arith.constant 0 : i32
      %dma_wait3A_434 = arith.constant 0 : i32
      %dma_wait3A_435 = tpu.memref_slice %arg10[%dma_wait3A_433, %dma_wait3A_434] : memref<10240x64xbf16, #tpu.memory_space<vmem_shared>> -> memref<10240x64xbf16, #tpu.memory_space<vmem_shared>>
      %dma_wait3A_436 = tpu.memref_slice %arg12[%dma_wait3A_425] : memref<8x!tpu.dma_semaphore, #tpu.memory_space<semaphore_mem>> -> memref<1x!tpu.dma_semaphore, #tpu.memory_space<semaphore_mem>>
      %dma_wait3A_437 = tpu.memref_squeeze %dma_wait3A_436 : memref<1x!tpu.dma_semaphore, #tpu.memory_space<semaphore_mem>> -> memref<!tpu.dma_semaphore, #tpu.memory_space<semaphore_mem>>
      tpu.wait_indirect_dma semaphore(%dma_wait3A_437 : memref<!tpu.dma_semaphore, #tpu.memory_space<semaphore_mem>>) src(%dma_wait3A_429 : memref<128x64xbf16, #tpu.memory_space<vmem>>) dst(%dma_wait3A_435 : memref<10240x64xbf16, #tpu.memory_space<vmem_shared>>)
      %add3A_438 = arith.constant 1 : i32
      %add3A_439 = arith.addi %add3A_144, %add3A_438 : i32
      %add3A_440 = arith.constant 8 : i32
      %add3A_441 = arith.addi %add3A_439, %add3A_440 : i32
      %lt3A_442 = arith.constant 80 : i32
      %lt3A_443 = arith.cmpi slt, %add3A_441, %lt3A_442 : i32
      %convert_element_type3A_444 = arith.extui %lt3A_443 : i1 to i32
      %cond3A_445 = arith.constant 0 : i32
      %cond3A_446 = arith.cmpi ne, %convert_element_type3A_444, %cond3A_445 : i32
      scf.if %cond3A_446 {
        %add3A_597 = arith.constant 1 : i32
        %add3A_598 = arith.addi %add3A_144, %add3A_597 : i32
        %add3A_599 = arith.constant 8 : i32
        %add3A_600 = arith.addi %add3A_598, %add3A_599 : i32
        %dma_start3A_601 = arith.constant 1 : i32
        %dma_start3A_602 = arith.constant 1 : i32
        %dma_start3A_603 = arith.constant 0 : i32
        %dma_start3A_604 = arith.constant 0 : i32
        %dma_start3A_605 = tpu.memref_slice %arg9[%dma_start3A_601, %dma_start3A_603, %dma_start3A_604] : memref<8x128x64xbf16, #tpu.memory_space<vmem>> -> memref<1x128x64xbf16, #tpu.memory_space<vmem>>
        %dma_start3A_606 = tpu.memref_squeeze %dma_start3A_605 : memref<1x128x64xbf16, #tpu.memory_space<vmem>> -> memref<128x64xbf16, #tpu.memory_space<vmem>>
        %dma_start3A_607 = arith.constant 0 : i32
        %dma_start3A_608 = tpu.memref_slice %arg7[%add3A_600, %dma_start3A_607] : memref<80x128xi32, #tpu.memory_space<vmem>> -> memref<1x128xi32, #tpu.memory_space<vmem>>
        %dma_start3A_609 = tpu.memref_squeeze %dma_start3A_608 : memref<1x128xi32, #tpu.memory_space<vmem>> -> memref<128xi32, #tpu.memory_space<vmem>>
        %dma_start3A_610 = arith.constant 0 : i32
        %dma_start3A_611 = arith.constant 0 : i32
        %dma_start3A_612 = tpu.memref_slice %arg2[%dma_start3A_610, %dma_start3A_611] : memref<10000x64xbf16, #tpu.memory_space<hbm>> -> memref<10000x64xbf16, #tpu.memory_space<hbm>>
        %dma_start3A_613 = tpu.memref_slice %arg11[%dma_start3A_602] : memref<8x!tpu.dma_semaphore, #tpu.memory_space<semaphore_mem>> -> memref<1x!tpu.dma_semaphore, #tpu.memory_space<semaphore_mem>>
        %dma_start3A_614 = tpu.memref_squeeze %dma_start3A_613 : memref<1x!tpu.dma_semaphore, #tpu.memory_space<semaphore_mem>> -> memref<!tpu.dma_semaphore, #tpu.memory_space<semaphore_mem>>
        tpu.enqueue_indirect_dma source(%dma_start3A_612 : memref<10000x64xbf16, #tpu.memory_space<hbm>>) target(%dma_start3A_606 : memref<128x64xbf16, #tpu.memory_space<vmem>>) offsets(%dma_start3A_609 : memref<128xi32, #tpu.memory_space<vmem>>) semaphore(%dma_start3A_614 : memref<!tpu.dma_semaphore, #tpu.memory_space<semaphore_mem>>)
      } else {
      }
      %add3A_447 = arith.constant 2 : i32
      %add3A_448 = arith.addi %add3A_144, %add3A_447 : i32
      %dma_wait3A_449 = arith.constant 2 : i32
      %dma_wait3A_450 = arith.constant 2 : i32
      %dma_wait3A_451 = arith.constant 0 : i32
      %dma_wait3A_452 = arith.constant 0 : i32
      %dma_wait3A_453 = tpu.memref_slice %arg9[%dma_wait3A_449, %dma_wait3A_451, %dma_wait3A_452] : memref<8x128x64xbf16, #tpu.memory_space<vmem>> -> memref<1x128x64xbf16, #tpu.memory_space<vmem>>
      %dma_wait3A_454 = tpu.memref_squeeze %dma_wait3A_453 : memref<1x128x64xbf16, #tpu.memory_space<vmem>> -> memref<128x64xbf16, #tpu.memory_space<vmem>>
      %dma_wait3A_455 = arith.constant 0 : i32
      %dma_wait3A_456 = tpu.memref_slice %arg8[%add3A_448, %dma_wait3A_455] : memref<80x128xi32, #tpu.memory_space<vmem>> -> memref<1x128xi32, #tpu.memory_space<vmem>>
      %dma_wait3A_457 = tpu.memref_squeeze %dma_wait3A_456 : memref<1x128xi32, #tpu.memory_space<vmem>> -> memref<128xi32, #tpu.memory_space<vmem>>
      %dma_wait3A_458 = arith.constant 0 : i32
      %dma_wait3A_459 = arith.constant 0 : i32
      %dma_wait3A_460 = tpu.memref_slice %arg10[%dma_wait3A_458, %dma_wait3A_459] : memref<10240x64xbf16, #tpu.memory_space<vmem_shared>> -> memref<10240x64xbf16, #tpu.memory_space<vmem_shared>>
      %dma_wait3A_461 = tpu.memref_slice %arg12[%dma_wait3A_450] : memref<8x!tpu.dma_semaphore, #tpu.memory_space<semaphore_mem>> -> memref<1x!tpu.dma_semaphore, #tpu.memory_space<semaphore_mem>>
      %dma_wait3A_462 = tpu.memref_squeeze %dma_wait3A_461 : memref<1x!tpu.dma_semaphore, #tpu.memory_space<semaphore_mem>> -> memref<!tpu.dma_semaphore, #tpu.memory_space<semaphore_mem>>
      tpu.wait_indirect_dma semaphore(%dma_wait3A_462 : memref<!tpu.dma_semaphore, #tpu.memory_space<semaphore_mem>>) src(%dma_wait3A_454 : memref<128x64xbf16, #tpu.memory_space<vmem>>) dst(%dma_wait3A_460 : memref<10240x64xbf16, #tpu.memory_space<vmem_shared>>)
      %add3A_463 = arith.constant 2 : i32
      %add3A_464 = arith.addi %add3A_144, %add3A_463 : i32
      %add3A_465 = arith.constant 8 : i32
      %add3A_466 = arith.addi %add3A_464, %add3A_465 : i32
      %lt3A_467 = arith.constant 80 : i32
      %lt3A_468 = arith.cmpi slt, %add3A_466, %lt3A_467 : i32
      %convert_element_type3A_469 = arith.extui %lt3A_468 : i1 to i32
      %cond3A_470 = arith.constant 0 : i32
      %cond3A_471 = arith.cmpi ne, %convert_element_type3A_469, %cond3A_470 : i32
      scf.if %cond3A_471 {
        %add3A_597 = arith.constant 2 : i32
        %add3A_598 = arith.addi %add3A_144, %add3A_597 : i32
        %add3A_599 = arith.constant 8 : i32
        %add3A_600 = arith.addi %add3A_598, %add3A_599 : i32
        %dma_start3A_601 = arith.constant 2 : i32
        %dma_start3A_602 = arith.constant 2 : i32
        %dma_start3A_603 = arith.constant 0 : i32
        %dma_start3A_604 = arith.constant 0 : i32
        %dma_start3A_605 = tpu.memref_slice %arg9[%dma_start3A_601, %dma_start3A_603, %dma_start3A_604] : memref<8x128x64xbf16, #tpu.memory_space<vmem>> -> memref<1x128x64xbf16, #tpu.memory_space<vmem>>
        %dma_start3A_606 = tpu.memref_squeeze %dma_start3A_605 : memref<1x128x64xbf16, #tpu.memory_space<vmem>> -> memref<128x64xbf16, #tpu.memory_space<vmem>>
        %dma_start3A_607 = arith.constant 0 : i32
        %dma_start3A_608 = tpu.memref_slice %arg7[%add3A_600, %dma_start3A_607] : memref<80x128xi32, #tpu.memory_space<vmem>> -> memref<1x128xi32, #tpu.memory_space<vmem>>
        %dma_start3A_609 = tpu.memref_squeeze %dma_start3A_608 : memref<1x128xi32, #tpu.memory_space<vmem>> -> memref<128xi32, #tpu.memory_space<vmem>>
        %dma_start3A_610 = arith.constant 0 : i32
        %dma_start3A_611 = arith.constant 0 : i32
        %dma_start3A_612 = tpu.memref_slice %arg2[%dma_start3A_610, %dma_start3A_611] : memref<10000x64xbf16, #tpu.memory_space<hbm>> -> memref<10000x64xbf16, #tpu.memory_space<hbm>>
        %dma_start3A_613 = tpu.memref_slice %arg11[%dma_start3A_602] : memref<8x!tpu.dma_semaphore, #tpu.memory_space<semaphore_mem>> -> memref<1x!tpu.dma_semaphore, #tpu.memory_space<semaphore_mem>>
        %dma_start3A_614 = tpu.memref_squeeze %dma_start3A_613 : memref<1x!tpu.dma_semaphore, #tpu.memory_space<semaphore_mem>> -> memref<!tpu.dma_semaphore, #tpu.memory_space<semaphore_mem>>
        tpu.enqueue_indirect_dma source(%dma_start3A_612 : memref<10000x64xbf16, #tpu.memory_space<hbm>>) target(%dma_start3A_606 : memref<128x64xbf16, #tpu.memory_space<vmem>>) offsets(%dma_start3A_609 : memref<128xi32, #tpu.memory_space<vmem>>) semaphore(%dma_start3A_614 : memref<!tpu.dma_semaphore, #tpu.memory_space<semaphore_mem>>)
      } else {
      }
      %add3A_472 = arith.constant 3 : i32
      %add3A_473 = arith.addi %add3A_144, %add3A_472 : i32
      %dma_wait3A_474 = arith.constant 3 : i32
      %dma_wait3A_475 = arith.constant 3 : i32
      %dma_wait3A_476 = arith.constant 0 : i32
      %dma_wait3A_477 = arith.constant 0 : i32
      %dma_wait3A_478 = tpu.memref_slice %arg9[%dma_wait3A_474, %dma_wait3A_476, %dma_wait3A_477] : memref<8x128x64xbf16, #tpu.memory_space<vmem>> -> memref<1x128x64xbf16, #tpu.memory_space<vmem>>
      %dma_wait3A_479 = tpu.memref_squeeze %dma_wait3A_478 : memref<1x128x64xbf16, #tpu.memory_space<vmem>> -> memref<128x64xbf16, #tpu.memory_space<vmem>>
      %dma_wait3A_480 = arith.constant 0 : i32
      %dma_wait3A_481 = tpu.memref_slice %arg8[%add3A_473, %dma_wait3A_480] : memref<80x128xi32, #tpu.memory_space<vmem>> -> memref<1x128xi32, #tpu.memory_space<vmem>>
      %dma_wait3A_482 = tpu.memref_squeeze %dma_wait3A_481 : memref<1x128xi32, #tpu.memory_space<vmem>> -> memref<128xi32, #tpu.memory_space<vmem>>
      %dma_wait3A_483 = arith.constant 0 : i32
      %dma_wait3A_484 = arith.constant 0 : i32
      %dma_wait3A_485 = tpu.memref_slice %arg10[%dma_wait3A_483, %dma_wait3A_484] : memref<10240x64xbf16, #tpu.memory_space<vmem_shared>> -> memref<10240x64xbf16, #tpu.memory_space<vmem_shared>>
      %dma_wait3A_486 = tpu.memref_slice %arg12[%dma_wait3A_475] : memref<8x!tpu.dma_semaphore, #tpu.memory_space<semaphore_mem>> -> memref<1x!tpu.dma_semaphore, #tpu.memory_space<semaphore_mem>>
      %dma_wait3A_487 = tpu.memref_squeeze %dma_wait3A_486 : memref<1x!tpu.dma_semaphore, #tpu.memory_space<semaphore_mem>> -> memref<!tpu.dma_semaphore, #tpu.memory_space<semaphore_mem>>
      tpu.wait_indirect_dma semaphore(%dma_wait3A_487 : memref<!tpu.dma_semaphore, #tpu.memory_space<semaphore_mem>>) src(%dma_wait3A_479 : memref<128x64xbf16, #tpu.memory_space<vmem>>) dst(%dma_wait3A_485 : memref<10240x64xbf16, #tpu.memory_space<vmem_shared>>)
      %add3A_488 = arith.constant 3 : i32
      %add3A_489 = arith.addi %add3A_144, %add3A_488 : i32
      %add3A_490 = arith.constant 8 : i32
      %add3A_491 = arith.addi %add3A_489, %add3A_490 : i32
      %lt3A_492 = arith.constant 80 : i32
      %lt3A_493 = arith.cmpi slt, %add3A_491, %lt3A_492 : i32
      %convert_element_type3A_494 = arith.extui %lt3A_493 : i1 to i32
      %cond3A_495 = arith.constant 0 : i32
      %cond3A_496 = arith.cmpi ne, %convert_element_type3A_494, %cond3A_495 : i32
      scf.if %cond3A_496 {
        %add3A_597 = arith.constant 3 : i32
        %add3A_598 = arith.addi %add3A_144, %add3A_597 : i32
        %add3A_599 = arith.constant 8 : i32
        %add3A_600 = arith.addi %add3A_598, %add3A_599 : i32
        %dma_start3A_601 = arith.constant 3 : i32
        %dma_start3A_602 = arith.constant 3 : i32
        %dma_start3A_603 = arith.constant 0 : i32
        %dma_start3A_604 = arith.constant 0 : i32
        %dma_start3A_605 = tpu.memref_slice %arg9[%dma_start3A_601, %dma_start3A_603, %dma_start3A_604] : memref<8x128x64xbf16, #tpu.memory_space<vmem>> -> memref<1x128x64xbf16, #tpu.memory_space<vmem>>
        %dma_start3A_606 = tpu.memref_squeeze %dma_start3A_605 : memref<1x128x64xbf16, #tpu.memory_space<vmem>> -> memref<128x64xbf16, #tpu.memory_space<vmem>>
        %dma_start3A_607 = arith.constant 0 : i32
        %dma_start3A_608 = tpu.memref_slice %arg7[%add3A_600, %dma_start3A_607] : memref<80x128xi32, #tpu.memory_space<vmem>> -> memref<1x128xi32, #tpu.memory_space<vmem>>
        %dma_start3A_609 = tpu.memref_squeeze %dma_start3A_608 : memref<1x128xi32, #tpu.memory_space<vmem>> -> memref<128xi32, #tpu.memory_space<vmem>>
        %dma_start3A_610 = arith.constant 0 : i32
        %dma_start3A_611 = arith.constant 0 : i32
        %dma_start3A_612 = tpu.memref_slice %arg2[%dma_start3A_610, %dma_start3A_611] : memref<10000x64xbf16, #tpu.memory_space<hbm>> -> memref<10000x64xbf16, #tpu.memory_space<hbm>>
        %dma_start3A_613 = tpu.memref_slice %arg11[%dma_start3A_602] : memref<8x!tpu.dma_semaphore, #tpu.memory_space<semaphore_mem>> -> memref<1x!tpu.dma_semaphore, #tpu.memory_space<semaphore_mem>>
        %dma_start3A_614 = tpu.memref_squeeze %dma_start3A_613 : memref<1x!tpu.dma_semaphore, #tpu.memory_space<semaphore_mem>> -> memref<!tpu.dma_semaphore, #tpu.memory_space<semaphore_mem>>
        tpu.enqueue_indirect_dma source(%dma_start3A_612 : memref<10000x64xbf16, #tpu.memory_space<hbm>>) target(%dma_start3A_606 : memref<128x64xbf16, #tpu.memory_space<vmem>>) offsets(%dma_start3A_609 : memref<128xi32, #tpu.memory_space<vmem>>) semaphore(%dma_start3A_614 : memref<!tpu.dma_semaphore, #tpu.memory_space<semaphore_mem>>)
      } else {
      }
      %add3A_497 = arith.constant 4 : i32
      %add3A_498 = arith.addi %add3A_144, %add3A_497 : i32
      %dma_wait3A_499 = arith.constant 4 : i32
      %dma_wait3A_500 = arith.constant 4 : i32
      %dma_wait3A_501 = arith.constant 0 : i32
      %dma_wait3A_502 = arith.constant 0 : i32
      %dma_wait3A_503 = tpu.memref_slice %arg9[%dma_wait3A_499, %dma_wait3A_501, %dma_wait3A_502] : memref<8x128x64xbf16, #tpu.memory_space<vmem>> -> memref<1x128x64xbf16, #tpu.memory_space<vmem>>
      %dma_wait3A_504 = tpu.memref_squeeze %dma_wait3A_503 : memref<1x128x64xbf16, #tpu.memory_space<vmem>> -> memref<128x64xbf16, #tpu.memory_space<vmem>>
      %dma_wait3A_505 = arith.constant 0 : i32
      %dma_wait3A_506 = tpu.memref_slice %arg8[%add3A_498, %dma_wait3A_505] : memref<80x128xi32, #tpu.memory_space<vmem>> -> memref<1x128xi32, #tpu.memory_space<vmem>>
      %dma_wait3A_507 = tpu.memref_squeeze %dma_wait3A_506 : memref<1x128xi32, #tpu.memory_space<vmem>> -> memref<128xi32, #tpu.memory_space<vmem>>
      %dma_wait3A_508 = arith.constant 0 : i32
      %dma_wait3A_509 = arith.constant 0 : i32
      %dma_wait3A_510 = tpu.memref_slice %arg10[%dma_wait3A_508, %dma_wait3A_509] : memref<10240x64xbf16, #tpu.memory_space<vmem_shared>> -> memref<10240x64xbf16, #tpu.memory_space<vmem_shared>>
      %dma_wait3A_511 = tpu.memref_slice %arg12[%dma_wait3A_500] : memref<8x!tpu.dma_semaphore, #tpu.memory_space<semaphore_mem>> -> memref<1x!tpu.dma_semaphore, #tpu.memory_space<semaphore_mem>>
      %dma_wait3A_512 = tpu.memref_squeeze %dma_wait3A_511 : memref<1x!tpu.dma_semaphore, #tpu.memory_space<semaphore_mem>> -> memref<!tpu.dma_semaphore, #tpu.memory_space<semaphore_mem>>
      tpu.wait_indirect_dma semaphore(%dma_wait3A_512 : memref<!tpu.dma_semaphore, #tpu.memory_space<semaphore_mem>>) src(%dma_wait3A_504 : memref<128x64xbf16, #tpu.memory_space<vmem>>) dst(%dma_wait3A_510 : memref<10240x64xbf16, #tpu.memory_space<vmem_shared>>)
      %add3A_513 = arith.constant 4 : i32
      %add3A_514 = arith.addi %add3A_144, %add3A_513 : i32
      %add3A_515 = arith.constant 8 : i32
      %add3A_516 = arith.addi %add3A_514, %add3A_515 : i32
      %lt3A_517 = arith.constant 80 : i32
      %lt3A_518 = arith.cmpi slt, %add3A_516, %lt3A_517 : i32
      %convert_element_type3A_519 = arith.extui %lt3A_518 : i1 to i32
      %cond3A_520 = arith.constant 0 : i32
      %cond3A_521 = arith.cmpi ne, %convert_element_type3A_519, %cond3A_520 : i32
      scf.if %cond3A_521 {
        %add3A_597 = arith.constant 4 : i32
        %add3A_598 = arith.addi %add3A_144, %add3A_597 : i32
        %add3A_599 = arith.constant 8 : i32
        %add3A_600 = arith.addi %add3A_598, %add3A_599 : i32
        %dma_start3A_601 = arith.constant 4 : i32
        %dma_start3A_602 = arith.constant 4 : i32
        %dma_start3A_603 = arith.constant 0 : i32
        %dma_start3A_604 = arith.constant 0 : i32
        %dma_start3A_605 = tpu.memref_slice %arg9[%dma_start3A_601, %dma_start3A_603, %dma_start3A_604] : memref<8x128x64xbf16, #tpu.memory_space<vmem>> -> memref<1x128x64xbf16, #tpu.memory_space<vmem>>
        %dma_start3A_606 = tpu.memref_squeeze %dma_start3A_605 : memref<1x128x64xbf16, #tpu.memory_space<vmem>> -> memref<128x64xbf16, #tpu.memory_space<vmem>>
        %dma_start3A_607 = arith.constant 0 : i32
        %dma_start3A_608 = tpu.memref_slice %arg7[%add3A_600, %dma_start3A_607] : memref<80x128xi32, #tpu.memory_space<vmem>> -> memref<1x128xi32, #tpu.memory_space<vmem>>
        %dma_start3A_609 = tpu.memref_squeeze %dma_start3A_608 : memref<1x128xi32, #tpu.memory_space<vmem>> -> memref<128xi32, #tpu.memory_space<vmem>>
        %dma_start3A_610 = arith.constant 0 : i32
        %dma_start3A_611 = arith.constant 0 : i32
        %dma_start3A_612 = tpu.memref_slice %arg2[%dma_start3A_610, %dma_start3A_611] : memref<10000x64xbf16, #tpu.memory_space<hbm>> -> memref<10000x64xbf16, #tpu.memory_space<hbm>>
        %dma_start3A_613 = tpu.memref_slice %arg11[%dma_start3A_602] : memref<8x!tpu.dma_semaphore, #tpu.memory_space<semaphore_mem>> -> memref<1x!tpu.dma_semaphore, #tpu.memory_space<semaphore_mem>>
        %dma_start3A_614 = tpu.memref_squeeze %dma_start3A_613 : memref<1x!tpu.dma_semaphore, #tpu.memory_space<semaphore_mem>> -> memref<!tpu.dma_semaphore, #tpu.memory_space<semaphore_mem>>
        tpu.enqueue_indirect_dma source(%dma_start3A_612 : memref<10000x64xbf16, #tpu.memory_space<hbm>>) target(%dma_start3A_606 : memref<128x64xbf16, #tpu.memory_space<vmem>>) offsets(%dma_start3A_609 : memref<128xi32, #tpu.memory_space<vmem>>) semaphore(%dma_start3A_614 : memref<!tpu.dma_semaphore, #tpu.memory_space<semaphore_mem>>)
      } else {
      }
      %add3A_522 = arith.constant 5 : i32
      %add3A_523 = arith.addi %add3A_144, %add3A_522 : i32
      %dma_wait3A_524 = arith.constant 5 : i32
      %dma_wait3A_525 = arith.constant 5 : i32
      %dma_wait3A_526 = arith.constant 0 : i32
      %dma_wait3A_527 = arith.constant 0 : i32
      %dma_wait3A_528 = tpu.memref_slice %arg9[%dma_wait3A_524, %dma_wait3A_526, %dma_wait3A_527] : memref<8x128x64xbf16, #tpu.memory_space<vmem>> -> memref<1x128x64xbf16, #tpu.memory_space<vmem>>
      %dma_wait3A_529 = tpu.memref_squeeze %dma_wait3A_528 : memref<1x128x64xbf16, #tpu.memory_space<vmem>> -> memref<128x64xbf16, #tpu.memory_space<vmem>>
      %dma_wait3A_530 = arith.constant 0 : i32
      %dma_wait3A_531 = tpu.memref_slice %arg8[%add3A_523, %dma_wait3A_530] : memref<80x128xi32, #tpu.memory_space<vmem>> -> memref<1x128xi32, #tpu.memory_space<vmem>>
      %dma_wait3A_532 = tpu.memref_squeeze %dma_wait3A_531 : memref<1x128xi32, #tpu.memory_space<vmem>> -> memref<128xi32, #tpu.memory_space<vmem>>
      %dma_wait3A_533 = arith.constant 0 : i32
      %dma_wait3A_534 = arith.constant 0 : i32
      %dma_wait3A_535 = tpu.memref_slice %arg10[%dma_wait3A_533, %dma_wait3A_534] : memref<10240x64xbf16, #tpu.memory_space<vmem_shared>> -> memref<10240x64xbf16, #tpu.memory_space<vmem_shared>>
      %dma_wait3A_536 = tpu.memref_slice %arg12[%dma_wait3A_525] : memref<8x!tpu.dma_semaphore, #tpu.memory_space<semaphore_mem>> -> memref<1x!tpu.dma_semaphore, #tpu.memory_space<semaphore_mem>>
      %dma_wait3A_537 = tpu.memref_squeeze %dma_wait3A_536 : memref<1x!tpu.dma_semaphore, #tpu.memory_space<semaphore_mem>> -> memref<!tpu.dma_semaphore, #tpu.memory_space<semaphore_mem>>
      tpu.wait_indirect_dma semaphore(%dma_wait3A_537 : memref<!tpu.dma_semaphore, #tpu.memory_space<semaphore_mem>>) src(%dma_wait3A_529 : memref<128x64xbf16, #tpu.memory_space<vmem>>) dst(%dma_wait3A_535 : memref<10240x64xbf16, #tpu.memory_space<vmem_shared>>)
      %add3A_538 = arith.constant 5 : i32
      %add3A_539 = arith.addi %add3A_144, %add3A_538 : i32
      %add3A_540 = arith.constant 8 : i32
      %add3A_541 = arith.addi %add3A_539, %add3A_540 : i32
      %lt3A_542 = arith.constant 80 : i32
      %lt3A_543 = arith.cmpi slt, %add3A_541, %lt3A_542 : i32
      %convert_element_type3A_544 = arith.extui %lt3A_543 : i1 to i32
      %cond3A_545 = arith.constant 0 : i32
      %cond3A_546 = arith.cmpi ne, %convert_element_type3A_544, %cond3A_545 : i32
      scf.if %cond3A_546 {
        %add3A_597 = arith.constant 5 : i32
        %add3A_598 = arith.addi %add3A_144, %add3A_597 : i32
        %add3A_599 = arith.constant 8 : i32
        %add3A_600 = arith.addi %add3A_598, %add3A_599 : i32
        %dma_start3A_601 = arith.constant 5 : i32
        %dma_start3A_602 = arith.constant 5 : i32
        %dma_start3A_603 = arith.constant 0 : i32
        %dma_start3A_604 = arith.constant 0 : i32
        %dma_start3A_605 = tpu.memref_slice %arg9[%dma_start3A_601, %dma_start3A_603, %dma_start3A_604] : memref<8x128x64xbf16, #tpu.memory_space<vmem>> -> memref<1x128x64xbf16, #tpu.memory_space<vmem>>
        %dma_start3A_606 = tpu.memref_squeeze %dma_start3A_605 : memref<1x128x64xbf16, #tpu.memory_space<vmem>> -> memref<128x64xbf16, #tpu.memory_space<vmem>>
        %dma_start3A_607 = arith.constant 0 : i32
        %dma_start3A_608 = tpu.memref_slice %arg7[%add3A_600, %dma_start3A_607] : memref<80x128xi32, #tpu.memory_space<vmem>> -> memref<1x128xi32, #tpu.memory_space<vmem>>
        %dma_start3A_609 = tpu.memref_squeeze %dma_start3A_608 : memref<1x128xi32, #tpu.memory_space<vmem>> -> memref<128xi32, #tpu.memory_space<vmem>>
        %dma_start3A_610 = arith.constant 0 : i32
        %dma_start3A_611 = arith.constant 0 : i32
        %dma_start3A_612 = tpu.memref_slice %arg2[%dma_start3A_610, %dma_start3A_611] : memref<10000x64xbf16, #tpu.memory_space<hbm>> -> memref<10000x64xbf16, #tpu.memory_space<hbm>>
        %dma_start3A_613 = tpu.memref_slice %arg11[%dma_start3A_602] : memref<8x!tpu.dma_semaphore, #tpu.memory_space<semaphore_mem>> -> memref<1x!tpu.dma_semaphore, #tpu.memory_space<semaphore_mem>>
        %dma_start3A_614 = tpu.memref_squeeze %dma_start3A_613 : memref<1x!tpu.dma_semaphore, #tpu.memory_space<semaphore_mem>> -> memref<!tpu.dma_semaphore, #tpu.memory_space<semaphore_mem>>
        tpu.enqueue_indirect_dma source(%dma_start3A_612 : memref<10000x64xbf16, #tpu.memory_space<hbm>>) target(%dma_start3A_606 : memref<128x64xbf16, #tpu.memory_space<vmem>>) offsets(%dma_start3A_609 : memref<128xi32, #tpu.memory_space<vmem>>) semaphore(%dma_start3A_614 : memref<!tpu.dma_semaphore, #tpu.memory_space<semaphore_mem>>)
      } else {
      }
      %add3A_547 = arith.constant 6 : i32
      %add3A_548 = arith.addi %add3A_144, %add3A_547 : i32
      %dma_wait3A_549 = arith.constant 6 : i32
      %dma_wait3A_550 = arith.constant 6 : i32
      %dma_wait3A_551 = arith.constant 0 : i32
      %dma_wait3A_552 = arith.constant 0 : i32
      %dma_wait3A_553 = tpu.memref_slice %arg9[%dma_wait3A_549, %dma_wait3A_551, %dma_wait3A_552] : memref<8x128x64xbf16, #tpu.memory_space<vmem>> -> memref<1x128x64xbf16, #tpu.memory_space<vmem>>
      %dma_wait3A_554 = tpu.memref_squeeze %dma_wait3A_553 : memref<1x128x64xbf16, #tpu.memory_space<vmem>> -> memref<128x64xbf16, #tpu.memory_space<vmem>>
      %dma_wait3A_555 = arith.constant 0 : i32
      %dma_wait3A_556 = tpu.memref_slice %arg8[%add3A_548, %dma_wait3A_555] : memref<80x128xi32, #tpu.memory_space<vmem>> -> memref<1x128xi32, #tpu.memory_space<vmem>>
      %dma_wait3A_557 = tpu.memref_squeeze %dma_wait3A_556 : memref<1x128xi32, #tpu.memory_space<vmem>> -> memref<128xi32, #tpu.memory_space<vmem>>
      %dma_wait3A_558 = arith.constant 0 : i32
      %dma_wait3A_559 = arith.constant 0 : i32
      %dma_wait3A_560 = tpu.memref_slice %arg10[%dma_wait3A_558, %dma_wait3A_559] : memref<10240x64xbf16, #tpu.memory_space<vmem_shared>> -> memref<10240x64xbf16, #tpu.memory_space<vmem_shared>>
      %dma_wait3A_561 = tpu.memref_slice %arg12[%dma_wait3A_550] : memref<8x!tpu.dma_semaphore, #tpu.memory_space<semaphore_mem>> -> memref<1x!tpu.dma_semaphore, #tpu.memory_space<semaphore_mem>>
      %dma_wait3A_562 = tpu.memref_squeeze %dma_wait3A_561 : memref<1x!tpu.dma_semaphore, #tpu.memory_space<semaphore_mem>> -> memref<!tpu.dma_semaphore, #tpu.memory_space<semaphore_mem>>
      tpu.wait_indirect_dma semaphore(%dma_wait3A_562 : memref<!tpu.dma_semaphore, #tpu.memory_space<semaphore_mem>>) src(%dma_wait3A_554 : memref<128x64xbf16, #tpu.memory_space<vmem>>) dst(%dma_wait3A_560 : memref<10240x64xbf16, #tpu.memory_space<vmem_shared>>)
      %add3A_563 = arith.constant 6 : i32
      %add3A_564 = arith.addi %add3A_144, %add3A_563 : i32
      %add3A_565 = arith.constant 8 : i32
      %add3A_566 = arith.addi %add3A_564, %add3A_565 : i32
      %lt3A_567 = arith.constant 80 : i32
      %lt3A_568 = arith.cmpi slt, %add3A_566, %lt3A_567 : i32
      %convert_element_type3A_569 = arith.extui %lt3A_568 : i1 to i32
      %cond3A_570 = arith.constant 0 : i32
      %cond3A_571 = arith.cmpi ne, %convert_element_type3A_569, %cond3A_570 : i32
      scf.if %cond3A_571 {
        %add3A_597 = arith.constant 6 : i32
        %add3A_598 = arith.addi %add3A_144, %add3A_597 : i32
        %add3A_599 = arith.constant 8 : i32
        %add3A_600 = arith.addi %add3A_598, %add3A_599 : i32
        %dma_start3A_601 = arith.constant 6 : i32
        %dma_start3A_602 = arith.constant 6 : i32
        %dma_start3A_603 = arith.constant 0 : i32
        %dma_start3A_604 = arith.constant 0 : i32
        %dma_start3A_605 = tpu.memref_slice %arg9[%dma_start3A_601, %dma_start3A_603, %dma_start3A_604] : memref<8x128x64xbf16, #tpu.memory_space<vmem>> -> memref<1x128x64xbf16, #tpu.memory_space<vmem>>
        %dma_start3A_606 = tpu.memref_squeeze %dma_start3A_605 : memref<1x128x64xbf16, #tpu.memory_space<vmem>> -> memref<128x64xbf16, #tpu.memory_space<vmem>>
        %dma_start3A_607 = arith.constant 0 : i32
        %dma_start3A_608 = tpu.memref_slice %arg7[%add3A_600, %dma_start3A_607] : memref<80x128xi32, #tpu.memory_space<vmem>> -> memref<1x128xi32, #tpu.memory_space<vmem>>
        %dma_start3A_609 = tpu.memref_squeeze %dma_start3A_608 : memref<1x128xi32, #tpu.memory_space<vmem>> -> memref<128xi32, #tpu.memory_space<vmem>>
        %dma_start3A_610 = arith.constant 0 : i32
        %dma_start3A_611 = arith.constant 0 : i32
        %dma_start3A_612 = tpu.memref_slice %arg2[%dma_start3A_610, %dma_start3A_611] : memref<10000x64xbf16, #tpu.memory_space<hbm>> -> memref<10000x64xbf16, #tpu.memory_space<hbm>>
        %dma_start3A_613 = tpu.memref_slice %arg11[%dma_start3A_602] : memref<8x!tpu.dma_semaphore, #tpu.memory_space<semaphore_mem>> -> memref<1x!tpu.dma_semaphore, #tpu.memory_space<semaphore_mem>>
        %dma_start3A_614 = tpu.memref_squeeze %dma_start3A_613 : memref<1x!tpu.dma_semaphore, #tpu.memory_space<semaphore_mem>> -> memref<!tpu.dma_semaphore, #tpu.memory_space<semaphore_mem>>
        tpu.enqueue_indirect_dma source(%dma_start3A_612 : memref<10000x64xbf16, #tpu.memory_space<hbm>>) target(%dma_start3A_606 : memref<128x64xbf16, #tpu.memory_space<vmem>>) offsets(%dma_start3A_609 : memref<128xi32, #tpu.memory_space<vmem>>) semaphore(%dma_start3A_614 : memref<!tpu.dma_semaphore, #tpu.memory_space<semaphore_mem>>)
      } else {
      }
      %add3A_572 = arith.constant 7 : i32
      %add3A_573 = arith.addi %add3A_144, %add3A_572 : i32
      %dma_wait3A_574 = arith.constant 7 : i32
      %dma_wait3A_575 = arith.constant 7 : i32
      %dma_wait3A_576 = arith.constant 0 : i32
      %dma_wait3A_577 = arith.constant 0 : i32
      %dma_wait3A_578 = tpu.memref_slice %arg9[%dma_wait3A_574, %dma_wait3A_576, %dma_wait3A_577] : memref<8x128x64xbf16, #tpu.memory_space<vmem>> -> memref<1x128x64xbf16, #tpu.memory_space<vmem>>
      %dma_wait3A_579 = tpu.memref_squeeze %dma_wait3A_578 : memref<1x128x64xbf16, #tpu.memory_space<vmem>> -> memref<128x64xbf16, #tpu.memory_space<vmem>>
      %dma_wait3A_580 = arith.constant 0 : i32
      %dma_wait3A_581 = tpu.memref_slice %arg8[%add3A_573, %dma_wait3A_580] : memref<80x128xi32, #tpu.memory_space<vmem>> -> memref<1x128xi32, #tpu.memory_space<vmem>>
      %dma_wait3A_582 = tpu.memref_squeeze %dma_wait3A_581 : memref<1x128xi32, #tpu.memory_space<vmem>> -> memref<128xi32, #tpu.memory_space<vmem>>
      %dma_wait3A_583 = arith.constant 0 : i32
      %dma_wait3A_584 = arith.constant 0 : i32
      %dma_wait3A_585 = tpu.memref_slice %arg10[%dma_wait3A_583, %dma_wait3A_584] : memref<10240x64xbf16, #tpu.memory_space<vmem_shared>> -> memref<10240x64xbf16, #tpu.memory_space<vmem_shared>>
      %dma_wait3A_586 = tpu.memref_slice %arg12[%dma_wait3A_575] : memref<8x!tpu.dma_semaphore, #tpu.memory_space<semaphore_mem>> -> memref<1x!tpu.dma_semaphore, #tpu.memory_space<semaphore_mem>>
      %dma_wait3A_587 = tpu.memref_squeeze %dma_wait3A_586 : memref<1x!tpu.dma_semaphore, #tpu.memory_space<semaphore_mem>> -> memref<!tpu.dma_semaphore, #tpu.memory_space<semaphore_mem>>
      tpu.wait_indirect_dma semaphore(%dma_wait3A_587 : memref<!tpu.dma_semaphore, #tpu.memory_space<semaphore_mem>>) src(%dma_wait3A_579 : memref<128x64xbf16, #tpu.memory_space<vmem>>) dst(%dma_wait3A_585 : memref<10240x64xbf16, #tpu.memory_space<vmem_shared>>)
      %add3A_588 = arith.constant 7 : i32
      %add3A_589 = arith.addi %add3A_144, %add3A_588 : i32
      %add3A_590 = arith.constant 8 : i32
      %add3A_591 = arith.addi %add3A_589, %add3A_590 : i32
      %lt3A_592 = arith.constant 80 : i32
      %lt3A_593 = arith.cmpi slt, %add3A_591, %lt3A_592 : i32
      %convert_element_type3A_594 = arith.extui %lt3A_593 : i1 to i32
      %cond3A_595 = arith.constant 0 : i32
      %cond3A_596 = arith.cmpi ne, %convert_element_type3A_594, %cond3A_595 : i32
      scf.if %cond3A_596 {
        %add3A_597 = arith.constant 7 : i32
        %add3A_598 = arith.addi %add3A_144, %add3A_597 : i32
        %add3A_599 = arith.constant 8 : i32
        %add3A_600 = arith.addi %add3A_598, %add3A_599 : i32
        %dma_start3A_601 = arith.constant 7 : i32
        %dma_start3A_602 = arith.constant 7 : i32
        %dma_start3A_603 = arith.constant 0 : i32
        %dma_start3A_604 = arith.constant 0 : i32
        %dma_start3A_605 = tpu.memref_slice %arg9[%dma_start3A_601, %dma_start3A_603, %dma_start3A_604] : memref<8x128x64xbf16, #tpu.memory_space<vmem>> -> memref<1x128x64xbf16, #tpu.memory_space<vmem>>
        %dma_start3A_606 = tpu.memref_squeeze %dma_start3A_605 : memref<1x128x64xbf16, #tpu.memory_space<vmem>> -> memref<128x64xbf16, #tpu.memory_space<vmem>>
        %dma_start3A_607 = arith.constant 0 : i32
        %dma_start3A_608 = tpu.memref_slice %arg7[%add3A_600, %dma_start3A_607] : memref<80x128xi32, #tpu.memory_space<vmem>> -> memref<1x128xi32, #tpu.memory_space<vmem>>
        %dma_start3A_609 = tpu.memref_squeeze %dma_start3A_608 : memref<1x128xi32, #tpu.memory_space<vmem>> -> memref<128xi32, #tpu.memory_space<vmem>>
        %dma_start3A_610 = arith.constant 0 : i32
        %dma_start3A_611 = arith.constant 0 : i32
        %dma_start3A_612 = tpu.memref_slice %arg2[%dma_start3A_610, %dma_start3A_611] : memref<10000x64xbf16, #tpu.memory_space<hbm>> -> memref<10000x64xbf16, #tpu.memory_space<hbm>>
        %dma_start3A_613 = tpu.memref_slice %arg11[%dma_start3A_602] : memref<8x!tpu.dma_semaphore, #tpu.memory_space<semaphore_mem>> -> memref<1x!tpu.dma_semaphore, #tpu.memory_space<semaphore_mem>>
        %dma_start3A_614 = tpu.memref_squeeze %dma_start3A_613 : memref<1x!tpu.dma_semaphore, #tpu.memory_space<semaphore_mem>> -> memref<!tpu.dma_semaphore, #tpu.memory_space<semaphore_mem>>
        tpu.enqueue_indirect_dma source(%dma_start3A_612 : memref<10000x64xbf16, #tpu.memory_space<hbm>>) target(%dma_start3A_606 : memref<128x64xbf16, #tpu.memory_space<vmem>>) offsets(%dma_start3A_609 : memref<128xi32, #tpu.memory_space<vmem>>) semaphore(%dma_start3A_614 : memref<!tpu.dma_semaphore, #tpu.memory_space<semaphore_mem>>)
      } else {
      }
    }
    %scan3A_134 = arith.constant 10 : i32
    %scan3A_135 = arith.constant 1 : i32
    %barrier3A_136 = arith.constant 0 : index
    tpu.barrier barrier_id(%barrier3A_136)
    %mul3A_137 = arith.constant 10240 : i32
    %mul3A_138 = arith.muli %arg0, %mul3A_137 : i32
    %add3A_139 = arith.addi %mul3A_138, %mul3A_2 : i32
    "tpu.region"() ({
      %run_scoped3A = tpu.sem_alloc : memref<!tpu.dma_semaphore, #tpu.memory_space<semaphore_mem>>
      %dma_start3A_140 = arith.constant 0 : i32
      %dma_start3A_141 = tpu.memref_slice %arg6[%add3A_139, %dma_start3A_140] : memref<20480x64xbf16, #tpu.memory_space<hbm>> -> memref<640x64xbf16, #tpu.memory_space<hbm>>
      %dma_start3A_142 = arith.constant 0 : i32
      %dma_start3A_143 = tpu.memref_slice %arg10[%mul3A_2, %dma_start3A_142] : memref<10240x64xbf16, #tpu.memory_space<vmem_shared>> -> memref<640x64xbf16, #tpu.memory_space<vmem_shared>>
      tpu.enqueue_dma source(%dma_start3A_143 : memref<640x64xbf16, #tpu.memory_space<vmem_shared>>) target(%dma_start3A_141 : memref<640x64xbf16, #tpu.memory_space<hbm>>) target_semaphore(%run_scoped3A : memref<!tpu.dma_semaphore, #tpu.memory_space<semaphore_mem>>)
      %dma_wait3A = arith.constant 0 : i32
      %dma_wait3A_144 = tpu.memref_slice %arg6[%add3A_139, %dma_wait3A] : memref<20480x64xbf16, #tpu.memory_space<hbm>> -> memref<640x64xbf16, #tpu.memory_space<hbm>>
      %dma_wait3A_145 = arith.constant 0 : i32
      %dma_wait3A_146 = tpu.memref_slice %arg10[%mul3A_2, %dma_wait3A_145] : memref<10240x64xbf16, #tpu.memory_space<vmem_shared>> -> memref<640x64xbf16, #tpu.memory_space<vmem_shared>>
      tpu.wait_dma2 semaphore(%run_scoped3A : memref<!tpu.dma_semaphore, #tpu.memory_space<semaphore_mem>>) src(%dma_wait3A_146 : memref<640x64xbf16, #tpu.memory_space<vmem_shared>>) dst(%dma_wait3A_144 : memref<640x64xbf16, #tpu.memory_space<hbm>>)
      tpu.yield
    }) : () -> ()
    return
  }
}

module attributes {stable_mosaic.version = 14 : i64} {
  func.func @_mlp1_body(%arg0: i32, %arg1: memref<1x1xf32, #tpu.memory_space<smem>>, %arg2: memref<1000x128xf32, #tpu.memory_space<vmem>>, %arg3: memref<1000x64xbf16, #tpu.memory_space<vmem>>, %arg4: memref<1000x64xbf16, #tpu.memory_space<vmem>>, %arg5: memref<128x128xf32, #tpu.memory_space<vmem>>, %arg6: memref<1x128xf32, #tpu.memory_space<vmem>>, %arg7: memref<128x128xf32, #tpu.memory_space<vmem>>, %arg8: memref<1x128xf32, #tpu.memory_space<vmem>>, %arg9: memref<128x64xf32, #tpu.memory_space<vmem>>, %arg10: memref<1000x64xbf16, #tpu.memory_space<vmem>>) attributes {dimension_semantics = [#tpu.dimension_semantics<arbitrary>], iteration_bounds = array<i64: 10>, scalar_prefetch = 0 : i64, scratch_operands = 0 : i64, tpu.core_type = #tpu.core_type<tc>, window_params = [{transform_indices = @transform_0, window_bounds = array<i64: 1, 1>}, {transform_indices = @transform_1, window_bounds = array<i64: 1000, 128>}, {transform_indices = @transform_2, window_bounds = array<i64: 1000, 64>}, {transform_indices = @transform_3, window_bounds = array<i64: 1000, 64>}, {pipeline_mode = #tpu.pipeline_mode<synchronous>, transform_indices = @transform_4, window_bounds = array<i64: 128, 128>}, {pipeline_mode = #tpu.pipeline_mode<synchronous>, transform_indices = @transform_5, window_bounds = array<i64: 1, 128>}, {pipeline_mode = #tpu.pipeline_mode<synchronous>, transform_indices = @transform_6, window_bounds = array<i64: 128, 128>}, {pipeline_mode = #tpu.pipeline_mode<synchronous>, transform_indices = @transform_7, window_bounds = array<i64: 1, 128>}, {pipeline_mode = #tpu.pipeline_mode<synchronous>, transform_indices = @transform_8, window_bounds = array<i64: 128, 64>}, {transform_indices = @transform_9, window_bounds = array<i64: 1000, 64>}]} {
    %get3A = arith.constant 0 : index
    %get3A_0 = arith.constant 0 : index
    %get3A_1 = vector.load %arg3[%get3A, %get3A_0] : memref<1000x64xbf16, #tpu.memory_space<vmem>>, vector<1000x64xbf16>
    %get3A_2 = arith.constant 0 : index
    %get3A_3 = arith.constant 0 : index
    %get3A_4 = vector.load %arg4[%get3A_2, %get3A_3] : memref<1000x64xbf16, #tpu.memory_space<vmem>>, vector<1000x64xbf16>
    %concatenate3A = tpu.concatenate %get3A_1, %get3A_4 in 1 : vector<1000x64xbf16>, vector<1000x64xbf16> -> vector<1000x128xbf16>
    %convert_element_type3A = arith.extf %concatenate3A : vector<1000x128xbf16> to vector<1000x128xf32>
    %get3A_5 = arith.constant 0 : index
    %get3A_6 = arith.constant 0 : index
    %get3A_7 = vector.load %arg2[%get3A_5, %get3A_6] : memref<1000x128xf32, #tpu.memory_space<vmem>>, vector<1000x128xf32>
    %get3A_8 = arith.constant 0 : index
    %get3A_9 = arith.constant 0 : index
    %get3A_10 = memref.load %arg1[%get3A_8, %get3A_9] : memref<1x1xf32, #tpu.memory_space<smem>>
    %mul3A = vector.broadcast %get3A_10 : f32 to vector<1000x128xf32>
    %mul3A_11 = arith.mulf %get3A_7, %mul3A : vector<1000x128xf32>
    %add3A = arith.addf %mul3A_11, %convert_element_type3A : vector<1000x128xf32>
    %get3A_12 = arith.constant 0 : index
    %get3A_13 = arith.constant 0 : index
    %get3A_14 = vector.load %arg5[%get3A_12, %get3A_13] : memref<128x128xf32, #tpu.memory_space<vmem>>, vector<128x128xf32>
    %dot_general3A = arith.constant dense<0.000000e+00> : vector<1000x128xf32>
    %dot_general3A_15 = tpu.matmul %add3A, %get3A_14, %dot_general3A {dimension_numbers = #tpu.dot_dimension_numbers<[1], [0], [0], [1], [0, 0, 1, 1], [], []>, transpose_lhs_hint = false} : vector<1000x128xf32>, vector<128x128xf32>, vector<1000x128xf32> -> vector<1000x128xf32>
    %get3A_16 = arith.constant 0 : index
    %get3A_17 = arith.constant 0 : index
    %get3A_18 = vector.load %arg6[%get3A_16, %get3A_17] : memref<1x128xf32, #tpu.memory_space<vmem>>, vector<1x128xf32>
    %add3A_19 = vector.broadcast %get3A_18 : vector<1x128xf32> to vector<1000x128xf32>
    %add3A_20 = arith.addf %dot_general3A_15, %add3A_19 : vector<1000x128xf32>
    %max3A = arith.constant 0.000000e+00 : f32
    %max3A_21 = vector.broadcast %max3A : f32 to vector<1000x128xf32>
    %max3A_22 = arith.maximumf %add3A_20, %max3A_21 : vector<1000x128xf32>
    %get3A_23 = arith.constant 0 : index
    %get3A_24 = arith.constant 0 : index
    %get3A_25 = vector.load %arg7[%get3A_23, %get3A_24] : memref<128x128xf32, #tpu.memory_space<vmem>>, vector<128x128xf32>
    %dot_general3A_26 = arith.constant dense<0.000000e+00> : vector<1000x128xf32>
    %dot_general3A_27 = tpu.matmul %max3A_22, %get3A_25, %dot_general3A_26 {dimension_numbers = #tpu.dot_dimension_numbers<[1], [0], [0], [1], [0, 0, 1, 1], [], []>, transpose_lhs_hint = false} : vector<1000x128xf32>, vector<128x128xf32>, vector<1000x128xf32> -> vector<1000x128xf32>
    %get3A_28 = arith.constant 0 : index
    %get3A_29 = arith.constant 0 : index
    %get3A_30 = vector.load %arg8[%get3A_28, %get3A_29] : memref<1x128xf32, #tpu.memory_space<vmem>>, vector<1x128xf32>
    %add3A_31 = vector.broadcast %get3A_30 : vector<1x128xf32> to vector<1000x128xf32>
    %add3A_32 = arith.addf %dot_general3A_27, %add3A_31 : vector<1000x128xf32>
    %max3A_33 = arith.constant 0.000000e+00 : f32
    %max3A_34 = vector.broadcast %max3A_33 : f32 to vector<1000x128xf32>
    %max3A_35 = arith.maximumf %add3A_32, %max3A_34 : vector<1000x128xf32>
    %get3A_36 = arith.constant 0 : index
    %get3A_37 = arith.constant 0 : index
    %get3A_38 = vector.load %arg9[%get3A_36, %get3A_37] : memref<128x64xf32, #tpu.memory_space<vmem>>, vector<128x64xf32>
    %dot_general3A_39 = arith.constant dense<0.000000e+00> : vector<1000x64xf32>
    %dot_general3A_40 = tpu.matmul %max3A_35, %get3A_38, %dot_general3A_39 {dimension_numbers = #tpu.dot_dimension_numbers<[1], [0], [0], [1], [0, 0, 1, 1], [], []>, transpose_lhs_hint = false} : vector<1000x128xf32>, vector<128x64xf32>, vector<1000x64xf32> -> vector<1000x64xf32>
    %convert_element_type3A_41 = arith.truncf %dot_general3A_40 : vector<1000x64xf32> to vector<1000x64xbf16>
    %swap3A = arith.constant 0 : index
    %swap3A_42 = arith.constant 0 : index
    %swap3A_43 = vector.load %arg10[%swap3A, %swap3A_42] : memref<1000x64xbf16, #tpu.memory_space<vmem>>, vector<1000x64xbf16>
    tpu.vector_store %arg10[%swap3A, %swap3A_42], %convert_element_type3A_41 {strides = array<i32>} : memref<1000x64xbf16, #tpu.memory_space<vmem>>, vector<1000x64xbf16>,
    return
  }
  func.func @transform_0(%arg0: i32) -> (i32, i32) {
    %c0_i32 = arith.constant 0 : i32
    %c0_i32_0 = arith.constant 0 : i32
    %c0_i32_1 = arith.constant 0 : i32
    return %c0_i32, %c0_i32_0 : i32, i32
  }
  func.func @transform_1(%arg0: i32) -> (i32, i32) {
    %c0_i32 = arith.constant 0 : i32
    %c0_i32_0 = arith.constant 0 : i32
    return %arg0, %c0_i32 : i32, i32
  }
  func.func @transform_2(%arg0: i32) -> (i32, i32) {
    %c0_i32 = arith.constant 0 : i32
    %c0_i32_0 = arith.constant 0 : i32
    return %arg0, %c0_i32 : i32, i32
  }
  func.func @transform_3(%arg0: i32) -> (i32, i32) {
    %c0_i32 = arith.constant 0 : i32
    %c0_i32_0 = arith.constant 0 : i32
    return %arg0, %c0_i32 : i32, i32
  }
  func.func @transform_4(%arg0: i32) -> (i32, i32) {
    %c0_i32 = arith.constant 0 : i32
    %c0_i32_0 = arith.constant 0 : i32
    %c0_i32_1 = arith.constant 0 : i32
    return %c0_i32, %c0_i32_0 : i32, i32
  }
  func.func @transform_5(%arg0: i32) -> (i32, i32) {
    %c0_i32 = arith.constant 0 : i32
    %c0_i32_0 = arith.constant 0 : i32
    %c0_i32_1 = arith.constant 0 : i32
    return %c0_i32, %c0_i32_0 : i32, i32
  }
  func.func @transform_6(%arg0: i32) -> (i32, i32) {
    %c0_i32 = arith.constant 0 : i32
    %c0_i32_0 = arith.constant 0 : i32
    %c0_i32_1 = arith.constant 0 : i32
    return %c0_i32, %c0_i32_0 : i32, i32
  }
  func.func @transform_7(%arg0: i32) -> (i32, i32) {
    %c0_i32 = arith.constant 0 : i32
    %c0_i32_0 = arith.constant 0 : i32
    %c0_i32_1 = arith.constant 0 : i32
    return %c0_i32, %c0_i32_0 : i32, i32
  }
  func.func @transform_8(%arg0: i32) -> (i32, i32) {
    %c0_i32 = arith.constant 0 : i32
    %c0_i32_0 = arith.constant 0 : i32
    %c0_i32_1 = arith.constant 0 : i32
    return %c0_i32, %c0_i32_0 : i32, i32
  }
  func.func @transform_9(%arg0: i32) -> (i32, i32) {
    %c0_i32 = arith.constant 0 : i32
    %c0_i32_0 = arith.constant 0 : i32
    return %arg0, %c0_i32 : i32, i32
  }
}

module attributes {stable_mosaic.version = 14 : i64} {
  func.func @_mlp2_body(%arg0: i32, %arg1: memref<1x1xf32, #tpu.memory_space<smem>>, %arg2: memref<1000x64xbf16, #tpu.memory_space<vmem>>, %arg3: memref<1000x64xbf16, #tpu.memory_space<vmem>>, %arg4: memref<1000x64xbf16, #tpu.memory_space<vmem>>, %arg5: memref<1x64xf32, #tpu.memory_space<vmem>>, %arg6: memref<64x64xf32, #tpu.memory_space<vmem>>, %arg7: memref<1x64xf32, #tpu.memory_space<vmem>>, %arg8: memref<1000x64xf32, #tpu.memory_space<vmem>>) attributes {dimension_semantics = [#tpu.dimension_semantics<arbitrary>], iteration_bounds = array<i64: 10>, scalar_prefetch = 0 : i64, scratch_operands = 0 : i64, tpu.core_type = #tpu.core_type<tc>, window_params = [{transform_indices = @transform_0, window_bounds = array<i64: 1, 1>}, {transform_indices = @transform_1, window_bounds = array<i64: 1000, 64>}, {transform_indices = @transform_2, window_bounds = array<i64: 1000, 64>}, {transform_indices = @transform_3, window_bounds = array<i64: 1000, 64>}, {pipeline_mode = #tpu.pipeline_mode<synchronous>, transform_indices = @transform_4, window_bounds = array<i64: 1, 64>}, {pipeline_mode = #tpu.pipeline_mode<synchronous>, transform_indices = @transform_5, window_bounds = array<i64: 64, 64>}, {pipeline_mode = #tpu.pipeline_mode<synchronous>, transform_indices = @transform_6, window_bounds = array<i64: 1, 64>}, {transform_indices = @transform_7, window_bounds = array<i64: 1000, 64>}]} {
    %get3A = arith.constant 0 : index
    %get3A_0 = arith.constant 0 : index
    %get3A_1 = vector.load %arg2[%get3A, %get3A_0] : memref<1000x64xbf16, #tpu.memory_space<vmem>>, vector<1000x64xbf16>
    %convert_element_type3A = arith.extf %get3A_1 : vector<1000x64xbf16> to vector<1000x64xf32>
    %get3A_2 = arith.constant 0 : index
    %get3A_3 = arith.constant 0 : index
    %get3A_4 = memref.load %arg1[%get3A_2, %get3A_3] : memref<1x1xf32, #tpu.memory_space<smem>>
    %mul3A = vector.broadcast %get3A_4 : f32 to vector<1000x64xf32>
    %mul3A_5 = arith.mulf %convert_element_type3A, %mul3A : vector<1000x64xf32>
    %get3A_6 = arith.constant 0 : index
    %get3A_7 = arith.constant 0 : index
    %get3A_8 = vector.load %arg3[%get3A_6, %get3A_7] : memref<1000x64xbf16, #tpu.memory_space<vmem>>, vector<1000x64xbf16>
    %convert_element_type3A_9 = arith.extf %get3A_8 : vector<1000x64xbf16> to vector<1000x64xf32>
    %add3A = arith.addf %mul3A_5, %convert_element_type3A_9 : vector<1000x64xf32>
    %get3A_10 = arith.constant 0 : index
    %get3A_11 = arith.constant 0 : index
    %get3A_12 = vector.load %arg4[%get3A_10, %get3A_11] : memref<1000x64xbf16, #tpu.memory_space<vmem>>, vector<1000x64xbf16>
    %convert_element_type3A_13 = arith.extf %get3A_12 : vector<1000x64xbf16> to vector<1000x64xf32>
    %add3A_14 = arith.addf %add3A, %convert_element_type3A_13 : vector<1000x64xf32>
    %get3A_15 = arith.constant 0 : index
    %get3A_16 = arith.constant 0 : index
    %get3A_17 = vector.load %arg5[%get3A_15, %get3A_16] : memref<1x64xf32, #tpu.memory_space<vmem>>, vector<1x64xf32>
    %add3A_18 = vector.broadcast %get3A_17 : vector<1x64xf32> to vector<1000x64xf32>
    %add3A_19 = arith.addf %add3A_14, %add3A_18 : vector<1000x64xf32>
    %max3A = arith.constant 0.000000e+00 : f32
    %max3A_20 = vector.broadcast %max3A : f32 to vector<1000x64xf32>
    %max3A_21 = arith.maximumf %add3A_19, %max3A_20 : vector<1000x64xf32>
    %get3A_22 = arith.constant 0 : index
    %get3A_23 = arith.constant 0 : index
    %get3A_24 = vector.load %arg6[%get3A_22, %get3A_23] : memref<64x64xf32, #tpu.memory_space<vmem>>, vector<64x64xf32>
    %dot_general3A = arith.constant dense<0.000000e+00> : vector<1000x64xf32>
    %dot_general3A_25 = tpu.matmul %max3A_21, %get3A_24, %dot_general3A {dimension_numbers = #tpu.dot_dimension_numbers<[1], [0], [0], [1], [0, 0, 1, 1], [], []>, transpose_lhs_hint = false} : vector<1000x64xf32>, vector<64x64xf32>, vector<1000x64xf32> -> vector<1000x64xf32>
    %get3A_26 = arith.constant 0 : index
    %get3A_27 = arith.constant 0 : index
    %get3A_28 = vector.load %arg7[%get3A_26, %get3A_27] : memref<1x64xf32, #tpu.memory_space<vmem>>, vector<1x64xf32>
    %add3A_29 = vector.broadcast %get3A_28 : vector<1x64xf32> to vector<1000x64xf32>
    %add3A_30 = arith.addf %dot_general3A_25, %add3A_29 : vector<1000x64xf32>
    %swap3A = arith.constant 0 : index
    %swap3A_31 = arith.constant 0 : index
    %swap3A_32 = vector.load %arg8[%swap3A, %swap3A_31] : memref<1000x64xf32, #tpu.memory_space<vmem>>, vector<1000x64xf32>
    tpu.vector_store %arg8[%swap3A, %swap3A_31], %add3A_30 {strides = array<i32>} : memref<1000x64xf32, #tpu.memory_space<vmem>>, vector<1000x64xf32>,
    return
  }
  func.func @transform_0(%arg0: i32) -> (i32, i32) {
    %c0_i32 = arith.constant 0 : i32
    %c0_i32_0 = arith.constant 0 : i32
    %c0_i32_1 = arith.constant 0 : i32
    return %c0_i32, %c0_i32_0 : i32, i32
  }
  func.func @transform_1(%arg0: i32) -> (i32, i32) {
    %c0_i32 = arith.constant 0 : i32
    %c0_i32_0 = arith.constant 0 : i32
    return %arg0, %c0_i32 : i32, i32
  }
  func.func @transform_2(%arg0: i32) -> (i32, i32) {
    %c0_i32 = arith.constant 0 : i32
    %c0_i32_0 = arith.constant 0 : i32
    return %arg0, %c0_i32 : i32, i32
  }
  func.func @transform_3(%arg0: i32) -> (i32, i32) {
    %c0_i32 = arith.constant 0 : i32
    %c0_i32_0 = arith.constant 0 : i32
    return %arg0, %c0_i32 : i32, i32
  }
  func.func @transform_4(%arg0: i32) -> (i32, i32) {
    %c0_i32 = arith.constant 0 : i32
    %c0_i32_0 = arith.constant 0 : i32
    %c0_i32_1 = arith.constant 0 : i32
    return %c0_i32, %c0_i32_0 : i32, i32
  }
  func.func @transform_5(%arg0: i32) -> (i32, i32) {
    %c0_i32 = arith.constant 0 : i32
    %c0_i32_0 = arith.constant 0 : i32
    %c0_i32_1 = arith.constant 0 : i32
    return %c0_i32, %c0_i32_0 : i32, i32
  }
  func.func @transform_6(%arg0: i32) -> (i32, i32) {
    %c0_i32 = arith.constant 0 : i32
    %c0_i32_0 = arith.constant 0 : i32
    %c0_i32_1 = arith.constant 0 : i32
    return %c0_i32, %c0_i32_0 : i32, i32
  }
  func.func @transform_7(%arg0: i32) -> (i32, i32) {
    %c0_i32 = arith.constant 0 : i32
    %c0_i32_0 = arith.constant 0 : i32
    return %arg0, %c0_i32 : i32, i32
  }
}

</mosaic_0001>

<sc_bundles>
// kernel: kernel.6.cloned.1.call-start
scs
__scs_entry_jumppad:
0x0: {  	(pc) =	sbr.rel $0x88, $3  }
0x1: {  	(tag) =	ssettag $0x0;
	lr =	simm.s32 $0x1  }
0x2: {  	[smem:$0x3F95] =	sst lr;
	_ =	strace $0xD0000000  }
0x3: {  	_ = 	snop  }
0x4: {  	_ = 	snop  }
0x5: {  	_ = 	snop  }
0x6: {  	_ = 	snop  }
0x7: {  	_ = 	snop  }
__scs_overlays_trampoline_lowered:
0x8: {  	[smem:$0x3FA4] =	sst s0  }
0x9: {  	[smem:$0x3FA5] =	sst s1  }
0xa: {  	[smem:$0x3FA6] =	sst s2  }
0xb: {  	[smem:$0x3FA7] =	sst s3  }
0xc: {  	[smem:$0x3FA8] =	sst s4  }
0xd: {  	[smem:$0x3FA9] =	sst s5  }
0xe: {  	[smem:$0x3FAA] =	sst s6  }
0xf: {  	[smem:$0x3FAB] =	sst s7  }
0x10: {  	[smem:$0x3FAC] =	sst s8  }
0x11: {  	[smem:$0x3FAD] =	sst s9;
	s0 =	simm.s32 @!p0 $0x0  }
0x12: {  	s1 =	sld [smem:$0x3F93];
	s0 =	simm.s32 @p0 $0x1  }
0x13: {  	[smem:$0x3FAE] =	sst s0;
	s0 =	simm.s32 @!p1 $0x0  }
0x14: {  	s2 =	sld [smem:$0x3F92];
	s0 =	simm.s32 @p1 $0x1  }
0x15: {  	[smem:$0x3FAF] =	sst s0;
	s0 =	simm.s32 @!p2 $0x0  }
0x16: {  	s3 =	sld [smem:$0x3FDB];
	s0 =	simm.s32 @p2 $0x1  }
0x17: {  	s4 =	simm.s32 $0x1BF5;
	[smem:$0x3FB1] =	sst s0  }
0x18: {  	s0 =	sld [smem:$0x3F94];
	_ =	swait.ge [sflag:s4], $0x0  }
0x19: {  	s7 =	sld [smem:$0x3F95]  }
0x1a: {  	s8 =	sadd.s32 $0xFFFFE003, lr  }
0x1b: {  	s9 =	sadd.s32 $0xFFFFFEF7, lr;
	s5 =	simm.s32 $0xFFFFFFFF;
	p2 =	slt.u32 s8, $0xFFFFF086  }
0x1c: {  	p1 =	slt.u32 s9, $0xF7A;
	s5 =	simm.s32 @!p2 $0x0  }
0x1d: {  	s5 =	simm.s32 @p1 $0x1;
	p0 =	seq.s32 s7, s2  }
0x1e: {  	s7 =	smul.u32 @!p0 $0xF7A, s2;
	p2 =	seq.s32 @!p0 s5, $0x0  }
0x1f: {  	s9 =	smul.u32 $0xF7A, s1;
	s8 =	simm.s32 @!p0 $0x1BF5;
	p2 =	por !p2, p0  }
0x20: {  	[sflag:s8] =	ssyncset.s32 @!p0 $0xFFFFF086;
	s6 =	sadd.s32 @!p0 s3, s7;
	s7 =	simm.s32 @!p0 $0x108  }
0x21: {  	s3 =	sadd.s32 s3, s9;
	s6 =	sadd.s32 @!p0 $0x88, s6;
	s7 =	simm.s32 @p2 $0x1082  }
0x22: {  	[simem:s7], [sflag:s8] =	dma.local @!p0 [hbm:s6], $0xF7A  }
0x23: {  	s9 =	sor.u32 $0xD0000000, s2;
	s6 =	simm.s32 $0x108;
	_ =	swait.ge @!p0 [sflag:s8], $0x0  }
0x24: {  	s3 =	sadd.s32 $0x88, s3;
	s6 =	simm.s32 @!p1 $0x1082;
	[sflag:s4] =	ssyncset.s32 $0xFFFFF086  }
0x25: {  	[simem:s6], [sflag:s4] =	dma.local [hbm:s3], $0xF7A  }
0x26: {  	[smem:$0x3F95] =	sst s1;
	(tag) =	ssettag s2;
	_ =	strace s9  }
0x27: {  	s1 =	sld [smem:$0x3FA5]  }
0x28: {  	s2 =	sld [smem:$0x3FA6]  }
0x29: {  	s4 =	sld [smem:$0x3FA8]  }
0x2a: {  	p0 =	seq.s32 s5, $0x0;
	s5 =	sld [smem:$0x3FA9]  }
0x2b: {  	s6 =	sld [smem:$0x3FAA]  }
0x2c: {  	s7 =	sld [smem:$0x3FAB]  }
0x2d: {  	s3 =	simm.s32 $0x108;
	s8 =	sld [smem:$0x3FAC]  }
0x2e: {  	s3 =	simm.s32 @!p0 $0x1082;
	s9 =	sld [smem:$0x3FAD]  }
0x2f: {  	lr =	sadd.s32 s0, s3;
	s0 =	sld [smem:$0x3FA4]  }
0x30: {  	s3 =	sld [smem:$0x3FA7]  }
0x31: {  	[smem:$0x3FB0] =	sst s10  }
0x32: {  	s10 =	sld [smem:$0x3FAE];
	_ =	sdelay $0x3  }
0x33: {  	p0 =	seq.s32 s10, $0x1;
	s10 =	sld [smem:$0x3FB0];
	_ =	sdelay $0x3  }
0x34: {  	[smem:$0x3FB0] =	sst s10  }
0x35: {  	s10 =	sld [smem:$0x3FAF];
	_ =	sdelay $0x3  }
0x36: {  	p1 =	seq.s32 s10, $0x1;
	s10 =	sld [smem:$0x3FB0];
	_ =	sdelay $0x3  }
0x37: {  	[smem:$0x3FB0] =	sst s10  }
0x38: {  	s10 =	sld [smem:$0x3FB1]  }
0x39: {  	_ = 	snop;
	(pc) =	sbr.ind lr, $3  }
0x3a: {  	_ = 	snop  }
0x3b: {  	_ = 	snop  }
0x3c: {  	p2 =	seq.s32 s10, $0x1;
	s10 =	sld [smem:$0x3FB0]  }
0x3d: {  	_ =	shalt  }
0x3e: {  	_ =	shalt  }
0x3f: {  	_ =	shalt  }
0x40: {  	_ =	shalt  }
0x41: {  	_ =	shalt  }
0x42: {  	_ =	shalt  }
0x43: {  	_ =	shalt  }
0x44: {  	_ =	shalt  }
0x45: {  	_ =	shalt  }
0x46: {  	_ =	shalt  }
0x47: {  	_ =	shalt  }
0x48: {  	_ =	shalt  }
0x49: {  	_ =	shalt  }
0x4a: {  	_ =	shalt  }
0x4b: {  	_ =	shalt  }
0x4c: {  	_ =	shalt  }
0x4d: {  	_ =	shalt  }
0x4e: {  	_ =	shalt  }
0x4f: {  	_ =	shalt  }
0x50: {  	_ =	shalt  }
0x51: {  	_ =	shalt  }
0x52: {  	_ =	shalt  }
0x53: {  	_ =	shalt  }
0x54: {  	_ =	shalt  }
0x55: {  	_ =	shalt  }
0x56: {  	_ =	shalt  }
0x57: {  	_ =	shalt  }
0x58: {  	_ =	shalt  }
0x59: {  	_ =	shalt  }
0x5a: {  	_ =	shalt  }
0x5b: {  	_ =	shalt  }
0x5c: {  	_ =	shalt  }
0x5d: {  	_ =	shalt  }
0x5e: {  	_ =	shalt  }
0x5f: {  	_ =	shalt  }
0x60: {  	_ =	shalt  }
0x61: {  	_ =	shalt  }
0x62: {  	_ =	shalt  }
0x63: {  	_ =	shalt  }
0x64: {  	_ =	shalt  }
0x65: {  	_ =	shalt  }
0x66: {  	_ =	shalt  }
0x67: {  	_ =	shalt  }
0x68: {  	_ =	shalt  }
0x69: {  	_ =	shalt  }
0x6a: {  	_ =	shalt  }
0x6b: {  	_ =	shalt  }
0x6c: {  	_ =	shalt  }
0x6d: {  	_ =	shalt  }
0x6e: {  	_ =	shalt  }
0x6f: {  	_ =	shalt  }
0x70: {  	_ =	shalt  }
0x71: {  	_ =	shalt  }
0x72: {  	_ =	shalt  }
0x73: {  	_ =	shalt  }
0x74: {  	_ =	shalt  }
0x75: {  	_ =	shalt  }
0x76: {  	_ =	shalt  }
0x77: {  	_ =	shalt  }
0x78: {  	_ =	shalt  }
0x79: {  	_ =	shalt  }
0x7a: {  	_ =	shalt  }
0x7b: {  	_ =	shalt  }
0x7c: {  	_ =	shalt  }
0x7d: {  	_ =	shalt  }
0x7e: {  	_ =	shalt  }
0x7f: {  	_ =	shalt  }
0x80: {  	_ =	shalt  }
0x81: {  	_ =	shalt  }
0x82: {  	_ =	shalt  }
0x83: {  	_ =	shalt  }
0x84: {  	_ =	shalt  }
0x85: {  	_ =	shalt  }
0x86: {  	_ =	shalt  }
0x87: {  	_ =	shalt  }
.Lfunc_end0:
.L_simem_size_0:
called_computation_lowered:
.L_overlay_start_0:
0x88: {  	s2 =	sld [smem:$0x3FD9]  }
0x89: {  	s3 =	sld [smem:$0x3FFE];
	_ =	sdelay $0x1  }
0x8a: {  	s1 =	srdreg.scid  }
0x8b: {  	s0 =	sand.u32 $0x1, s1  }
0x8c: {  	s17 =	sshll.u32 s0, $0xA;
	s2 =	sadd.s32 s3, s2  }
0x8d: {  	s2 =	sadd.s32 s2, s17  }
0x8e: {  	[smem:$0x3FBC] =	sst s2  }
0x8f: {  	_ = 	snop  }
0x90: {  	s2 =	sld [smem:$0x3FD0];
	(tm) =	ssettm $0x1  }
0x91: {  	s18 =	sld [smem:$0x3FFB];
	_ =	sdelay $0x3  }
0x92: {  	_ =	strace s18  }
0x93: {  	s3 =	sld [smem:$0x3FFC];
	_ =	sdelay $0x3  }
0x94: {  	_ =	strace s3  }
0x95: {  	s3 =	sld [smem:$0x3FFD];
	_ =	sdelay $0x3  }
0x96: {  	_ =	strace s3  }
0x97: {  	_ =	strace $0x8FFFFFFF  }
0x98: {  	s19 =	sld [smem:$0x3FDB];
	_ =	sdelay $0x1  }
0x99: {  	s4 =	simm.s32 $_scs_section_size  }
0x9a: {  	s5 =	simm.s32 $_size__tile_overlayer_lowered;
	s6 =	simm.s32 $_tile_overlayer_lowered  }
0x9b: {  	s22 =	simm.s32 $0x1BFF;
	s21 =	sshll.u32 s6, $0x1;
	s3 =	sadd.s32 s4, s19  }
0x9c: {  	s7 =	simm.s32 $0x0;
	s20 =	sshll.u32 s5, $0x1;
	s5 =	sadd.s32 s21, s3  }
0x9d: {  	[timem:s7], [sflag:s22] =	dma.local [hbm:s5], s20  }
0x9e: {  	_ =	swait.ge [sflag:s22], s20  }
0x9f: {  	s4 =	ssub.s32 $0x0, s20;
	[sflag:s22] =	ssyncset.done $0x0  }
0xa0: {  	[sflag:s22] =	ssyncadd.s32 s4;
	_ =	sdelay $0x1  }
0xa1: {  	s23 =	simm.s32 $0x1B8B  }
0xa2: {  	_ =	swait.ge [sflag:s23], $0x1  }
0xa3: {  	[sflag:s23] =	ssyncset.done $0x0  }
0xa4: {  	s25 =	simm.s32 $0x1B8E;
	s24 =	sld [smem:$0x3FFE];
	[sflag:s23] =	ssyncadd.s32 $0xFFFFFFFF  }
0xa5: {  	s26 =	simm.s32 $execute0_lowered;
	[smem:$0x3FD2] =	sst s25  }
0xa6: {  	s5 =	sshll.u32 s26, $0x1;
	_ =	strace $0x80000046;
	[dreg:$0x1] =	wrdreg $0xFFFFFFFF  }
0xa7: {  	s28 =	simm.s32 $_size_execute0_lowered;
	s3 =	sadd.s32 s3, s5;
	[dreg:$0x0] =	wrdreg $0x0  }
0xa8: {  	s5 =	sshll.u32 s28, $0x1;
	[dreg:$0x2] =	wrdreg s3  }
0xa9: {  	[dreg:$0x3] =	wrdreg s5  }
0xaa: {  	[dreg:$0x4] =	wrdreg $0xC0  }
0xab: {  	_ =	task [dreg:s7], $0x5FFFF  }
0xac: {  	[dreg:$0x1] =	wrdreg $0xFFFFFFFF  }
0xad: {  	[dreg:$0x0] =	wrdreg $0x60  }
0xae: {  	[dreg:$0x2] =	wrdreg s2  }
0xaf: {  	[dreg:$0x3] =	wrdreg s24  }
0xb0: {  	[dreg:$0x4] =	wrdreg $0xD0000  }
0xb1: {  	[dreg:$0x5] =	wrdreg $0x9  }
0xb2: {  	_ =	task.clear_ibuf [dreg:s7], $0x6FFFF;
	_ =	strace $0x90000046  }
0xb3: {  	s29 =	simm.s32 $0x9;
	_ =	strace $0x80000048  }
0xb4: {  	_ =	swait.ge [sflag:s29], $0x1  }
0xb5: {  	[sflag:s29] =	ssyncadd.s32 $0xFFFFFFFF  }
0xb6: {  	_ =	strace $0x90000048  }
0xb7: {  	_ =	sfence  }
0xb8: {  	s30 =	sld [smem:$0x0];
	_ =	sdelay $0x2  }
0xb9: {  	s31 =	sshll.u32 s1, $0xD;
	s1 =	sshrl.u32 s1, $0x2  }
0xba: {  	s3 =	sand.u32 $0x4000, s31;
	s1 =	sadd.s32 s1, s30  }
0xbb: {  	s0 =	sor.u32 s3, s0;
	s1 =	sshll.u32 s1, $0x11  }
0xbc: {  	s0 =	sor.u32 s1, s0  }
0xbd: {  	s0 =	sadd.s32 $0x8F2B, s0  }
0xbe: {  	[sflag:s0] =	ssyncadd.remote.s32 $0x1  }
0xbf: {  	_ =	sfence.sel $0xFFFF  }
0xc0: {  	[dreg:$0x0] =	wrdreg $0xFFFFFFFF;
	(pc) =	sbr.abs _section_cstart, $3  }
0xc1: {  	[dreg:$0x1] =	wrdreg $0xFFFFFFFF  }
0xc2: {  	_ =	task.clear_ibuf [dreg:s7], $0x2FFFF;
	_ =	strace $0x9FFFFFFF  }
0xc3: {  	(tm) =	ssettm $0x7FFFFFFF  }
tec
execute0_lowered:
.L_overlay_start_1:
0x0: {  	(tag) =	ssettag $0x1  }
0x1: {  	s1 =	rddreg [dreg:$0x0]  }
0x2: {  	s0 =	rddreg [dreg:$0x1]  }
0x3: {  	s3 =	rddreg [dreg:$0x2];
	s4 =	simm.s32 $0x0  }
0x4: {  	s2 =	simm.s32 $0x0;
	s9 =	stileid.u32;
	s19 =	srdreg.scid  }
0x5: {  	s14 =	simm.s32 $0x11;
	s16 =	simm.s32 $0x80;
	s17 =	simm.s32 $0x5000  }
0x6: {  	s29 =	simm.s32 $0xB000;
	s31 =	simm.s32 $0xC000;
	s11 =	simm.s32 $0x4  }
0x7: {  	s12 =	simm.s32 $0x5;
	s13 =	simm.s32 $0x7;
	s15 =	simm.s32 $0x9  }
0x8: {  	s28 =	simm.s32 $0xE;
	s30 =	simm.s32 $0xF;
	[dreg:$0x4] =	wrdreg s2  }
0x9: {  	[smem:$0x7FF] =	sst s4;
	s18 =	smul.u32 $0xA000, s9;
	s4 =	sand.u32 $0x1, s19  }
0xa: {  	s5 =	smul.u32 $0xA00, s9;
	s6 =	sadd.s32 $0x16600, s0;
	s20 =	sadd.s32 $0x2A600, s0  }
0xb: {  	s10 =	smul.u32 $0xA0, s9;
	s24 =	sshll.u32 s9, $0x6;
	s9 =	simm.s32 $0x3  }
0xc: {  	s19 =	simm.s32 $0xA;
	_ =	strace $0x80000047;
	[dreg:$0x5] =	wrdreg s6  }
0xd: {  	[dreg:$0x6] =	wrdreg s20;
	s21 =	smul.u32 $0xA000, s4;
	s8 =	ssub.s32 $0x2, s4  }
0xe: {  	s4 =	smul.u32 $0xA00, s4;
	s20 =	simm.s32 $0x7000;
	s7 =	sshrl.u32 s18, $0x4  }
0xf: {  	s22 =	sshrl.u32 s8, $0x1;
	[dreg:$0x7] =	wrdreg s10;
	s2 =	sshrl.u32 s18, $0x1  }
0x10: {  	s18 =	simm.s32 $0x6000;
	s5 =	sadd.s32 s5, s21;
	s7 =	sadd.s32 s7, s0  }
0x11: {  	s23 =	ssub.s32 s8, s22;
	s4 =	sadd.s32 s10, s4;
	s2 =	sadd.s32 s2, s3  }
0x12: {  	s22 =	simm.s32 $0x8000;
	s10 =	simm.s32 $0x6;
	s21 =	simm.s32 $0xB  }
0x13: {  	s0 =	sadd.s32 s5, s0;
	[dreg:$0x8] =	wrdreg s4;
	s25 =	sadd.s32 $0x2600, s7  }
0x14: {  	s7 =	sor.u32 $0x1C11, s24;
	s26 =	smax.u32 s23, $0x1;
	s8 =	sshrl.u32 s2, $0x3  }
.Ltmp0:
0x15: {  	s24 =	simm.s32 $0x9000;
	[dreg:$0x9] =	wrdreg s25;
	(pc) =	sbr.rel .LBB2_1-.Ltmp0, $4  }
0x16: {  	s2 =	simm.s32 $0x2;
	s4 =	simm.s32 $0x8;
	[dreg:$0xc] =	wrdreg s26  }
0x17: {  	s23 =	simm.s32 $0xC;
	s5 =	simm.s32 $0x10;
	[dreg:$0xa] =	wrdreg s7  }
0x18: {  	s0 =	sadd.s32 $0x34600, s0;
	s26 =	simm.s32 $0xA000;
	[dreg:$0xd] =	wrdreg s8  }
0x19: {  	s25 =	simm.s32 $0xD;
	[dreg:$0xb] =	wrdreg s0;
	s0 =	simm.s32 $0x1  }
.LBB2_6:
0x1a: {  	[bflag:$0x0] =	sbarrier.arrive $0xFFFF  }
0x1b: {  	s8 =	rddreg [dreg:$0xa]  }
0x1c: {  	s6 =	rddreg [dreg:$0xb]  }
0x1d: {  	s7 =	rddreg [dreg:$0xd]  }
0x1e: {  	[hbm:s6], [sflag:s8] =	dma.local [spmem:s7], $0xA00  }
0x1f: {  	_ =	swait.ge [sflag:s14], $0xA00  }
0x20: {  	s8 =	rddreg [dreg:$0x4]  }
0x21: {  	s6 =	sadd.s32 $0x1, s8;
	s8 =	rddreg [dreg:$0xc]  }
0x22: {  	p0 =	sne.s32 s6, s8  }
.Ltmp1:
0x23: {  	_ = 	snop;
	(pc) =	sbr.rel @!p0 .LBB2_7-.Ltmp1, $3  }
0x24: {  	_ =	sdelay $0x1  }
0x25: {  	[sflag:s14] =	ssyncset.done $0x0;
	[dreg:$0x4] =	wrdreg s6  }
0x26: {  	[sflag:s14] =	ssyncadd.s32 $0xFFFFF600;
	s8 =	smov.u32 s7;
	s7 =	rddreg [dreg:$0xa]  }
.LBB2_1:
0x27: {  	s6 =	rddreg [dreg:$0x9]  }
0x28: {  	[spmem:s8], [sflag:s7] =	dma.local [hbm:s6], $0xA00  }
.Ltmp2:
0x29: {  	_ =	swait.ge [sflag:s14], $0xA00;
	(pc) =	sbr.rel .LBB2_2-.Ltmp2, $4  }
0x2a: {  	[sflag:s14] =	ssyncset.done $0x0  }
0x2b: {  	[sflag:s14] =	ssyncadd.s32 $0xFFFFF600  }
0x2c: {  	[bflag:$0x0] =	sbarrier.arrive $0xFFFF  }
0x2d: {  	p1 =	por $0x1, $0x1;
	s7 =	simm.s32 $0x0  }
.LBB2_5:
0x2e: {  	_ =	swait.ge [sflag:s19], $0x1000  }
0x2f: {  	[sflag:s19] =	ssyncset.done $0x0  }
0x30: {  	[sflag:s19] =	ssyncadd.s32 $0xFFFFF000  }
0x31: {  	_ =	swait.ge [sflag:s21], $0x1000  }
0x32: {  	[sflag:s21] =	ssyncset.done $0x0  }
0x33: {  	[sflag:s21] =	ssyncadd.s32 $0xFFFFF000  }
0x34: {  	_ =	swait.ge [sflag:s23], $0x1000  }
0x35: {  	[sflag:s23] =	ssyncset.done $0x0  }
0x36: {  	[sflag:s23] =	ssyncadd.s32 $0xFFFFF000  }
0x37: {  	_ =	swait.ge [sflag:s25], $0x1000  }
0x38: {  	[sflag:s25] =	ssyncset.done $0x0  }
0x39: {  	[sflag:s25] =	ssyncadd.s32 $0xFFFFF000  }
0x3a: {  	_ =	swait.ge [sflag:s28], $0x1000  }
0x3b: {  	[sflag:s28] =	ssyncset.done $0x0  }
0x3c: {  	[sflag:s28] =	ssyncadd.s32 $0xFFFFF000  }
0x3d: {  	_ =	swait.ge [sflag:s30], $0x1000  }
.Ltmp3:
0x3e: {  	[sflag:s30] =	ssyncset.done $0x0;
	(pc) =	sbr.rel @!p0 .LBB2_6-.Ltmp3, $4  }
0x3f: {  	[sflag:s30] =	ssyncadd.s32 $0xFFFFF000  }
0x40: {  	_ =	swait.ge [sflag:s5], $0x1000  }
0x41: {  	[sflag:s5] =	ssyncset.done $0x0  }
0x42: {  	s7 =	simm.s32 $0x50;
	p1 =	por $0x0, $0x0;
	[sflag:s5] =	ssyncadd.s32 $0xFFFFF000  }
.LBB2_2:
0x43: {  	s6 =	rddreg [dreg:$0x8]  }
0x44: {  	s6 =	sadd.s32 s7, s6  }
0x45: {  	s8 =	rddreg [dreg:$0x5];
	s6 =	sshll.u32 s6, $0x4  }
0x46: {  	s8 =	sadd.s32 s8, s6;
	s6 =	simm.s32 $0x0  }
0x47: {  	[tilespmem:s6], [sflag:$0x11] =	stream.linear.gather [hbm4b:s8+s6], $0x2800, $0x38;
	[tilespmem:$0x12000] =	vst v63  }
0x48: {  	_ =	swait.ge [sflag:s14], $0x2800  }
0x49: {  	s8 =	rddreg [dreg:$0x7]  }
0x4a: {  	s8 =	sadd.s32 s8, s7  }
0x4b: {  	[sflag:s14] =	ssyncset.done $0x0;
	s7 =	sshll.u32 s8, $0x4;
	s8 =	rddreg [dreg:$0x6]  }
0x4c: {  	[sflag:s14] =	ssyncadd.s32 $0xFFFFD800;
	s7 =	sadd.s32 s8, s7;
	s8 =	simm.s32 $0x2800  }
0x4d: {  	[tilespmem:s8], [sflag:$0x11] =	stream.linear.gather [hbm4b:s7+s6], $0x2800, $0x38;
	[tilespmem:$0x12000] =	vst v63  }
0x4e: {  	_ =	swait.ge [sflag:s14], $0x2800  }
0x4f: {  	[sflag:s14] =	ssyncset.done $0x0  }
0x50: {  	[sflag:s14] =	ssyncadd.s32 $0xFFFFD800  }
0x51: {  	[tilespmem:s17], [sflag:$0x1] =	stream.indirect.gather [hbm4b:s1+s16], $0x20, s6, s16, $0xb8;
	[tilespmem:$0x12000] =	vst v63  }
0x52: {  	_ = 	snop  }
0x53: {  	[tilespmem:s18], [sflag:$0x2] =	stream.indirect.gather [hbm4b:s1+s16], $0x20, s16, s16, $0xb8;
	[tilespmem:$0x12000] =	vst v63  }
0x54: {  	s8 =	simm.s32 $0x100  }
0x55: {  	[tilespmem:s20], [sflag:$0x3] =	stream.indirect.gather [hbm4b:s1+s16], $0x20, s8, s16, $0xb8;
	[tilespmem:$0x12000] =	vst v63  }
0x56: {  	s8 =	simm.s32 $0x180  }
0x57: {  	[tilespmem:s22], [sflag:$0x4] =	stream.indirect.gather [hbm4b:s1+s16], $0x20, s8, s16, $0xb8;
	[tilespmem:$0x12000] =	vst v63  }
0x58: {  	s8 =	simm.s32 $0x200  }
0x59: {  	[tilespmem:s24], [sflag:$0x5] =	stream.indirect.gather [hbm4b:s1+s16], $0x20, s8, s16, $0xb8;
	[tilespmem:$0x12000] =	vst v63  }
0x5a: {  	s8 =	simm.s32 $0x280  }
0x5b: {  	[tilespmem:s26], [sflag:$0x6] =	stream.indirect.gather [hbm4b:s1+s16], $0x20, s8, s16, $0xb8;
	[tilespmem:$0x12000] =	vst v63  }
0x5c: {  	s8 =	simm.s32 $0x300  }
0x5d: {  	[tilespmem:s29], [sflag:$0x7] =	stream.indirect.gather [hbm4b:s1+s16], $0x20, s8, s16, $0xb8;
	[tilespmem:$0x12000] =	vst v63  }
0x5e: {  	p0 =	por p1, p1;
	s8 =	simm.s32 $0x380  }
0x5f: {  	[tilespmem:s31], [sflag:$0x8] =	stream.indirect.gather [hbm4b:s1+s16], $0x20, s8, s16, $0xb8;
	[tilespmem:$0x12000] =	vst v63  }
.LBB2_3:
0x60: {  	_ =	swait.ge [sflag:s0], $0x1000  }
0x61: {  	s7 =	sshra.s32 s6, $0x2;
	[sflag:s0] =	ssyncset.done $0x0  }
0x62: {  	s8 =	sadd.s32 $0x2800, s7;
	[sflag:s0] =	ssyncadd.s32 $0xFFFFF000  }
0x63: {  	[spmem:s3] =	stream.indirect.scatter.add.bf16 [tilespmem:s17], [sflag:$0x9], $0x20, s8, s16, $0xb8;
	[tilespmem:$0x12000] =	vst v63  }
0x64: {  	_ =	swait.ge [sflag:s2], $0x1000  }
0x65: {  	[sflag:s2] =	ssyncset.done $0x0  }
0x66: {  	s8 =	sadd.s32 $0x2880, s7;
	[sflag:s2] =	ssyncadd.s32 $0xFFFFF000  }
0x67: {  	[spmem:s3] =	stream.indirect.scatter.add.bf16 [tilespmem:s18], [sflag:$0xA], $0x20, s8, s16, $0xb8;
	[tilespmem:$0x12000] =	vst v63  }
0x68: {  	_ =	swait.ge [sflag:s9], $0x1000  }
0x69: {  	[sflag:s9] =	ssyncset.done $0x0  }
0x6a: {  	s8 =	sadd.s32 $0x2900, s7;
	[sflag:s9] =	ssyncadd.s32 $0xFFFFF000  }
0x6b: {  	[spmem:s3] =	stream.indirect.scatter.add.bf16 [tilespmem:s20], [sflag:$0xB], $0x20, s8, s16, $0xb8;
	[tilespmem:$0x12000] =	vst v63  }
0x6c: {  	_ =	swait.ge [sflag:s11], $0x1000  }
0x6d: {  	[sflag:s11] =	ssyncset.done $0x0  }
0x6e: {  	s8 =	sadd.s32 $0x2980, s7;
	[sflag:s11] =	ssyncadd.s32 $0xFFFFF000  }
0x6f: {  	[spmem:s3] =	stream.indirect.scatter.add.bf16 [tilespmem:s22], [sflag:$0xC], $0x20, s8, s16, $0xb8;
	[tilespmem:$0x12000] =	vst v63  }
0x70: {  	_ =	swait.ge [sflag:s12], $0x1000  }
0x71: {  	[sflag:s12] =	ssyncset.done $0x0  }
0x72: {  	s8 =	sadd.s32 $0x2A00, s7;
	[sflag:s12] =	ssyncadd.s32 $0xFFFFF000  }
0x73: {  	[spmem:s3] =	stream.indirect.scatter.add.bf16 [tilespmem:s24], [sflag:$0xD], $0x20, s8, s16, $0xb8;
	[tilespmem:$0x12000] =	vst v63  }
0x74: {  	_ =	swait.ge [sflag:s10], $0x1000  }
0x75: {  	[sflag:s10] =	ssyncset.done $0x0  }
0x76: {  	s8 =	sadd.s32 $0x2A80, s7;
	[sflag:s10] =	ssyncadd.s32 $0xFFFFF000  }
0x77: {  	[spmem:s3] =	stream.indirect.scatter.add.bf16 [tilespmem:s26], [sflag:$0xE], $0x20, s8, s16, $0xb8;
	[tilespmem:$0x12000] =	vst v63  }
0x78: {  	_ =	swait.ge [sflag:s13], $0x1000  }
0x79: {  	[sflag:s13] =	ssyncset.done $0x0  }
0x7a: {  	s8 =	sadd.s32 $0x2B00, s7;
	[sflag:s13] =	ssyncadd.s32 $0xFFFFF000  }
0x7b: {  	[spmem:s3] =	stream.indirect.scatter.add.bf16 [tilespmem:s29], [sflag:$0xF], $0x20, s8, s16, $0xb8;
	[tilespmem:$0x12000] =	vst v63  }
0x7c: {  	_ =	swait.ge [sflag:s4], $0x1000  }
0x7d: {  	p1 =	seq.s32 s6, $0x9000;
	[sflag:s4] =	ssyncset.done $0x0  }
.Ltmp4:
0x7e: {  	s8 =	sadd.s32 $0x2B80, s7;
	[sflag:s4] =	ssyncadd.s32 $0xFFFFF000;
	(pc) =	sbr.rel @p1 .LBB2_5-.Ltmp4, $4  }
0x7f: {  	[spmem:s3] =	stream.indirect.scatter.add.bf16 [tilespmem:s31], [sflag:$0x10], $0x20, s8, s16, $0xb8;
	[tilespmem:$0x12000] =	vst v63  }
0x80: {  	_ =	swait.ge [sflag:s15], $0x1000  }
0x81: {  	[sflag:s15] =	ssyncset.done $0x0  }
0x82: {  	[sflag:s15] =	ssyncadd.s32 $0xFFFFF000  }
0x83: {  	s8 =	sadd.s32 $0x400, s7  }
0x84: {  	[tilespmem:s17], [sflag:$0x1] =	stream.indirect.gather [hbm4b:s1+s16], $0x20, s8, s16, $0xb8;
	[tilespmem:$0x12000] =	vst v63  }
0x85: {  	_ =	swait.ge [sflag:s19], $0x1000  }
0x86: {  	[sflag:s19] =	ssyncset.done $0x0  }
0x87: {  	s8 =	sadd.s32 $0x480, s7;
	[sflag:s19] =	ssyncadd.s32 $0xFFFFF000  }
0x88: {  	[tilespmem:s18], [sflag:$0x2] =	stream.indirect.gather [hbm4b:s1+s16], $0x20, s8, s16, $0xb8;
	[tilespmem:$0x12000] =	vst v63  }
0x89: {  	_ =	swait.ge [sflag:s21], $0x1000  }
0x8a: {  	[sflag:s21] =	ssyncset.done $0x0  }
0x8b: {  	s8 =	sadd.s32 $0x500, s7;
	[sflag:s21] =	ssyncadd.s32 $0xFFFFF000  }
0x8c: {  	[tilespmem:s20], [sflag:$0x3] =	stream.indirect.gather [hbm4b:s1+s16], $0x20, s8, s16, $0xb8;
	[tilespmem:$0x12000] =	vst v63  }
0x8d: {  	_ =	swait.ge [sflag:s23], $0x1000  }
0x8e: {  	[sflag:s23] =	ssyncset.done $0x0  }
0x8f: {  	s8 =	sadd.s32 $0x580, s7;
	[sflag:s23] =	ssyncadd.s32 $0xFFFFF000  }
0x90: {  	[tilespmem:s22], [sflag:$0x4] =	stream.indirect.gather [hbm4b:s1+s16], $0x20, s8, s16, $0xb8;
	[tilespmem:$0x12000] =	vst v63  }
0x91: {  	_ =	swait.ge [sflag:s25], $0x1000  }
0x92: {  	[sflag:s25] =	ssyncset.done $0x0  }
0x93: {  	s8 =	sadd.s32 $0x600, s7;
	[sflag:s25] =	ssyncadd.s32 $0xFFFFF000  }
0x94: {  	[tilespmem:s24], [sflag:$0x5] =	stream.indirect.gather [hbm4b:s1+s16], $0x20, s8, s16, $0xb8;
	[tilespmem:$0x12000] =	vst v63  }
0x95: {  	_ =	swait.ge [sflag:s28], $0x1000  }
0x96: {  	[sflag:s28] =	ssyncset.done $0x0  }
0x97: {  	s8 =	sadd.s32 $0x680, s7;
	[sflag:s28] =	ssyncadd.s32 $0xFFFFF000  }
0x98: {  	[tilespmem:s26], [sflag:$0x6] =	stream.indirect.gather [hbm4b:s1+s16], $0x20, s8, s16, $0xb8;
	[tilespmem:$0x12000] =	vst v63  }
0x99: {  	_ =	swait.ge [sflag:s30], $0x1000  }
0x9a: {  	[sflag:s30] =	ssyncset.done $0x0  }
0x9b: {  	s8 =	sadd.s32 $0x700, s7;
	[sflag:s30] =	ssyncadd.s32 $0xFFFFF000  }
0x9c: {  	[tilespmem:s29], [sflag:$0x7] =	stream.indirect.gather [hbm4b:s1+s16], $0x20, s8, s16, $0xb8;
	[tilespmem:$0x12000] =	vst v63  }
.Ltmp5:
0x9d: {  	_ = 	snop;
	(pc) =	sbr.rel .LBB2_3-.Ltmp5, $4  }
0x9e: {  	_ =	swait.ge [sflag:s5], $0x1000  }
0x9f: {  	[sflag:s5] =	ssyncset.done $0x0  }
0xa0: {  	s6 =	sadd.s32 $0x1000, s6;
	s8 =	sadd.s32 $0x780, s7;
	[sflag:s5] =	ssyncadd.s32 $0xFFFFF000  }
0xa1: {  	[tilespmem:s31], [sflag:$0x8] =	stream.indirect.gather [hbm4b:s1+s16], $0x20, s8, s16, $0xb8;
	[tilespmem:$0x12000] =	vst v63  }
.LBB2_7:
0xa2: {  	_ =	sfence.sel $0x180000  }
0xa3: {  	[bflag:$0x0] =	sbarrier.arrive $0xFFFF  }
0xa4: {  	_ =	strace $0x90000047  }
0xa5: {  	s0 =	stileid.u32;
	[bflag:$0x2] =	sbarrier.arrive $0xFFFF  }
0xa6: {  	p0 =	sne.s32 s0, $0x0;
	s0 =	rddreg [dreg:$0x3]  }
0xa7: {  	s0 =	sadd.s32 @!p0 $0x100000, s0  }
0xa8: {  	[sflag:s0] =	ssyncadd.tile.s32 @!p0 $0x1;
	_ =	shalt  }
.Lfunc_end2:
_tile_overlayer_lowered:
.L_overlay_start_2:
0xa9: {  	(tag) =	ssettag $0x2  }
0xaa: {  	s0 =	rddreg [dreg:$0x0];
	s2 =	stileid.u32  }
0xab: {  	s1 =	rddreg [dreg:$0x1];
	p0 =	sne.s32 s2, $0x0  }
0xac: {  	s3 =	rddreg [dreg:$0x2];
	[bflag:$0x3] =	sbarrier.arrive $0xFFFF;
	s2 =	simm.s32 @!p0 $0x1C11  }
0xad: {  	[timem:s3], [sflag:s2] =	dma.local @!p0 [hbm:s0], s1  }
0xae: {  	s0 =	simm.s32 @!p0 $0x11  }
0xaf: {  	_ =	swait.ge @!p0 [sflag:s0], s1  }
0xb0: {  	s1 =	ssub.s32 @!p0 $0x0, s1;
	[sflag:s0] =	ssyncset.done @!p0 $0x0  }
0xb1: {  	[sflag:s0] =	ssyncadd.s32 @!p0 s1  }
0xb2: {  	[bflag:$0x3] =	sbarrier.arrive $0xFFFF  }
0xb3: {  	_ =	shalt  }

// kernel: kernel.9.cloned.1.call-start
scs
__scs_entry_jumppad:
0x0: {  	(pc) =	sbr.rel $0x88, $3  }
0x1: {  	(tag) =	ssettag $0x0;
	lr =	simm.s32 $0x1  }
0x2: {  	[smem:$0x3F95] =	sst lr;
	_ =	strace $0xD0000000  }
0x3: {  	_ = 	snop  }
0x4: {  	_ = 	snop  }
0x5: {  	_ = 	snop  }
0x6: {  	_ = 	snop  }
0x7: {  	_ = 	snop  }
__scs_overlays_trampoline_lowered:
0x8: {  	[smem:$0x3FA4] =	sst s0  }
0x9: {  	[smem:$0x3FA5] =	sst s1  }
0xa: {  	[smem:$0x3FA6] =	sst s2  }
0xb: {  	[smem:$0x3FA7] =	sst s3  }
0xc: {  	[smem:$0x3FA8] =	sst s4  }
0xd: {  	[smem:$0x3FA9] =	sst s5  }
0xe: {  	[smem:$0x3FAA] =	sst s6  }
0xf: {  	[smem:$0x3FAB] =	sst s7  }
0x10: {  	[smem:$0x3FAC] =	sst s8  }
0x11: {  	[smem:$0x3FAD] =	sst s9;
	s0 =	simm.s32 @!p0 $0x0  }
0x12: {  	s1 =	sld [smem:$0x3F93];
	s0 =	simm.s32 @p0 $0x1  }
0x13: {  	[smem:$0x3FAE] =	sst s0;
	s0 =	simm.s32 @!p1 $0x0  }
0x14: {  	s2 =	sld [smem:$0x3F92];
	s0 =	simm.s32 @p1 $0x1  }
0x15: {  	[smem:$0x3FAF] =	sst s0;
	s0 =	simm.s32 @!p2 $0x0  }
0x16: {  	s3 =	sld [smem:$0x3FDB];
	s0 =	simm.s32 @p2 $0x1  }
0x17: {  	s4 =	simm.s32 $0x1BF5;
	[smem:$0x3FB1] =	sst s0  }
0x18: {  	s0 =	sld [smem:$0x3F94];
	_ =	swait.ge [sflag:s4], $0x0  }
0x19: {  	s7 =	sld [smem:$0x3F95]  }
0x1a: {  	s8 =	sadd.s32 $0xFFFFE003, lr  }
0x1b: {  	s9 =	sadd.s32 $0xFFFFFEF7, lr;
	s5 =	simm.s32 $0xFFFFFFFF;
	p2 =	slt.u32 s8, $0xFFFFF086  }
0x1c: {  	p1 =	slt.u32 s9, $0xF7A;
	s5 =	simm.s32 @!p2 $0x0  }
0x1d: {  	s5 =	simm.s32 @p1 $0x1;
	p0 =	seq.s32 s7, s2  }
0x1e: {  	s7 =	smul.u32 @!p0 $0xF7A, s2;
	p2 =	seq.s32 @!p0 s5, $0x0  }
0x1f: {  	s9 =	smul.u32 $0xF7A, s1;
	s8 =	simm.s32 @!p0 $0x1BF5;
	p2 =	por !p2, p0  }
0x20: {  	[sflag:s8] =	ssyncset.s32 @!p0 $0xFFFFF086;
	s6 =	sadd.s32 @!p0 s3, s7;
	s7 =	simm.s32 @!p0 $0x108  }
0x21: {  	s3 =	sadd.s32 s3, s9;
	s6 =	sadd.s32 @!p0 $0x88, s6;
	s7 =	simm.s32 @p2 $0x1082  }
0x22: {  	[simem:s7], [sflag:s8] =	dma.local @!p0 [hbm:s6], $0xF7A  }
0x23: {  	s9 =	sor.u32 $0xD0000000, s2;
	s6 =	simm.s32 $0x108;
	_ =	swait.ge @!p0 [sflag:s8], $0x0  }
0x24: {  	s3 =	sadd.s32 $0x88, s3;
	s6 =	simm.s32 @!p1 $0x1082;
	[sflag:s4] =	ssyncset.s32 $0xFFFFF086  }
0x25: {  	[simem:s6], [sflag:s4] =	dma.local [hbm:s3], $0xF7A  }
0x26: {  	[smem:$0x3F95] =	sst s1;
	(tag) =	ssettag s2;
	_ =	strace s9  }
0x27: {  	s1 =	sld [smem:$0x3FA5]  }
0x28: {  	s2 =	sld [smem:$0x3FA6]  }
0x29: {  	s4 =	sld [smem:$0x3FA8]  }
0x2a: {  	p0 =	seq.s32 s5, $0x0;
	s5 =	sld [smem:$0x3FA9]  }
0x2b: {  	s6 =	sld [smem:$0x3FAA]  }
0x2c: {  	s7 =	sld [smem:$0x3FAB]  }
0x2d: {  	s3 =	simm.s32 $0x108;
	s8 =	sld [smem:$0x3FAC]  }
0x2e: {  	s3 =	simm.s32 @!p0 $0x1082;
	s9 =	sld [smem:$0x3FAD]  }
0x2f: {  	lr =	sadd.s32 s0, s3;
	s0 =	sld [smem:$0x3FA4]  }
0x30: {  	s3 =	sld [smem:$0x3FA7]  }
0x31: {  	[smem:$0x3FB0] =	sst s10  }
0x32: {  	s10 =	sld [smem:$0x3FAE];
	_ =	sdelay $0x3  }
0x33: {  	p0 =	seq.s32 s10, $0x1;
	s10 =	sld [smem:$0x3FB0];
	_ =	sdelay $0x3  }
0x34: {  	[smem:$0x3FB0] =	sst s10  }
0x35: {  	s10 =	sld [smem:$0x3FAF];
	_ =	sdelay $0x3  }
0x36: {  	p1 =	seq.s32 s10, $0x1;
	s10 =	sld [smem:$0x3FB0];
	_ =	sdelay $0x3  }
0x37: {  	[smem:$0x3FB0] =	sst s10  }
0x38: {  	s10 =	sld [smem:$0x3FB1]  }
0x39: {  	_ = 	snop;
	(pc) =	sbr.ind lr, $3  }
0x3a: {  	_ = 	snop  }
0x3b: {  	_ = 	snop  }
0x3c: {  	p2 =	seq.s32 s10, $0x1;
	s10 =	sld [smem:$0x3FB0]  }
0x3d: {  	_ =	shalt  }
0x3e: {  	_ =	shalt  }
0x3f: {  	_ =	shalt  }
0x40: {  	_ =	shalt  }
0x41: {  	_ =	shalt  }
0x42: {  	_ =	shalt  }
0x43: {  	_ =	shalt  }
0x44: {  	_ =	shalt  }
0x45: {  	_ =	shalt  }
0x46: {  	_ =	shalt  }
0x47: {  	_ =	shalt  }
0x48: {  	_ =	shalt  }
0x49: {  	_ =	shalt  }
0x4a: {  	_ =	shalt  }
0x4b: {  	_ =	shalt  }
0x4c: {  	_ =	shalt  }
0x4d: {  	_ =	shalt  }
0x4e: {  	_ =	shalt  }
0x4f: {  	_ =	shalt  }
0x50: {  	_ =	shalt  }
0x51: {  	_ =	shalt  }
0x52: {  	_ =	shalt  }
0x53: {  	_ =	shalt  }
0x54: {  	_ =	shalt  }
0x55: {  	_ =	shalt  }
0x56: {  	_ =	shalt  }
0x57: {  	_ =	shalt  }
0x58: {  	_ =	shalt  }
0x59: {  	_ =	shalt  }
0x5a: {  	_ =	shalt  }
0x5b: {  	_ =	shalt  }
0x5c: {  	_ =	shalt  }
0x5d: {  	_ =	shalt  }
0x5e: {  	_ =	shalt  }
0x5f: {  	_ =	shalt  }
0x60: {  	_ =	shalt  }
0x61: {  	_ =	shalt  }
0x62: {  	_ =	shalt  }
0x63: {  	_ =	shalt  }
0x64: {  	_ =	shalt  }
0x65: {  	_ =	shalt  }
0x66: {  	_ =	shalt  }
0x67: {  	_ =	shalt  }
0x68: {  	_ =	shalt  }
0x69: {  	_ =	shalt  }
0x6a: {  	_ =	shalt  }
0x6b: {  	_ =	shalt  }
0x6c: {  	_ =	shalt  }
0x6d: {  	_ =	shalt  }
0x6e: {  	_ =	shalt  }
0x6f: {  	_ =	shalt  }
0x70: {  	_ =	shalt  }
0x71: {  	_ =	shalt  }
0x72: {  	_ =	shalt  }
0x73: {  	_ =	shalt  }
0x74: {  	_ =	shalt  }
0x75: {  	_ =	shalt  }
0x76: {  	_ =	shalt  }
0x77: {  	_ =	shalt  }
0x78: {  	_ =	shalt  }
0x79: {  	_ =	shalt  }
0x7a: {  	_ =	shalt  }
0x7b: {  	_ =	shalt  }
0x7c: {  	_ =	shalt  }
0x7d: {  	_ =	shalt  }
0x7e: {  	_ =	shalt  }
0x7f: {  	_ =	shalt  }
0x80: {  	_ =	shalt  }
0x81: {  	_ =	shalt  }
0x82: {  	_ =	shalt  }
0x83: {  	_ =	shalt  }
0x84: {  	_ =	shalt  }
0x85: {  	_ =	shalt  }
0x86: {  	_ =	shalt  }
0x87: {  	_ =	shalt  }
.Lfunc_end0:
.L_simem_size_0:
called_computation.1_lowered:
.L_overlay_start_0:
0x88: {  	s2 =	sld [smem:$0x3FD9]  }
0x89: {  	s3 =	sld [smem:$0x3FFE];
	_ =	sdelay $0x1  }
0x8a: {  	s1 =	srdreg.scid  }
0x8b: {  	s0 =	sand.u32 $0x1, s1  }
0x8c: {  	s17 =	sshll.u32 s0, $0xA;
	s2 =	sadd.s32 s3, s2  }
0x8d: {  	s2 =	sadd.s32 s2, s17  }
0x8e: {  	[smem:$0x3FBC] =	sst s2  }
0x8f: {  	_ = 	snop  }
0x90: {  	s2 =	sld [smem:$0x3FD0];
	(tm) =	ssettm $0x1  }
0x91: {  	s18 =	sld [smem:$0x3FFB];
	_ =	sdelay $0x3  }
0x92: {  	_ =	strace s18  }
0x93: {  	s3 =	sld [smem:$0x3FFC];
	_ =	sdelay $0x3  }
0x94: {  	_ =	strace s3  }
0x95: {  	s3 =	sld [smem:$0x3FFD];
	_ =	sdelay $0x3  }
0x96: {  	_ =	strace s3  }
0x97: {  	_ =	strace $0x8FFFFFFF  }
0x98: {  	s19 =	sld [smem:$0x3FDB];
	_ =	sdelay $0x1  }
0x99: {  	s4 =	simm.s32 $_scs_section_size  }
0x9a: {  	s5 =	simm.s32 $_size__tile_overlayer_lowered;
	s6 =	simm.s32 $_tile_overlayer_lowered  }
0x9b: {  	s22 =	simm.s32 $0x1BFF;
	s21 =	sshll.u32 s6, $0x1;
	s3 =	sadd.s32 s4, s19  }
0x9c: {  	s7 =	simm.s32 $0x0;
	s20 =	sshll.u32 s5, $0x1;
	s5 =	sadd.s32 s21, s3  }
0x9d: {  	[timem:s7], [sflag:s22] =	dma.local [hbm:s5], s20  }
0x9e: {  	_ =	swait.ge [sflag:s22], s20  }
0x9f: {  	s4 =	ssub.s32 $0x0, s20;
	[sflag:s22] =	ssyncset.done $0x0  }
0xa0: {  	[sflag:s22] =	ssyncadd.s32 s4;
	_ =	sdelay $0x1  }
0xa1: {  	s23 =	simm.s32 $0x1B8B  }
0xa2: {  	_ =	swait.ge [sflag:s23], $0x1  }
0xa3: {  	[sflag:s23] =	ssyncset.done $0x0  }
0xa4: {  	s25 =	simm.s32 $0x1B8E;
	s24 =	sld [smem:$0x3FFE];
	[sflag:s23] =	ssyncadd.s32 $0xFFFFFFFF  }
0xa5: {  	s26 =	simm.s32 $execute0_lowered;
	[smem:$0x3FD2] =	sst s25  }
0xa6: {  	s5 =	sshll.u32 s26, $0x1;
	_ =	strace $0x80000049;
	[dreg:$0x1] =	wrdreg $0xFFFFFFFF  }
0xa7: {  	s28 =	simm.s32 $_size_execute0_lowered;
	s3 =	sadd.s32 s3, s5;
	[dreg:$0x0] =	wrdreg $0x0  }
0xa8: {  	s5 =	sshll.u32 s28, $0x1;
	[dreg:$0x2] =	wrdreg s3  }
0xa9: {  	[dreg:$0x3] =	wrdreg s5  }
0xaa: {  	[dreg:$0x4] =	wrdreg $0xC0  }
0xab: {  	_ =	task [dreg:s7], $0x5FFFF  }
0xac: {  	[dreg:$0x1] =	wrdreg $0xFFFFFFFF  }
0xad: {  	[dreg:$0x0] =	wrdreg $0x60  }
0xae: {  	[dreg:$0x2] =	wrdreg s2  }
0xaf: {  	[dreg:$0x3] =	wrdreg s24  }
0xb0: {  	[dreg:$0x4] =	wrdreg $0xD0000  }
0xb1: {  	[dreg:$0x5] =	wrdreg $0x9  }
0xb2: {  	_ =	task.clear_ibuf [dreg:s7], $0x6FFFF;
	_ =	strace $0x90000049  }
0xb3: {  	s29 =	simm.s32 $0x9;
	_ =	strace $0x8000004B  }
0xb4: {  	_ =	swait.ge [sflag:s29], $0x1  }
0xb5: {  	[sflag:s29] =	ssyncadd.s32 $0xFFFFFFFF  }
0xb6: {  	_ =	strace $0x9000004B  }
0xb7: {  	_ =	sfence  }
0xb8: {  	s30 =	sld [smem:$0x0];
	_ =	sdelay $0x2  }
0xb9: {  	s31 =	sshll.u32 s1, $0xD;
	s1 =	sshrl.u32 s1, $0x2  }
0xba: {  	s3 =	sand.u32 $0x4000, s31;
	s1 =	sadd.s32 s1, s30  }
0xbb: {  	s0 =	sor.u32 s3, s0;
	s1 =	sshll.u32 s1, $0x11  }
0xbc: {  	s0 =	sor.u32 s1, s0  }
0xbd: {  	s0 =	sadd.s32 $0x8F2B, s0  }
0xbe: {  	[sflag:s0] =	ssyncadd.remote.s32 $0x1  }
0xbf: {  	_ =	sfence.sel $0xFFFF  }
0xc0: {  	[dreg:$0x0] =	wrdreg $0xFFFFFFFF;
	(pc) =	sbr.abs _section_cstart, $3  }
0xc1: {  	[dreg:$0x1] =	wrdreg $0xFFFFFFFF  }
0xc2: {  	_ =	task.clear_ibuf [dreg:s7], $0x2FFFF;
	_ =	strace $0x9FFFFFFF  }
0xc3: {  	(tm) =	ssettm $0x7FFFFFFF  }
tec
execute0_lowered:
.L_overlay_start_1:
0x0: {  	(tag) =	ssettag $0x1  }
0x1: {  	s2 =	rddreg [dreg:$0x0]  }
0x2: {  	s0 =	srdreg.scid;
	s4 =	rddreg [dreg:$0x1]  }
0x3: {  	s9 =	stileid.u32;
	s3 =	rddreg [dreg:$0x2]  }
0x4: {  	s7 =	simm.s32 $0x0;
	s14 =	simm.s32 $0x80;
	s15 =	simm.s32 $0x5000  }
0x5: {  	s16 =	simm.s32 $0x6000;
	s18 =	simm.s32 $0x7000;
	s20 =	simm.s32 $0x8000  }
0x6: {  	s29 =	simm.s32 $0xC000;
	s30 =	simm.s32 $0x1;
	s31 =	simm.s32 $0x2  }
0x7: {  	s13 =	simm.s32 $0x5;
	s17 =	simm.s32 $0x6;
	s19 =	simm.s32 $0x7  }
0x8: {  	s21 =	simm.s32 $0x8;
	s28 =	simm.s32 $0xB;
	s5 =	smul.u32 $0xA000, s9  }
0x9: {  	s10 =	simm.s32 $0x10;
	s0 =	sand.u32 $0x1, s0;
	s6 =	smul.u32 $0xA00, s9  }
0xa: {  	[smem:$0x7FF] =	sst s7;
	s25 =	sshll.u32 s9, $0x6;
	s1 =	sshll.u32 s0, $0x4  }
0xb: {  	s22 =	smul.u32 $0xA000, s0;
	_ =	strace $0x8000004A;
	s0 =	ssub.s32 $0x2, s0  }
0xc: {  	s11 =	sor.u32 $0x1C11, s25;
	s25 =	simm.s32 $0xA;
	s1 =	sor.u32 s9, s1  }
0xd: {  	s8 =	sshrl.u32 s5, $0x4;
	s24 =	sshrl.u32 s0, $0x1;
	s5 =	sshrl.u32 s5, $0x1  }
0xe: {  	s9 =	simm.s32 $0xF;
	[dreg:$0x5] =	wrdreg s11;
	s1 =	smul.u32 $0x500, s1  }
0xf: {  	s6 =	sadd.s32 s6, s22;
	s23 =	sadd.s32 s8, s4;
	s0 =	ssub.s32 s0, s24  }
0x10: {  	s5 =	sadd.s32 s5, s3;
	s22 =	simm.s32 $0x9000;
	s24 =	simm.s32 $0xA000  }
0x11: {  	s8 =	simm.s32 $0xE;
	s7 =	sadd.s32 $0x2600, s23;
	s0 =	smax.u32 s0, $0x1  }
0x12: {  	s12 =	sshrl.u32 s5, $0x3;
	s23 =	simm.s32 $0x9;
	[dreg:$0x4] =	wrdreg s7  }
0x13: {  	s1 =	sadd.s32 s1, s4;
	s4 =	sadd.s32 s6, s4;
	[dreg:$0x9] =	wrdreg s0  }
.Ltmp0:
0x14: {  	s6 =	simm.s32 $0x0;
	[dreg:$0xa] =	wrdreg s12;
	(pc) =	sbr.rel .LBB2_1-.Ltmp0, $4  }
0x15: {  	s5 =	simm.s32 $0xC;
	s26 =	sadd.s32 $0xC600, s1;
	[dreg:$0xb] =	wrdreg s6  }
0x16: {  	s0 =	simm.s32 $0x4;
	s1 =	sadd.s32 $0x2A600, s1;
	[dreg:$0x6] =	wrdreg s26  }
0x17: {  	s7 =	simm.s32 $0xD;
	s4 =	sadd.s32 $0x16600, s4;
	[dreg:$0x7] =	wrdreg s1  }
0x18: {  	[dreg:$0x8] =	wrdreg s4;
	s26 =	simm.s32 $0xB000;
	s1 =	simm.s32 $0x3  }
.LBB2_4:
0x19: {  	_ =	swait.ge [sflag:s25], $0x1000  }
0x1a: {  	[sflag:s25] =	ssyncset.done $0x0  }
0x1b: {  	[sflag:s25] =	ssyncadd.s32 $0xFFFFF000  }
0x1c: {  	_ =	swait.ge [sflag:s28], $0x1000  }
0x1d: {  	[sflag:s28] =	ssyncset.done $0x0  }
0x1e: {  	[sflag:s28] =	ssyncadd.s32 $0xFFFFF000  }
0x1f: {  	_ =	swait.ge [sflag:s5], $0x1000  }
0x20: {  	[sflag:s5] =	ssyncset.done $0x0  }
0x21: {  	[sflag:s5] =	ssyncadd.s32 $0xFFFFF000  }
0x22: {  	_ =	swait.ge [sflag:s7], $0x1000  }
0x23: {  	[sflag:s7] =	ssyncset.done $0x0  }
0x24: {  	[sflag:s7] =	ssyncadd.s32 $0xFFFFF000  }
0x25: {  	_ =	swait.ge [sflag:s8], $0x1000  }
0x26: {  	[sflag:s8] =	ssyncset.done $0x0  }
0x27: {  	[sflag:s8] =	ssyncadd.s32 $0xFFFFF000  }
0x28: {  	_ =	swait.ge [sflag:s9], $0x1000  }
0x29: {  	[sflag:s9] =	ssyncset.done $0x0  }
0x2a: {  	[sflag:s9] =	ssyncadd.s32 $0xFFFFF000  }
0x2b: {  	_ =	swait.ge [sflag:s10], $0x1000  }
0x2c: {  	[sflag:s10] =	ssyncset.done $0x0  }
0x2d: {  	[sflag:s10] =	ssyncadd.s32 $0xFFFFF000  }
0x2e: {  	[bflag:$0x0] =	sbarrier.arrive $0xFFFF  }
0x2f: {  	s11 =	rddreg [dreg:$0x5]  }
0x30: {  	s6 =	rddreg [dreg:$0x8]  }
0x31: {  	s12 =	rddreg [dreg:$0xa]  }
0x32: {  	[hbm:s6], [sflag:s11] =	dma.local [spmem:s12], $0xA00  }
0x33: {  	s6 =	simm.s32 $0x11  }
0x34: {  	_ =	swait.ge [sflag:s6], $0xA00  }
0x35: {  	s4 =	rddreg [dreg:$0xb]  }
0x36: {  	[sflag:s6] =	ssyncset.done $0x0;
	s6 =	rddreg [dreg:$0x9];
	s4 =	sadd.s32 $0x1, s4  }
0x37: {  	p0 =	sne.s32 s4, s6  }
.Ltmp1:
0x38: {  	_ = 	snop;
	(pc) =	sbr.rel @!p0 .LBB2_5-.Ltmp1, $3  }
0x39: {  	_ =	sdelay $0x1  }
0x3a: {  	s6 =	simm.s32 $0x11  }
0x3b: {  	[dreg:$0xb] =	wrdreg s4;
	[sflag:s6] =	ssyncadd.s32 $0xFFFFF600  }
.LBB2_1:
0x3c: {  	s4 =	simm.s32 $0x11;
	s6 =	rddreg [dreg:$0x4]  }
0x3d: {  	[spmem:s12], [sflag:s11] =	dma.local [hbm:s6], $0xA00  }
0x3e: {  	_ =	swait.ge [sflag:s4], $0xA00  }
0x3f: {  	[sflag:s4] =	ssyncset.done $0x0  }
0x40: {  	[sflag:s4] =	ssyncadd.s32 $0xFFFFF600  }
0x41: {  	[bflag:$0x0] =	sbarrier.arrive $0xFFFF  }
0x42: {  	s6 =	simm.s32 $0x0;
	s12 =	rddreg [dreg:$0x6]  }
0x43: {  	[tilespmem:s6], [sflag:$0x11] =	stream.linear.gather [hbm4b:s12+s6], $0x2800, $0x38;
	[tilespmem:$0x12000] =	vst v63  }
0x44: {  	_ =	swait.ge [sflag:s4], $0x2800  }
0x45: {  	[sflag:s4] =	ssyncset.done $0x0  }
0x46: {  	s12 =	simm.s32 $0x2800;
	s11 =	rddreg [dreg:$0x7];
	[sflag:s4] =	ssyncadd.s32 $0xFFFFD800  }
0x47: {  	[tilespmem:s12], [sflag:$0x11] =	stream.linear.gather [hbm4b:s11+s6], $0x2800, $0x38;
	[tilespmem:$0x12000] =	vst v63  }
0x48: {  	_ =	swait.ge [sflag:s4], $0x2800  }
0x49: {  	[sflag:s4] =	ssyncset.done $0x0  }
0x4a: {  	[sflag:s4] =	ssyncadd.s32 $0xFFFFD800  }
0x4b: {  	[tilespmem:s15], [sflag:$0x1] =	stream.indirect.gather [hbm4b:s2+s14], $0x20, s6, s14, $0xb8;
	[tilespmem:$0x12000] =	vst v63  }
0x4c: {  	_ = 	snop  }
0x4d: {  	[tilespmem:s16], [sflag:$0x2] =	stream.indirect.gather [hbm4b:s2+s14], $0x20, s14, s14, $0xb8;
	[tilespmem:$0x12000] =	vst v63  }
0x4e: {  	s6 =	simm.s32 $0x100  }
0x4f: {  	[tilespmem:s18], [sflag:$0x3] =	stream.indirect.gather [hbm4b:s2+s14], $0x20, s6, s14, $0xb8;
	[tilespmem:$0x12000] =	vst v63  }
0x50: {  	s11 =	simm.s32 $0x180  }
0x51: {  	[tilespmem:s20], [sflag:$0x4] =	stream.indirect.gather [hbm4b:s2+s14], $0x20, s11, s14, $0xb8;
	[tilespmem:$0x12000] =	vst v63  }
0x52: {  	s12 =	simm.s32 $0x200  }
0x53: {  	[tilespmem:s22], [sflag:$0x5] =	stream.indirect.gather [hbm4b:s2+s14], $0x20, s12, s14, $0xb8;
	[tilespmem:$0x12000] =	vst v63  }
0x54: {  	s6 =	simm.s32 $0x280  }
0x55: {  	[tilespmem:s24], [sflag:$0x6] =	stream.indirect.gather [hbm4b:s2+s14], $0x20, s6, s14, $0xb8;
	[tilespmem:$0x12000] =	vst v63  }
0x56: {  	s11 =	simm.s32 $0x300  }
0x57: {  	[tilespmem:s26], [sflag:$0x7] =	stream.indirect.gather [hbm4b:s2+s14], $0x20, s11, s14, $0xb8;
	[tilespmem:$0x12000] =	vst v63  }
0x58: {  	s12 =	simm.s32 $0x380;
	s6 =	simm.s32 $0x0  }
0x59: {  	[tilespmem:s29], [sflag:$0x8] =	stream.indirect.gather [hbm4b:s2+s14], $0x20, s12, s14, $0xb8;
	[tilespmem:$0x12000] =	vst v63  }
.LBB2_2:
0x5a: {  	_ =	swait.ge [sflag:s30], $0x1000  }
0x5b: {  	s11 =	sshra.s32 s6, $0x2;
	[sflag:s30] =	ssyncset.done $0x0  }
0x5c: {  	s12 =	sadd.s32 $0x2800, s11;
	[sflag:s30] =	ssyncadd.s32 $0xFFFFF000  }
0x5d: {  	[spmem:s3] =	stream.indirect.scatter.add.bf16 [tilespmem:s15], [sflag:$0x9], $0x20, s12, s14, $0xb8;
	[tilespmem:$0x12000] =	vst v63  }
0x5e: {  	_ =	swait.ge [sflag:s31], $0x1000  }
0x5f: {  	[sflag:s31] =	ssyncset.done $0x0  }
0x60: {  	s4 =	sadd.s32 $0x2880, s11;
	[sflag:s31] =	ssyncadd.s32 $0xFFFFF000  }
0x61: {  	[spmem:s3] =	stream.indirect.scatter.add.bf16 [tilespmem:s16], [sflag:$0xA], $0x20, s4, s14, $0xb8;
	[tilespmem:$0x12000] =	vst v63  }
0x62: {  	_ =	swait.ge [sflag:s1], $0x1000  }
0x63: {  	[sflag:s1] =	ssyncset.done $0x0  }
0x64: {  	s4 =	sadd.s32 $0x2900, s11;
	[sflag:s1] =	ssyncadd.s32 $0xFFFFF000  }
0x65: {  	[spmem:s3] =	stream.indirect.scatter.add.bf16 [tilespmem:s18], [sflag:$0xB], $0x20, s4, s14, $0xb8;
	[tilespmem:$0x12000] =	vst v63  }
0x66: {  	_ =	swait.ge [sflag:s0], $0x1000  }
0x67: {  	[sflag:s0] =	ssyncset.done $0x0  }
0x68: {  	s4 =	sadd.s32 $0x2980, s11;
	[sflag:s0] =	ssyncadd.s32 $0xFFFFF000  }
0x69: {  	[spmem:s3] =	stream.indirect.scatter.add.bf16 [tilespmem:s20], [sflag:$0xC], $0x20, s4, s14, $0xb8;
	[tilespmem:$0x12000] =	vst v63  }
0x6a: {  	_ =	swait.ge [sflag:s13], $0x1000  }
0x6b: {  	[sflag:s13] =	ssyncset.done $0x0  }
0x6c: {  	s4 =	sadd.s32 $0x2A00, s11;
	[sflag:s13] =	ssyncadd.s32 $0xFFFFF000  }
0x6d: {  	[spmem:s3] =	stream.indirect.scatter.add.bf16 [tilespmem:s22], [sflag:$0xD], $0x20, s4, s14, $0xb8;
	[tilespmem:$0x12000] =	vst v63  }
0x6e: {  	_ =	swait.ge [sflag:s17], $0x1000  }
0x6f: {  	[sflag:s17] =	ssyncset.done $0x0  }
0x70: {  	s4 =	sadd.s32 $0x2A80, s11;
	[sflag:s17] =	ssyncadd.s32 $0xFFFFF000  }
0x71: {  	[spmem:s3] =	stream.indirect.scatter.add.bf16 [tilespmem:s24], [sflag:$0xE], $0x20, s4, s14, $0xb8;
	[tilespmem:$0x12000] =	vst v63  }
0x72: {  	_ =	swait.ge [sflag:s19], $0x1000  }
0x73: {  	[sflag:s19] =	ssyncset.done $0x0  }
0x74: {  	s4 =	sadd.s32 $0x2B00, s11;
	[sflag:s19] =	ssyncadd.s32 $0xFFFFF000  }
0x75: {  	[spmem:s3] =	stream.indirect.scatter.add.bf16 [tilespmem:s26], [sflag:$0xF], $0x20, s4, s14, $0xb8;
	[tilespmem:$0x12000] =	vst v63  }
0x76: {  	_ =	swait.ge [sflag:s21], $0x1000  }
0x77: {  	p0 =	seq.s32 s6, $0x9000;
	[sflag:s21] =	ssyncset.done $0x0  }
.Ltmp2:
0x78: {  	s4 =	sadd.s32 $0x2B80, s11;
	[sflag:s21] =	ssyncadd.s32 $0xFFFFF000;
	(pc) =	sbr.rel @p0 .LBB2_4-.Ltmp2, $4  }
0x79: {  	[spmem:s3] =	stream.indirect.scatter.add.bf16 [tilespmem:s29], [sflag:$0x10], $0x20, s4, s14, $0xb8;
	[tilespmem:$0x12000] =	vst v63  }
0x7a: {  	_ =	swait.ge [sflag:s23], $0x1000  }
0x7b: {  	[sflag:s23] =	ssyncset.done $0x0  }
0x7c: {  	[sflag:s23] =	ssyncadd.s32 $0xFFFFF000  }
0x7d: {  	s12 =	sadd.s32 $0x400, s11  }
0x7e: {  	[tilespmem:s15], [sflag:$0x1] =	stream.indirect.gather [hbm4b:s2+s14], $0x20, s12, s14, $0xb8;
	[tilespmem:$0x12000] =	vst v63  }
0x7f: {  	_ =	swait.ge [sflag:s25], $0x1000  }
0x80: {  	[sflag:s25] =	ssyncset.done $0x0  }
0x81: {  	s4 =	sadd.s32 $0x480, s11;
	[sflag:s25] =	ssyncadd.s32 $0xFFFFF000  }
0x82: {  	[tilespmem:s16], [sflag:$0x2] =	stream.indirect.gather [hbm4b:s2+s14], $0x20, s4, s14, $0xb8;
	[tilespmem:$0x12000] =	vst v63  }
0x83: {  	_ =	swait.ge [sflag:s28], $0x1000  }
0x84: {  	[sflag:s28] =	ssyncset.done $0x0  }
0x85: {  	s4 =	sadd.s32 $0x500, s11;
	[sflag:s28] =	ssyncadd.s32 $0xFFFFF000  }
0x86: {  	[tilespmem:s18], [sflag:$0x3] =	stream.indirect.gather [hbm4b:s2+s14], $0x20, s4, s14, $0xb8;
	[tilespmem:$0x12000] =	vst v63  }
0x87: {  	_ =	swait.ge [sflag:s5], $0x1000  }
0x88: {  	[sflag:s5] =	ssyncset.done $0x0  }
0x89: {  	s4 =	sadd.s32 $0x580, s11;
	[sflag:s5] =	ssyncadd.s32 $0xFFFFF000  }
0x8a: {  	[tilespmem:s20], [sflag:$0x4] =	stream.indirect.gather [hbm4b:s2+s14], $0x20, s4, s14, $0xb8;
	[tilespmem:$0x12000] =	vst v63  }
0x8b: {  	_ =	swait.ge [sflag:s7], $0x1000  }
0x8c: {  	[sflag:s7] =	ssyncset.done $0x0  }
0x8d: {  	s4 =	sadd.s32 $0x600, s11;
	[sflag:s7] =	ssyncadd.s32 $0xFFFFF000  }
0x8e: {  	[tilespmem:s22], [sflag:$0x5] =	stream.indirect.gather [hbm4b:s2+s14], $0x20, s4, s14, $0xb8;
	[tilespmem:$0x12000] =	vst v63  }
0x8f: {  	_ =	swait.ge [sflag:s8], $0x1000  }
0x90: {  	[sflag:s8] =	ssyncset.done $0x0  }
0x91: {  	s4 =	sadd.s32 $0x680, s11;
	[sflag:s8] =	ssyncadd.s32 $0xFFFFF000  }
0x92: {  	[tilespmem:s24], [sflag:$0x6] =	stream.indirect.gather [hbm4b:s2+s14], $0x20, s4, s14, $0xb8;
	[tilespmem:$0x12000] =	vst v63  }
0x93: {  	_ =	swait.ge [sflag:s9], $0x1000  }
0x94: {  	[sflag:s9] =	ssyncset.done $0x0  }
0x95: {  	s4 =	sadd.s32 $0x700, s11;
	[sflag:s9] =	ssyncadd.s32 $0xFFFFF000  }
0x96: {  	[tilespmem:s26], [sflag:$0x7] =	stream.indirect.gather [hbm4b:s2+s14], $0x20, s4, s14, $0xb8;
	[tilespmem:$0x12000] =	vst v63  }
.Ltmp3:
0x97: {  	_ = 	snop;
	(pc) =	sbr.rel .LBB2_2-.Ltmp3, $4  }
0x98: {  	_ =	swait.ge [sflag:s10], $0x1000  }
0x99: {  	[sflag:s10] =	ssyncset.done $0x0  }
0x9a: {  	s6 =	sadd.s32 $0x1000, s6;
	s12 =	sadd.s32 $0x780, s11;
	[sflag:s10] =	ssyncadd.s32 $0xFFFFF000  }
0x9b: {  	[tilespmem:s29], [sflag:$0x8] =	stream.indirect.gather [hbm4b:s2+s14], $0x20, s12, s14, $0xb8;
	[tilespmem:$0x12000] =	vst v63  }
.LBB2_5:
0x9c: {  	_ =	sfence.sel $0x180000  }
0x9d: {  	[bflag:$0x0] =	sbarrier.arrive $0xFFFF  }
0x9e: {  	_ =	strace $0x9000004A  }
0x9f: {  	s0 =	stileid.u32;
	[bflag:$0x2] =	sbarrier.arrive $0xFFFF  }
0xa0: {  	p0 =	sne.s32 s0, $0x0;
	s0 =	rddreg [dreg:$0x3]  }
0xa1: {  	s0 =	sadd.s32 @!p0 $0x100000, s0  }
0xa2: {  	[sflag:s0] =	ssyncadd.tile.s32 @!p0 $0x1;
	_ =	shalt  }
.Lfunc_end2:
_tile_overlayer_lowered:
.L_overlay_start_2:
0xa3: {  	(tag) =	ssettag $0x2  }
0xa4: {  	s0 =	rddreg [dreg:$0x0];
	s2 =	stileid.u32  }
0xa5: {  	s1 =	rddreg [dreg:$0x1];
	p0 =	sne.s32 s2, $0x0  }
0xa6: {  	s3 =	rddreg [dreg:$0x2];
	[bflag:$0x3] =	sbarrier.arrive $0xFFFF;
	s2 =	simm.s32 @!p0 $0x1C11  }
0xa7: {  	[timem:s3], [sflag:s2] =	dma.local @!p0 [hbm:s0], s1  }
0xa8: {  	s0 =	simm.s32 @!p0 $0x11  }
0xa9: {  	_ =	swait.ge @!p0 [sflag:s0], s1  }
0xaa: {  	s1 =	ssub.s32 @!p0 $0x0, s1;
	[sflag:s0] =	ssyncset.done @!p0 $0x0  }
0xab: {  	[sflag:s0] =	ssyncadd.s32 @!p0 s1  }
0xac: {  	[bflag:$0x3] =	sbarrier.arrive $0xFFFF  }
0xad: {  	_ =	shalt  }

</sc_bundles>
